<compile_context>
chip_gen: v7x
topology: tpu7x:2x2x1
jax: 0.10.2.dev20260603
libtpu: 0.0.44.dev20260713+nightly
codegen_flags: <defaults>
</compile_context>

<pallas_src>
import functools

import jax
import jax.numpy as jnp
from jax import lax
from jax.experimental import pallas as pl
from jax.experimental.pallas import tpu as pltpu
from jax.experimental.pallas import tpu_sc as plsc

_B, _L, _M, _D, _H = 4, 2048, 16, 768, 512
_SEG_A, _SEG_B = 8, 16
_NTOK = _SEG_A + _SEG_B
_NP = _B * _M
_NW = 16
_PPW = _NP // _NW
_ROWS = _PPW * _NTOK
_HALF = _ROWS // 2


def _sc_gather_body(idx_hbm, txt_hbm, out_hbm, idx_v, rows_v, mean_v,
                    stage_v, sem0, sem1):
    s = lax.axis_index("s")
    wid = s

    pltpu.sync_copy(idx_hbm.at[pl.ds(wid * _ROWS, _ROWS)], idx_v)
    copy0 = pltpu.make_async_copy(
        txt_hbm.at[idx_v.at[pl.ds(0, _HALF)]],
        rows_v.at[pl.ds(0, _HALF)], sem0)
    copy1 = pltpu.make_async_copy(
        txt_hbm.at[idx_v.at[pl.ds(_HALF, _HALF)]],
        rows_v.at[pl.ds(_HALF, _HALF)], sem1)
    copy0.start()
    copy1.start()
    copy0.wait()

    def reduce_pair(pair):
        def chunk2(ci, carry):
            for half in range(2):
                col = (ci * 2 + half) * 16
                base = pair * _NTOK
                accs = [rows_v[base + a, pl.ds(col, 16)] for a in range(4)]
                for r in range(4, _NTOK):
                    accs[r % 4] = accs[r % 4] + rows_v[base + r, pl.ds(col, 16)]
                tot = (accs[0] + accs[1]) + (accs[2] + accs[3])
                mean_v[pair, pl.ds(col, 16)] = tot * (1.0 / _NTOK)
            return carry
        lax.fori_loop(0, _D // 32, chunk2, 0)

    reduce_pair(0)
    reduce_pair(1)
    copy1.wait()
    reduce_pair(2)
    reduce_pair(3)

    pltpu.sync_copy(mean_v.at[pl.ds(0, _PPW)], stage_v.at[pl.ds(s * _PPW, _PPW)])
    plsc.subcore_barrier()

    @pl.when(s < 8)
    def _write_out():
        pltpu.sync_copy(stage_v.at[pl.ds(s * 8, 8)], rows_v.at[pl.ds(0, 8)])
        pltpu.sync_copy(rows_v.at[pl.ds(0, 8)],
                        out_hbm.at[pl.ds(s * 8, 8)])


_sc_gather = functools.partial(
    pl.kernel,
    mesh=plsc.VectorSubcoreMesh(core_axis_name="c", subcore_axis_name="s",
                                num_cores=1),
    out_type=jax.ShapeDtypeStruct((_NP, _D), jnp.float32),
    scratch_types=[
        pltpu.VMEM((_ROWS,), jnp.int32),
        pltpu.VMEM((_ROWS, _D), jnp.float32),
        pltpu.VMEM((_PPW, _D), jnp.float32),
        pltpu.VMEM_SHARED((_NP, _D), jnp.float32),
        pltpu.SemaphoreType.DMA,
        pltpu.SemaphoreType.DMA,
    ],
)(_sc_gather_body)


def _mlp_body(imag_ref, flags_ref, w1_ref, w2_ref, w3_ref,
              proj_ref, out_imag_ref):
    x = imag_ref[...]
    h = jnp.maximum(jnp.dot(x, w1_ref[...], preferred_element_type=jnp.float32), 0.0)
    h = jnp.maximum(jnp.dot(h, w2_ref[...], preferred_element_type=jnp.float32), 0.0)
    p = jnp.dot(h, w3_ref[...], preferred_element_type=jnp.float32)
    proj_ref[...] = p
    out_imag_ref[...] = jnp.where(flags_ref[...] > 0.0, p, x)


def _combine_body(proj_ref, means_ref, flags_ref, out_loss_ref):
    p = proj_ref[...]
    m = means_ref[...]
    fl = flags_ref[...]
    pn = jnp.sqrt(jnp.sum(p * p, axis=1, keepdims=True))
    mn = jnp.sqrt(jnp.sum(m * m, axis=1, keepdims=True))
    denom = jnp.maximum(pn, 1e-8) * jnp.maximum(mn, 1e-8)
    cos = jnp.sum(p * m, axis=1, keepdims=True) / denom
    loss = jnp.sum(fl * (1.0 - cos), axis=0, keepdims=True)
    cnt = jnp.sum(fl, axis=0, keepdims=True)
    out_loss_ref[...] = jnp.where(cnt > 0.0, loss / jnp.maximum(cnt, 1.0), 0.0)


def kernel(align_txt_embeds, txt_masks, align_imagine_embeds, imagine_masks,
           sub_instr_segs, noun_phrase_segs, sub_instr_imag_flag, W1, W2, W3):
    segs = jnp.asarray(noun_phrase_segs).astype(jnp.int32)
    s_a = jnp.clip(segs[:, :, 0, 0], 0, _L - _SEG_A)
    s_b = jnp.clip(segs[:, :, 1, 0], 0, _L - _SEG_B)
    base = (jnp.arange(_B, dtype=jnp.int32) * _L)[:, None]
    idx_a = (s_a + base)[..., None] + jnp.arange(_SEG_A, dtype=jnp.int32)
    idx_b = (s_b + base)[..., None] + jnp.arange(_SEG_B, dtype=jnp.int32)
    row_idx = jnp.concatenate([idx_a, idx_b], axis=-1).reshape(-1)
    txt_flat = align_txt_embeds.reshape(_B * _L, _D)

    means = _sc_gather(row_idx, txt_flat)

    flags = jnp.asarray(sub_instr_imag_flag).astype(jnp.float32).reshape(_NP, 1)
    imag = align_imagine_embeds.reshape(_NP, _D)

    proj, out_imag = pl.pallas_call(
        _mlp_body,
        out_shape=[
            jax.ShapeDtypeStruct((_NP, _D), jnp.float32),
            jax.ShapeDtypeStruct((_NP, _D), jnp.float32),
        ],
    )(imag, flags, W1, W2, W3)

    out_loss = pl.pallas_call(
        _combine_body,
        out_shape=jax.ShapeDtypeStruct((1, 1), jnp.float32),
    )(proj, means, flags)

    return (out_loss.reshape(()), out_imag.reshape(_B, _M, _D))

# --- scband reference (transcript-rebuilt; emitter-appended) ---
"""Pipeline reference for scband-align-with-contrastive-loss-23862838296625 (READ-ONLY COPY).

The authoritative reference and input builder live on the scoring server;
editing this copy changes nothing except your own understanding.
"""

import jax, jax.numpy as jnp
import numpy as np
from jax import lax

B, L, M, D, H = 4, 2048, 16, 768, 512

_NP_SEG_LENS = (8, 16)


def _mlp(x, W1, W2, W3):
    # MLPProjectionHead in eval mode (dropout p=0.15 is identity at inference)
    h = jnp.maximum(x @ W1, 0.0)
    h = jnp.maximum(h @ W2, 0.0)
    return h @ W3


def setup_inputs(seed: int = 0) -> dict:
    key = jax.random.key(seed)
    k1, k2, k3, k4, k5 = jax.random.split(key, 5)
    align_txt_embeds = jax.random.normal(k1, (B, L, D), dtype=jnp.float32)
    txt_masks = jnp.ones((B, L), dtype=bool)
    align_imagine_embeds = jax.random.normal(k2, (B, M, D), dtype=jnp.float32)
    imagine_masks = jnp.ones((B, M), dtype=bool)
    # deterministic, valid segment structure: sub-instr i covers tokens [i*128, i*128+127]
    base = np.arange(M, dtype=np.int64) * 128
    sub_instr_segs = np.stack([base, base + 127], axis=1)
    sub_instr_segs = np.broadcast_to(sub_instr_segs, (B, M, 2)).astype(np.int32).copy()
    np0 = np.stack([base + 4, base + 11], axis=1)
    np1 = np.stack([base + 60, base + 75], axis=1)
    noun_phrase_segs = np.stack([np0, np1], axis=1)  # [M, 2, 2]
    noun_phrase_segs = np.broadcast_to(noun_phrase_segs, (B, M, 2, 2)).astype(np.int32).copy()
    sub_instr_imag_flag = np.ones((B, M), dtype=bool)
    s = 0.02
    W1 = (jax.random.normal(k3, (D, H), dtype=jnp.float32) * s)
    W2 = (jax.random.normal(k4, (H, H), dtype=jnp.float32) * s)
    W3 = (jax.random.normal(k5, (H, D), dtype=jnp.float32) * s)
    return {
        "align_txt_embeds": align_txt_embeds,
        "txt_masks": txt_masks,
        "align_imagine_embeds": align_imagine_embeds,
        "imagine_masks": imagine_masks,
        "sub_instr_segs": sub_instr_segs,
        "noun_phrase_segs": noun_phrase_segs,
        "sub_instr_imag_flag": sub_instr_imag_flag,
        "W1": W1,
        "W2": W2,
        "W3": W3,
    }


def reference(align_txt_embeds, txt_masks, align_imagine_embeds, imagine_masks,
              sub_instr_segs, noun_phrase_segs, sub_instr_imag_flag, W1, W2, W3):
    flags = jnp.asarray(sub_instr_imag_flag)
    np_segs = jnp.asarray(noun_phrase_segs)
    new_imagine = align_imagine_embeds
    losses = []
    nb, nm = flags.shape
    for b in range(nb):
        for i in range(nm):
            flag = flags[b, i]
            imagine_proj = _mlp(align_imagine_embeds[b, i], W1, W2, W3)
            toks = []
            for j in range(np_segs.shape[2]):
                s0 = np_segs[b, i, j, 0]
                toks.append(lax.dynamic_slice_in_dim(align_txt_embeds[b], s0, _NP_SEG_LENS[j], axis=0))
            all_np = jnp.concatenate(toks, axis=0)
            mean_np = jnp.mean(all_np, axis=0)
            new_imagine = new_imagine.at[b, i].set(
                jnp.where(flag, imagine_proj, new_imagine[b, i]))
            denom = jnp.maximum(jnp.linalg.norm(imagine_proj), 1e-8) * jnp.maximum(jnp.linalg.norm(mean_np), 1e-8)
            cos = jnp.sum(imagine_proj * mean_np) / denom
            losses.append(jnp.where(flag, 1.0 - cos, 0.0))
    cnt = jnp.sum(flags).astype(jnp.float32)
    total = jnp.sum(jnp.stack(losses))
    net_loss = jnp.where(cnt > 0, total / jnp.maximum(cnt, 1.0),
                         jnp.asarray(0.0, dtype=jnp.float32))
    return (net_loss, new_imagine)

if __name__ == "__main__":
    import jax
    _d = setup_inputs()
    print(jax.jit(kernel)(*tuple(_d.values())))

</pallas_src>

<mosaic_0001>
#map = affine_map<(d0, d1) -> (0)>
#map1 = affine_map<(d0, d1) -> (0, 0)>
module attributes {stable_mosaic.version = 14 : i64} {
  func.func @_sc_gather_body(%arg0: i32, %arg1: i32, %arg2: memref<1536xi32, #tpu.memory_space<hbm>>, %arg3: memref<8192x768xf32, #tpu.memory_space<hbm>>, %arg4: memref<64x768xf32, #tpu.memory_space<hbm>>, %arg5: memref<96xi32, #tpu.memory_space<vmem>>, %arg6: memref<96x768xf32, #tpu.memory_space<vmem>>, %arg7: memref<4x768xf32, #tpu.memory_space<vmem>>, %arg8: memref<64x768xf32, #tpu.memory_space<vmem_shared>>, %arg9: memref<!tpu.dma_semaphore, #tpu.memory_space<semaphore_mem>>, %arg10: memref<!tpu.dma_semaphore, #tpu.memory_space<semaphore_mem>>) attributes {dimension_semantics = [#tpu.dimension_semantics<core_parallel>, #tpu.dimension_semantics<subcore_parallel>], iteration_bounds = array<i64: 1, 16>, scalar_prefetch = 0 : i64, scratch_operands = 6 : i64, tpu.core_type = #tpu.core_type<sc_vector_subcore>, window_params = [{transform_indices = #map}, {transform_indices = #map1}, {transform_indices = #map1}]} {
    %mul3A = arith.constant 96 : i32
    %mul3A_0 = arith.muli %arg1, %mul3A : i32
    "tpu.region"() ({
      %run_scoped3A = tpu.sem_alloc : memref<!tpu.dma_semaphore, #tpu.memory_space<semaphore_mem>>
      %dma_start3A_58 = tpu.memref_slice %arg2[%mul3A_0] : memref<1536xi32, #tpu.memory_space<hbm>> -> memref<96xi32, #tpu.memory_space<hbm>>
      %dma_start3A_59 = tpu.memref_slice %arg2[%mul3A_0] : memref<1536xi32, #tpu.memory_space<hbm>> -> memref<96xi32, #tpu.memory_space<hbm>>
      tpu.enqueue_dma source(%dma_start3A_59 : memref<96xi32, #tpu.memory_space<hbm>>) target(%arg5 : memref<96xi32, #tpu.memory_space<vmem>>) target_semaphore(%run_scoped3A : memref<!tpu.dma_semaphore, #tpu.memory_space<semaphore_mem>>)
      %dma_wait3A_60 = tpu.memref_slice %arg2[%mul3A_0] : memref<1536xi32, #tpu.memory_space<hbm>> -> memref<96xi32, #tpu.memory_space<hbm>>
      %dma_wait3A_61 = tpu.memref_slice %arg2[%mul3A_0] : memref<1536xi32, #tpu.memory_space<hbm>> -> memref<96xi32, #tpu.memory_space<hbm>>
      tpu.wait_dma2 semaphore(%run_scoped3A : memref<!tpu.dma_semaphore, #tpu.memory_space<semaphore_mem>>) src(%dma_wait3A_61 : memref<96xi32, #tpu.memory_space<hbm>>) dst(%arg5 : memref<96xi32, #tpu.memory_space<vmem>>)
      tpu.yield
    }) : () -> ()
    %dma_start3A = arith.constant 0 : i32
    %dma_start3A_1 = arith.constant 0 : i32
    %dma_start3A_2 = tpu.memref_slice %arg6[%dma_start3A, %dma_start3A_1] : memref<96x768xf32, #tpu.memory_space<vmem>> -> memref<48x768xf32, #tpu.memory_space<vmem>>
    %dma_start3A_3 = arith.constant 0 : i32
    %dma_start3A_4 = tpu.memref_slice %arg5[%dma_start3A_3] : memref<96xi32, #tpu.memory_space<vmem>> -> memref<48xi32, #tpu.memory_space<vmem>>
    %dma_start3A_5 = arith.constant 0 : i32
    %dma_start3A_6 = arith.constant 0 : i32
    %dma_start3A_7 = tpu.memref_slice %arg3[%dma_start3A_5, %dma_start3A_6] : memref<8192x768xf32, #tpu.memory_space<hbm>> -> memref<8192x768xf32, #tpu.memory_space<hbm>>
    tpu.enqueue_indirect_dma source(%dma_start3A_7 : memref<8192x768xf32, #tpu.memory_space<hbm>>) target(%dma_start3A_2 : memref<48x768xf32, #tpu.memory_space<vmem>>) offsets(%dma_start3A_4 : memref<48xi32, #tpu.memory_space<vmem>>) semaphore(%arg9 : memref<!tpu.dma_semaphore, #tpu.memory_space<semaphore_mem>>)
    %dma_start3A_8 = arith.constant 48 : i32
    %dma_start3A_9 = arith.constant 0 : i32
    %dma_start3A_10 = tpu.memref_slice %arg6[%dma_start3A_8, %dma_start3A_9] : memref<96x768xf32, #tpu.memory_space<vmem>> -> memref<48x768xf32, #tpu.memory_space<vmem>>
    %dma_start3A_11 = arith.constant 48 : i32
    %dma_start3A_12 = tpu.memref_slice %arg5[%dma_start3A_11] : memref<96xi32, #tpu.memory_space<vmem>> -> memref<48xi32, #tpu.memory_space<vmem>>
    %dma_start3A_13 = arith.constant 0 : i32
    %dma_start3A_14 = arith.constant 0 : i32
    %dma_start3A_15 = tpu.memref_slice %arg3[%dma_start3A_13, %dma_start3A_14] : memref<8192x768xf32, #tpu.memory_space<hbm>> -> memref<8192x768xf32, #tpu.memory_space<hbm>>
    tpu.enqueue_indirect_dma source(%dma_start3A_15 : memref<8192x768xf32, #tpu.memory_space<hbm>>) target(%dma_start3A_10 : memref<48x768xf32, #tpu.memory_space<vmem>>) offsets(%dma_start3A_12 : memref<48xi32, #tpu.memory_space<vmem>>) semaphore(%arg10 : memref<!tpu.dma_semaphore, #tpu.memory_space<semaphore_mem>>)
    %dma_wait3A = arith.constant 0 : i32
    %dma_wait3A_16 = arith.constant 0 : i32
    %dma_wait3A_17 = tpu.memref_slice %arg6[%dma_wait3A, %dma_wait3A_16] : memref<96x768xf32, #tpu.memory_space<vmem>> -> memref<48x768xf32, #tpu.memory_space<vmem>>
    %dma_wait3A_18 = arith.constant 0 : i32
    %dma_wait3A_19 = tpu.memref_slice %arg5[%dma_wait3A_18] : memref<96xi32, #tpu.memory_space<vmem>> -> memref<48xi32, #tpu.memory_space<vmem>>
    %dma_wait3A_20 = arith.constant 0 : i32
    %dma_wait3A_21 = arith.constant 0 : i32
    %dma_wait3A_22 = tpu.memref_slice %arg3[%dma_wait3A_20, %dma_wait3A_21] : memref<8192x768xf32, #tpu.memory_space<hbm>> -> memref<8192x768xf32, #tpu.memory_space<hbm>>
    tpu.wait_indirect_dma semaphore(%arg9 : memref<!tpu.dma_semaphore, #tpu.memory_space<semaphore_mem>>) src(%dma_wait3A_22 : memref<8192x768xf32, #tpu.memory_space<hbm>>) dst(%dma_wait3A_17 : memref<48x768xf32, #tpu.memory_space<vmem>>)
    %scan3A = arith.constant 0 : i32
    %scan3A_23 = arith.constant 0 : i32
    %scan3A_24 = arith.constant 24 : i32
    %scan3A_25 = arith.addi %scan3A_23, %scan3A_24 : i32
    %scan3A_26 = arith.constant 1 : i32
    scf.for %scan3A_58 = %scan3A_23 to %scan3A_25 step %scan3A_26  : i32 {
      %mul3A_59 = arith.constant 2 : i32
      %mul3A_60 = arith.muli %scan3A_58, %mul3A_59 : i32
      %add3A = arith.constant 0 : i32
      %add3A_61 = arith.addi %mul3A_60, %add3A : i32
      %mul3A_62 = arith.constant 16 : i32
      %mul3A_63 = arith.muli %add3A_61, %mul3A_62 : i32
      %get3A = arith.constant 0 : i32
      %get3A_64 = arith.index_cast %get3A : i32 to index
      %get3A_65 = arith.index_cast %mul3A_63 : i32 to index
      %get3A_66 = tpu.vector_load %arg6[%get3A_64, %get3A_65] {strides = array<i32>} : memref<96x768xf32, #tpu.memory_space<vmem>>, vector<1x16xf32>,
      %get3A_67 = vector.shape_cast %get3A_66 : vector<1x16xf32> to vector<16xf32>
      %get3A_68 = arith.constant 1 : i32
      %get3A_69 = arith.index_cast %get3A_68 : i32 to index
      %get3A_70 = arith.index_cast %mul3A_63 : i32 to index
      %get3A_71 = tpu.vector_load %arg6[%get3A_69, %get3A_70] {strides = array<i32>} : memref<96x768xf32, #tpu.memory_space<vmem>>, vector<1x16xf32>,
      %get3A_72 = vector.shape_cast %get3A_71 : vector<1x16xf32> to vector<16xf32>
      %get3A_73 = arith.constant 2 : i32
      %get3A_74 = arith.index_cast %get3A_73 : i32 to index
      %get3A_75 = arith.index_cast %mul3A_63 : i32 to index
      %get3A_76 = tpu.vector_load %arg6[%get3A_74, %get3A_75] {strides = array<i32>} : memref<96x768xf32, #tpu.memory_space<vmem>>, vector<1x16xf32>,
      %get3A_77 = vector.shape_cast %get3A_76 : vector<1x16xf32> to vector<16xf32>
      %get3A_78 = arith.constant 3 : i32
      %get3A_79 = arith.index_cast %get3A_78 : i32 to index
      %get3A_80 = arith.index_cast %mul3A_63 : i32 to index
      %get3A_81 = tpu.vector_load %arg6[%get3A_79, %get3A_80] {strides = array<i32>} : memref<96x768xf32, #tpu.memory_space<vmem>>, vector<1x16xf32>,
      %get3A_82 = vector.shape_cast %get3A_81 : vector<1x16xf32> to vector<16xf32>
      %get3A_83 = arith.constant 4 : i32
      %get3A_84 = arith.index_cast %get3A_83 : i32 to index
      %get3A_85 = arith.index_cast %mul3A_63 : i32 to index
      %get3A_86 = tpu.vector_load %arg6[%get3A_84, %get3A_85] {strides = array<i32>} : memref<96x768xf32, #tpu.memory_space<vmem>>, vector<1x16xf32>,
      %get3A_87 = vector.shape_cast %get3A_86 : vector<1x16xf32> to vector<16xf32>
      %add3A_88 = arith.addf %get3A_67, %get3A_87 : vector<16xf32>
      %get3A_89 = arith.constant 5 : i32
      %get3A_90 = arith.index_cast %get3A_89 : i32 to index
      %get3A_91 = arith.index_cast %mul3A_63 : i32 to index
      %get3A_92 = tpu.vector_load %arg6[%get3A_90, %get3A_91] {strides = array<i32>} : memref<96x768xf32, #tpu.memory_space<vmem>>, vector<1x16xf32>,
      %get3A_93 = vector.shape_cast %get3A_92 : vector<1x16xf32> to vector<16xf32>
      %add3A_94 = arith.addf %get3A_72, %get3A_93 : vector<16xf32>
      %get3A_95 = arith.constant 6 : i32
      %get3A_96 = arith.index_cast %get3A_95 : i32 to index
      %get3A_97 = arith.index_cast %mul3A_63 : i32 to index
      %get3A_98 = tpu.vector_load %arg6[%get3A_96, %get3A_97] {strides = array<i32>} : memref<96x768xf32, #tpu.memory_space<vmem>>, vector<1x16xf32>,
      %get3A_99 = vector.shape_cast %get3A_98 : vector<1x16xf32> to vector<16xf32>
      %add3A_100 = arith.addf %get3A_77, %get3A_99 : vector<16xf32>
      %get3A_101 = arith.constant 7 : i32
      %get3A_102 = arith.index_cast %get3A_101 : i32 to index
      %get3A_103 = arith.index_cast %mul3A_63 : i32 to index
      %get3A_104 = tpu.vector_load %arg6[%get3A_102, %get3A_103] {strides = array<i32>} : memref<96x768xf32, #tpu.memory_space<vmem>>, vector<1x16xf32>,
      %get3A_105 = vector.shape_cast %get3A_104 : vector<1x16xf32> to vector<16xf32>
      %add3A_106 = arith.addf %get3A_82, %get3A_105 : vector<16xf32>
      %get3A_107 = arith.constant 8 : i32
      %get3A_108 = arith.index_cast %get3A_107 : i32 to index
      %get3A_109 = arith.index_cast %mul3A_63 : i32 to index
      %get3A_110 = tpu.vector_load %arg6[%get3A_108, %get3A_109] {strides = array<i32>} : memref<96x768xf32, #tpu.memory_space<vmem>>, vector<1x16xf32>,
      %get3A_111 = vector.shape_cast %get3A_110 : vector<1x16xf32> to vector<16xf32>
      %add3A_112 = arith.addf %add3A_88, %get3A_111 : vector<16xf32>
      %get3A_113 = arith.constant 9 : i32
      %get3A_114 = arith.index_cast %get3A_113 : i32 to index
      %get3A_115 = arith.index_cast %mul3A_63 : i32 to index
      %get3A_116 = tpu.vector_load %arg6[%get3A_114, %get3A_115] {strides = array<i32>} : memref<96x768xf32, #tpu.memory_space<vmem>>, vector<1x16xf32>,
      %get3A_117 = vector.shape_cast %get3A_116 : vector<1x16xf32> to vector<16xf32>
      %add3A_118 = arith.addf %add3A_94, %get3A_117 : vector<16xf32>
      %get3A_119 = arith.constant 10 : i32
      %get3A_120 = arith.index_cast %get3A_119 : i32 to index
      %get3A_121 = arith.index_cast %mul3A_63 : i32 to index
      %get3A_122 = tpu.vector_load %arg6[%get3A_120, %get3A_121] {strides = array<i32>} : memref<96x768xf32, #tpu.memory_space<vmem>>, vector<1x16xf32>,
      %get3A_123 = vector.shape_cast %get3A_122 : vector<1x16xf32> to vector<16xf32>
      %add3A_124 = arith.addf %add3A_100, %get3A_123 : vector<16xf32>
      %get3A_125 = arith.constant 11 : i32
      %get3A_126 = arith.index_cast %get3A_125 : i32 to index
      %get3A_127 = arith.index_cast %mul3A_63 : i32 to index
      %get3A_128 = tpu.vector_load %arg6[%get3A_126, %get3A_127] {strides = array<i32>} : memref<96x768xf32, #tpu.memory_space<vmem>>, vector<1x16xf32>,
      %get3A_129 = vector.shape_cast %get3A_128 : vector<1x16xf32> to vector<16xf32>
      %add3A_130 = arith.addf %add3A_106, %get3A_129 : vector<16xf32>
      %get3A_131 = arith.constant 12 : i32
      %get3A_132 = arith.index_cast %get3A_131 : i32 to index
      %get3A_133 = arith.index_cast %mul3A_63 : i32 to index
      %get3A_134 = tpu.vector_load %arg6[%get3A_132, %get3A_133] {strides = array<i32>} : memref<96x768xf32, #tpu.memory_space<vmem>>, vector<1x16xf32>,
      %get3A_135 = vector.shape_cast %get3A_134 : vector<1x16xf32> to vector<16xf32>
      %add3A_136 = arith.addf %add3A_112, %get3A_135 : vector<16xf32>
      %get3A_137 = arith.constant 13 : i32
      %get3A_138 = arith.index_cast %get3A_137 : i32 to index
      %get3A_139 = arith.index_cast %mul3A_63 : i32 to index
      %get3A_140 = tpu.vector_load %arg6[%get3A_138, %get3A_139] {strides = array<i32>} : memref<96x768xf32, #tpu.memory_space<vmem>>, vector<1x16xf32>,
      %get3A_141 = vector.shape_cast %get3A_140 : vector<1x16xf32> to vector<16xf32>
      %add3A_142 = arith.addf %add3A_118, %get3A_141 : vector<16xf32>
      %get3A_143 = arith.constant 14 : i32
      %get3A_144 = arith.index_cast %get3A_143 : i32 to index
      %get3A_145 = arith.index_cast %mul3A_63 : i32 to index
      %get3A_146 = tpu.vector_load %arg6[%get3A_144, %get3A_145] {strides = array<i32>} : memref<96x768xf32, #tpu.memory_space<vmem>>, vector<1x16xf32>,
      %get3A_147 = vector.shape_cast %get3A_146 : vector<1x16xf32> to vector<16xf32>
      %add3A_148 = arith.addf %add3A_124, %get3A_147 : vector<16xf32>
      %get3A_149 = arith.constant 15 : i32
      %get3A_150 = arith.index_cast %get3A_149 : i32 to index
      %get3A_151 = arith.index_cast %mul3A_63 : i32 to index
      %get3A_152 = tpu.vector_load %arg6[%get3A_150, %get3A_151] {strides = array<i32>} : memref<96x768xf32, #tpu.memory_space<vmem>>, vector<1x16xf32>,
      %get3A_153 = vector.shape_cast %get3A_152 : vector<1x16xf32> to vector<16xf32>
      %add3A_154 = arith.addf %add3A_130, %get3A_153 : vector<16xf32>
      %get3A_155 = arith.constant 16 : i32
      %get3A_156 = arith.index_cast %get3A_155 : i32 to index
      %get3A_157 = arith.index_cast %mul3A_63 : i32 to index
      %get3A_158 = tpu.vector_load %arg6[%get3A_156, %get3A_157] {strides = array<i32>} : memref<96x768xf32, #tpu.memory_space<vmem>>, vector<1x16xf32>,
      %get3A_159 = vector.shape_cast %get3A_158 : vector<1x16xf32> to vector<16xf32>
      %add3A_160 = arith.addf %add3A_136, %get3A_159 : vector<16xf32>
      %get3A_161 = arith.constant 17 : i32
      %get3A_162 = arith.index_cast %get3A_161 : i32 to index
      %get3A_163 = arith.index_cast %mul3A_63 : i32 to index
      %get3A_164 = tpu.vector_load %arg6[%get3A_162, %get3A_163] {strides = array<i32>} : memref<96x768xf32, #tpu.memory_space<vmem>>, vector<1x16xf32>,
      %get3A_165 = vector.shape_cast %get3A_164 : vector<1x16xf32> to vector<16xf32>
      %add3A_166 = arith.addf %add3A_142, %get3A_165 : vector<16xf32>
      %get3A_167 = arith.constant 18 : i32
      %get3A_168 = arith.index_cast %get3A_167 : i32 to index
      %get3A_169 = arith.index_cast %mul3A_63 : i32 to index
      %get3A_170 = tpu.vector_load %arg6[%get3A_168, %get3A_169] {strides = array<i32>} : memref<96x768xf32, #tpu.memory_space<vmem>>, vector<1x16xf32>,
      %get3A_171 = vector.shape_cast %get3A_170 : vector<1x16xf32> to vector<16xf32>
      %add3A_172 = arith.addf %add3A_148, %get3A_171 : vector<16xf32>
      %get3A_173 = arith.constant 19 : i32
      %get3A_174 = arith.index_cast %get3A_173 : i32 to index
      %get3A_175 = arith.index_cast %mul3A_63 : i32 to index
      %get3A_176 = tpu.vector_load %arg6[%get3A_174, %get3A_175] {strides = array<i32>} : memref<96x768xf32, #tpu.memory_space<vmem>>, vector<1x16xf32>,
      %get3A_177 = vector.shape_cast %get3A_176 : vector<1x16xf32> to vector<16xf32>
      %add3A_178 = arith.addf %add3A_154, %get3A_177 : vector<16xf32>
      %get3A_179 = arith.constant 20 : i32
      %get3A_180 = arith.index_cast %get3A_179 : i32 to index
      %get3A_181 = arith.index_cast %mul3A_63 : i32 to index
      %get3A_182 = tpu.vector_load %arg6[%get3A_180, %get3A_181] {strides = array<i32>} : memref<96x768xf32, #tpu.memory_space<vmem>>, vector<1x16xf32>,
      %get3A_183 = vector.shape_cast %get3A_182 : vector<1x16xf32> to vector<16xf32>
      %add3A_184 = arith.addf %add3A_160, %get3A_183 : vector<16xf32>
      %get3A_185 = arith.constant 21 : i32
      %get3A_186 = arith.index_cast %get3A_185 : i32 to index
      %get3A_187 = arith.index_cast %mul3A_63 : i32 to index
      %get3A_188 = tpu.vector_load %arg6[%get3A_186, %get3A_187] {strides = array<i32>} : memref<96x768xf32, #tpu.memory_space<vmem>>, vector<1x16xf32>,
      %get3A_189 = vector.shape_cast %get3A_188 : vector<1x16xf32> to vector<16xf32>
      %add3A_190 = arith.addf %add3A_166, %get3A_189 : vector<16xf32>
      %get3A_191 = arith.constant 22 : i32
      %get3A_192 = arith.index_cast %get3A_191 : i32 to index
      %get3A_193 = arith.index_cast %mul3A_63 : i32 to index
      %get3A_194 = tpu.vector_load %arg6[%get3A_192, %get3A_193] {strides = array<i32>} : memref<96x768xf32, #tpu.memory_space<vmem>>, vector<1x16xf32>,
      %get3A_195 = vector.shape_cast %get3A_194 : vector<1x16xf32> to vector<16xf32>
      %add3A_196 = arith.addf %add3A_172, %get3A_195 : vector<16xf32>
      %get3A_197 = arith.constant 23 : i32
      %get3A_198 = arith.index_cast %get3A_197 : i32 to index
      %get3A_199 = arith.index_cast %mul3A_63 : i32 to index
      %get3A_200 = tpu.vector_load %arg6[%get3A_198, %get3A_199] {strides = array<i32>} : memref<96x768xf32, #tpu.memory_space<vmem>>, vector<1x16xf32>,
      %get3A_201 = vector.shape_cast %get3A_200 : vector<1x16xf32> to vector<16xf32>
      %add3A_202 = arith.addf %add3A_178, %get3A_201 : vector<16xf32>
      %add3A_203 = arith.addf %add3A_184, %add3A_190 : vector<16xf32>
      %add3A_204 = arith.addf %add3A_196, %add3A_202 : vector<16xf32>
      %add3A_205 = arith.addf %add3A_203, %add3A_204 : vector<16xf32>
      %mul3A_206 = arith.constant 0.0416666679 : f32
      %mul3A_207 = vector.broadcast %mul3A_206 : f32 to vector<16xf32>
      %mul3A_208 = arith.mulf %add3A_205, %mul3A_207 : vector<16xf32>
      %swap3A = arith.constant 0 : i32
      %swap3A_209 = arith.index_cast %swap3A : i32 to index
      %swap3A_210 = arith.index_cast %mul3A_63 : i32 to index
      %swap3A_211 = tpu.vector_load %arg7[%swap3A_209, %swap3A_210] {strides = array<i32>} : memref<4x768xf32, #tpu.memory_space<vmem>>, vector<1x16xf32>,
      %swap3A_212 = vector.shape_cast %swap3A_211 : vector<1x16xf32> to vector<16xf32>
      %swap3A_213 = vector.shape_cast %mul3A_208 : vector<16xf32> to vector<1x16xf32>
      tpu.vector_store %arg7[%swap3A_209, %swap3A_210], %swap3A_213 {strides = array<i32>} : memref<4x768xf32, #tpu.memory_space<vmem>>, vector<1x16xf32>,
      %mul3A_214 = arith.constant 2 : i32
      %mul3A_215 = arith.muli %scan3A_58, %mul3A_214 : i32
      %add3A_216 = arith.constant 1 : i32
      %add3A_217 = arith.addi %mul3A_215, %add3A_216 : i32
      %mul3A_218 = arith.constant 16 : i32
      %mul3A_219 = arith.muli %add3A_217, %mul3A_218 : i32
      %get3A_220 = arith.constant 0 : i32
      %get3A_221 = arith.index_cast %get3A_220 : i32 to index
      %get3A_222 = arith.index_cast %mul3A_219 : i32 to index
      %get3A_223 = tpu.vector_load %arg6[%get3A_221, %get3A_222] {strides = array<i32>} : memref<96x768xf32, #tpu.memory_space<vmem>>, vector<1x16xf32>,
      %get3A_224 = vector.shape_cast %get3A_223 : vector<1x16xf32> to vector<16xf32>
      %get3A_225 = arith.constant 1 : i32
      %get3A_226 = arith.index_cast %get3A_225 : i32 to index
      %get3A_227 = arith.index_cast %mul3A_219 : i32 to index
      %get3A_228 = tpu.vector_load %arg6[%get3A_226, %get3A_227] {strides = array<i32>} : memref<96x768xf32, #tpu.memory_space<vmem>>, vector<1x16xf32>,
      %get3A_229 = vector.shape_cast %get3A_228 : vector<1x16xf32> to vector<16xf32>
      %get3A_230 = arith.constant 2 : i32
      %get3A_231 = arith.index_cast %get3A_230 : i32 to index
      %get3A_232 = arith.index_cast %mul3A_219 : i32 to index
      %get3A_233 = tpu.vector_load %arg6[%get3A_231, %get3A_232] {strides = array<i32>} : memref<96x768xf32, #tpu.memory_space<vmem>>, vector<1x16xf32>,
      %get3A_234 = vector.shape_cast %get3A_233 : vector<1x16xf32> to vector<16xf32>
      %get3A_235 = arith.constant 3 : i32
      %get3A_236 = arith.index_cast %get3A_235 : i32 to index
      %get3A_237 = arith.index_cast %mul3A_219 : i32 to index
      %get3A_238 = tpu.vector_load %arg6[%get3A_236, %get3A_237] {strides = array<i32>} : memref<96x768xf32, #tpu.memory_space<vmem>>, vector<1x16xf32>,
      %get3A_239 = vector.shape_cast %get3A_238 : vector<1x16xf32> to vector<16xf32>
      %get3A_240 = arith.constant 4 : i32
      %get3A_241 = arith.index_cast %get3A_240 : i32 to index
      %get3A_242 = arith.index_cast %mul3A_219 : i32 to index
      %get3A_243 = tpu.vector_load %arg6[%get3A_241, %get3A_242] {strides = array<i32>} : memref<96x768xf32, #tpu.memory_space<vmem>>, vector<1x16xf32>,
      %get3A_244 = vector.shape_cast %get3A_243 : vector<1x16xf32> to vector<16xf32>
      %add3A_245 = arith.addf %get3A_224, %get3A_244 : vector<16xf32>
      %get3A_246 = arith.constant 5 : i32
      %get3A_247 = arith.index_cast %get3A_246 : i32 to index
      %get3A_248 = arith.index_cast %mul3A_219 : i32 to index
      %get3A_249 = tpu.vector_load %arg6[%get3A_247, %get3A_248] {strides = array<i32>} : memref<96x768xf32, #tpu.memory_space<vmem>>, vector<1x16xf32>,
      %get3A_250 = vector.shape_cast %get3A_249 : vector<1x16xf32> to vector<16xf32>
      %add3A_251 = arith.addf %get3A_229, %get3A_250 : vector<16xf32>
      %get3A_252 = arith.constant 6 : i32
      %get3A_253 = arith.index_cast %get3A_252 : i32 to index
      %get3A_254 = arith.index_cast %mul3A_219 : i32 to index
      %get3A_255 = tpu.vector_load %arg6[%get3A_253, %get3A_254] {strides = array<i32>} : memref<96x768xf32, #tpu.memory_space<vmem>>, vector<1x16xf32>,
      %get3A_256 = vector.shape_cast %get3A_255 : vector<1x16xf32> to vector<16xf32>
      %add3A_257 = arith.addf %get3A_234, %get3A_256 : vector<16xf32>
      %get3A_258 = arith.constant 7 : i32
      %get3A_259 = arith.index_cast %get3A_258 : i32 to index
      %get3A_260 = arith.index_cast %mul3A_219 : i32 to index
      %get3A_261 = tpu.vector_load %arg6[%get3A_259, %get3A_260] {strides = array<i32>} : memref<96x768xf32, #tpu.memory_space<vmem>>, vector<1x16xf32>,
      %get3A_262 = vector.shape_cast %get3A_261 : vector<1x16xf32> to vector<16xf32>
      %add3A_263 = arith.addf %get3A_239, %get3A_262 : vector<16xf32>
      %get3A_264 = arith.constant 8 : i32
      %get3A_265 = arith.index_cast %get3A_264 : i32 to index
      %get3A_266 = arith.index_cast %mul3A_219 : i32 to index
      %get3A_267 = tpu.vector_load %arg6[%get3A_265, %get3A_266] {strides = array<i32>} : memref<96x768xf32, #tpu.memory_space<vmem>>, vector<1x16xf32>,
      %get3A_268 = vector.shape_cast %get3A_267 : vector<1x16xf32> to vector<16xf32>
      %add3A_269 = arith.addf %add3A_245, %get3A_268 : vector<16xf32>
      %get3A_270 = arith.constant 9 : i32
      %get3A_271 = arith.index_cast %get3A_270 : i32 to index
      %get3A_272 = arith.index_cast %mul3A_219 : i32 to index
      %get3A_273 = tpu.vector_load %arg6[%get3A_271, %get3A_272] {strides = array<i32>} : memref<96x768xf32, #tpu.memory_space<vmem>>, vector<1x16xf32>,
      %get3A_274 = vector.shape_cast %get3A_273 : vector<1x16xf32> to vector<16xf32>
      %add3A_275 = arith.addf %add3A_251, %get3A_274 : vector<16xf32>
      %get3A_276 = arith.constant 10 : i32
      %get3A_277 = arith.index_cast %get3A_276 : i32 to index
      %get3A_278 = arith.index_cast %mul3A_219 : i32 to index
      %get3A_279 = tpu.vector_load %arg6[%get3A_277, %get3A_278] {strides = array<i32>} : memref<96x768xf32, #tpu.memory_space<vmem>>, vector<1x16xf32>,
      %get3A_280 = vector.shape_cast %get3A_279 : vector<1x16xf32> to vector<16xf32>
      %add3A_281 = arith.addf %add3A_257, %get3A_280 : vector<16xf32>
      %get3A_282 = arith.constant 11 : i32
      %get3A_283 = arith.index_cast %get3A_282 : i32 to index
      %get3A_284 = arith.index_cast %mul3A_219 : i32 to index
      %get3A_285 = tpu.vector_load %arg6[%get3A_283, %get3A_284] {strides = array<i32>} : memref<96x768xf32, #tpu.memory_space<vmem>>, vector<1x16xf32>,
      %get3A_286 = vector.shape_cast %get3A_285 : vector<1x16xf32> to vector<16xf32>
      %add3A_287 = arith.addf %add3A_263, %get3A_286 : vector<16xf32>
      %get3A_288 = arith.constant 12 : i32
      %get3A_289 = arith.index_cast %get3A_288 : i32 to index
      %get3A_290 = arith.index_cast %mul3A_219 : i32 to index
      %get3A_291 = tpu.vector_load %arg6[%get3A_289, %get3A_290] {strides = array<i32>} : memref<96x768xf32, #tpu.memory_space<vmem>>, vector<1x16xf32>,
      %get3A_292 = vector.shape_cast %get3A_291 : vector<1x16xf32> to vector<16xf32>
      %add3A_293 = arith.addf %add3A_269, %get3A_292 : vector<16xf32>
      %get3A_294 = arith.constant 13 : i32
      %get3A_295 = arith.index_cast %get3A_294 : i32 to index
      %get3A_296 = arith.index_cast %mul3A_219 : i32 to index
      %get3A_297 = tpu.vector_load %arg6[%get3A_295, %get3A_296] {strides = array<i32>} : memref<96x768xf32, #tpu.memory_space<vmem>>, vector<1x16xf32>,
      %get3A_298 = vector.shape_cast %get3A_297 : vector<1x16xf32> to vector<16xf32>
      %add3A_299 = arith.addf %add3A_275, %get3A_298 : vector<16xf32>
      %get3A_300 = arith.constant 14 : i32
      %get3A_301 = arith.index_cast %get3A_300 : i32 to index
      %get3A_302 = arith.index_cast %mul3A_219 : i32 to index
      %get3A_303 = tpu.vector_load %arg6[%get3A_301, %get3A_302] {strides = array<i32>} : memref<96x768xf32, #tpu.memory_space<vmem>>, vector<1x16xf32>,
      %get3A_304 = vector.shape_cast %get3A_303 : vector<1x16xf32> to vector<16xf32>
      %add3A_305 = arith.addf %add3A_281, %get3A_304 : vector<16xf32>
      %get3A_306 = arith.constant 15 : i32
      %get3A_307 = arith.index_cast %get3A_306 : i32 to index
      %get3A_308 = arith.index_cast %mul3A_219 : i32 to index
      %get3A_309 = tpu.vector_load %arg6[%get3A_307, %get3A_308] {strides = array<i32>} : memref<96x768xf32, #tpu.memory_space<vmem>>, vector<1x16xf32>,
      %get3A_310 = vector.shape_cast %get3A_309 : vector<1x16xf32> to vector<16xf32>
      %add3A_311 = arith.addf %add3A_287, %get3A_310 : vector<16xf32>
      %get3A_312 = arith.constant 16 : i32
      %get3A_313 = arith.index_cast %get3A_312 : i32 to index
      %get3A_314 = arith.index_cast %mul3A_219 : i32 to index
      %get3A_315 = tpu.vector_load %arg6[%get3A_313, %get3A_314] {strides = array<i32>} : memref<96x768xf32, #tpu.memory_space<vmem>>, vector<1x16xf32>,
      %get3A_316 = vector.shape_cast %get3A_315 : vector<1x16xf32> to vector<16xf32>
      %add3A_317 = arith.addf %add3A_293, %get3A_316 : vector<16xf32>
      %get3A_318 = arith.constant 17 : i32
      %get3A_319 = arith.index_cast %get3A_318 : i32 to index
      %get3A_320 = arith.index_cast %mul3A_219 : i32 to index
      %get3A_321 = tpu.vector_load %arg6[%get3A_319, %get3A_320] {strides = array<i32>} : memref<96x768xf32, #tpu.memory_space<vmem>>, vector<1x16xf32>,
      %get3A_322 = vector.shape_cast %get3A_321 : vector<1x16xf32> to vector<16xf32>
      %add3A_323 = arith.addf %add3A_299, %get3A_322 : vector<16xf32>
      %get3A_324 = arith.constant 18 : i32
      %get3A_325 = arith.index_cast %get3A_324 : i32 to index
      %get3A_326 = arith.index_cast %mul3A_219 : i32 to index
      %get3A_327 = tpu.vector_load %arg6[%get3A_325, %get3A_326] {strides = array<i32>} : memref<96x768xf32, #tpu.memory_space<vmem>>, vector<1x16xf32>,
      %get3A_328 = vector.shape_cast %get3A_327 : vector<1x16xf32> to vector<16xf32>
      %add3A_329 = arith.addf %add3A_305, %get3A_328 : vector<16xf32>
      %get3A_330 = arith.constant 19 : i32
      %get3A_331 = arith.index_cast %get3A_330 : i32 to index
      %get3A_332 = arith.index_cast %mul3A_219 : i32 to index
      %get3A_333 = tpu.vector_load %arg6[%get3A_331, %get3A_332] {strides = array<i32>} : memref<96x768xf32, #tpu.memory_space<vmem>>, vector<1x16xf32>,
      %get3A_334 = vector.shape_cast %get3A_333 : vector<1x16xf32> to vector<16xf32>
      %add3A_335 = arith.addf %add3A_311, %get3A_334 : vector<16xf32>
      %get3A_336 = arith.constant 20 : i32
      %get3A_337 = arith.index_cast %get3A_336 : i32 to index
      %get3A_338 = arith.index_cast %mul3A_219 : i32 to index
      %get3A_339 = tpu.vector_load %arg6[%get3A_337, %get3A_338] {strides = array<i32>} : memref<96x768xf32, #tpu.memory_space<vmem>>, vector<1x16xf32>,
      %get3A_340 = vector.shape_cast %get3A_339 : vector<1x16xf32> to vector<16xf32>
      %add3A_341 = arith.addf %add3A_317, %get3A_340 : vector<16xf32>
      %get3A_342 = arith.constant 21 : i32
      %get3A_343 = arith.index_cast %get3A_342 : i32 to index
      %get3A_344 = arith.index_cast %mul3A_219 : i32 to index
      %get3A_345 = tpu.vector_load %arg6[%get3A_343, %get3A_344] {strides = array<i32>} : memref<96x768xf32, #tpu.memory_space<vmem>>, vector<1x16xf32>,
      %get3A_346 = vector.shape_cast %get3A_345 : vector<1x16xf32> to vector<16xf32>
      %add3A_347 = arith.addf %add3A_323, %get3A_346 : vector<16xf32>
      %get3A_348 = arith.constant 22 : i32
      %get3A_349 = arith.index_cast %get3A_348 : i32 to index
      %get3A_350 = arith.index_cast %mul3A_219 : i32 to index
      %get3A_351 = tpu.vector_load %arg6[%get3A_349, %get3A_350] {strides = array<i32>} : memref<96x768xf32, #tpu.memory_space<vmem>>, vector<1x16xf32>,
      %get3A_352 = vector.shape_cast %get3A_351 : vector<1x16xf32> to vector<16xf32>
      %add3A_353 = arith.addf %add3A_329, %get3A_352 : vector<16xf32>
      %get3A_354 = arith.constant 23 : i32
      %get3A_355 = arith.index_cast %get3A_354 : i32 to index
      %get3A_356 = arith.index_cast %mul3A_219 : i32 to index
      %get3A_357 = tpu.vector_load %arg6[%get3A_355, %get3A_356] {strides = array<i32>} : memref<96x768xf32, #tpu.memory_space<vmem>>, vector<1x16xf32>,
      %get3A_358 = vector.shape_cast %get3A_357 : vector<1x16xf32> to vector<16xf32>
      %add3A_359 = arith.addf %add3A_335, %get3A_358 : vector<16xf32>
      %add3A_360 = arith.addf %add3A_341, %add3A_347 : vector<16xf32>
      %add3A_361 = arith.addf %add3A_353, %add3A_359 : vector<16xf32>
      %add3A_362 = arith.addf %add3A_360, %add3A_361 : vector<16xf32>
      %mul3A_363 = arith.constant 0.0416666679 : f32
      %mul3A_364 = vector.broadcast %mul3A_363 : f32 to vector<16xf32>
      %mul3A_365 = arith.mulf %add3A_362, %mul3A_364 : vector<16xf32>
      %swap3A_366 = arith.constant 0 : i32
      %swap3A_367 = arith.index_cast %swap3A_366 : i32 to index
      %swap3A_368 = arith.index_cast %mul3A_219 : i32 to index
      %swap3A_369 = tpu.vector_load %arg7[%swap3A_367, %swap3A_368] {strides = array<i32>} : memref<4x768xf32, #tpu.memory_space<vmem>>, vector<1x16xf32>,
      %swap3A_370 = vector.shape_cast %swap3A_369 : vector<1x16xf32> to vector<16xf32>
      %swap3A_371 = vector.shape_cast %mul3A_365 : vector<16xf32> to vector<1x16xf32>
      tpu.vector_store %arg7[%swap3A_367, %swap3A_368], %swap3A_371 {strides = array<i32>} : memref<4x768xf32, #tpu.memory_space<vmem>>, vector<1x16xf32>,
    }
    %scan3A_27 = arith.constant 24 : i32
    %scan3A_28 = arith.constant 0 : i32
    %scan3A_29 = arith.constant 0 : i32
    %scan3A_30 = arith.constant 24 : i32
    %scan3A_31 = arith.addi %scan3A_29, %scan3A_30 : i32
    %scan3A_32 = arith.constant 1 : i32
    scf.for %scan3A_58 = %scan3A_29 to %scan3A_31 step %scan3A_32  : i32 {
      %mul3A_59 = arith.constant 2 : i32
      %mul3A_60 = arith.muli %scan3A_58, %mul3A_59 : i32
      %add3A = arith.constant 0 : i32
      %add3A_61 = arith.addi %mul3A_60, %add3A : i32
      %mul3A_62 = arith.constant 16 : i32
      %mul3A_63 = arith.muli %add3A_61, %mul3A_62 : i32
      %get3A = arith.constant 24 : i32
      %get3A_64 = arith.index_cast %get3A : i32 to index
      %get3A_65 = arith.index_cast %mul3A_63 : i32 to index
      %get3A_66 = tpu.vector_load %arg6[%get3A_64, %get3A_65] {strides = array<i32>} : memref<96x768xf32, #tpu.memory_space<vmem>>, vector<1x16xf32>,
      %get3A_67 = vector.shape_cast %get3A_66 : vector<1x16xf32> to vector<16xf32>
      %get3A_68 = arith.constant 25 : i32
      %get3A_69 = arith.index_cast %get3A_68 : i32 to index
      %get3A_70 = arith.index_cast %mul3A_63 : i32 to index
      %get3A_71 = tpu.vector_load %arg6[%get3A_69, %get3A_70] {strides = array<i32>} : memref<96x768xf32, #tpu.memory_space<vmem>>, vector<1x16xf32>,
      %get3A_72 = vector.shape_cast %get3A_71 : vector<1x16xf32> to vector<16xf32>
      %get3A_73 = arith.constant 26 : i32
      %get3A_74 = arith.index_cast %get3A_73 : i32 to index
      %get3A_75 = arith.index_cast %mul3A_63 : i32 to index
      %get3A_76 = tpu.vector_load %arg6[%get3A_74, %get3A_75] {strides = array<i32>} : memref<96x768xf32, #tpu.memory_space<vmem>>, vector<1x16xf32>,
      %get3A_77 = vector.shape_cast %get3A_76 : vector<1x16xf32> to vector<16xf32>
      %get3A_78 = arith.constant 27 : i32
      %get3A_79 = arith.index_cast %get3A_78 : i32 to index
      %get3A_80 = arith.index_cast %mul3A_63 : i32 to index
      %get3A_81 = tpu.vector_load %arg6[%get3A_79, %get3A_80] {strides = array<i32>} : memref<96x768xf32, #tpu.memory_space<vmem>>, vector<1x16xf32>,
      %get3A_82 = vector.shape_cast %get3A_81 : vector<1x16xf32> to vector<16xf32>
      %get3A_83 = arith.constant 28 : i32
      %get3A_84 = arith.index_cast %get3A_83 : i32 to index
      %get3A_85 = arith.index_cast %mul3A_63 : i32 to index
      %get3A_86 = tpu.vector_load %arg6[%get3A_84, %get3A_85] {strides = array<i32>} : memref<96x768xf32, #tpu.memory_space<vmem>>, vector<1x16xf32>,
      %get3A_87 = vector.shape_cast %get3A_86 : vector<1x16xf32> to vector<16xf32>
      %add3A_88 = arith.addf %get3A_67, %get3A_87 : vector<16xf32>
      %get3A_89 = arith.constant 29 : i32
      %get3A_90 = arith.index_cast %get3A_89 : i32 to index
      %get3A_91 = arith.index_cast %mul3A_63 : i32 to index
      %get3A_92 = tpu.vector_load %arg6[%get3A_90, %get3A_91] {strides = array<i32>} : memref<96x768xf32, #tpu.memory_space<vmem>>, vector<1x16xf32>,
      %get3A_93 = vector.shape_cast %get3A_92 : vector<1x16xf32> to vector<16xf32>
      %add3A_94 = arith.addf %get3A_72, %get3A_93 : vector<16xf32>
      %get3A_95 = arith.constant 30 : i32
      %get3A_96 = arith.index_cast %get3A_95 : i32 to index
      %get3A_97 = arith.index_cast %mul3A_63 : i32 to index
      %get3A_98 = tpu.vector_load %arg6[%get3A_96, %get3A_97] {strides = array<i32>} : memref<96x768xf32, #tpu.memory_space<vmem>>, vector<1x16xf32>,
      %get3A_99 = vector.shape_cast %get3A_98 : vector<1x16xf32> to vector<16xf32>
      %add3A_100 = arith.addf %get3A_77, %get3A_99 : vector<16xf32>
      %get3A_101 = arith.constant 31 : i32
      %get3A_102 = arith.index_cast %get3A_101 : i32 to index
      %get3A_103 = arith.index_cast %mul3A_63 : i32 to index
      %get3A_104 = tpu.vector_load %arg6[%get3A_102, %get3A_103] {strides = array<i32>} : memref<96x768xf32, #tpu.memory_space<vmem>>, vector<1x16xf32>,
      %get3A_105 = vector.shape_cast %get3A_104 : vector<1x16xf32> to vector<16xf32>
      %add3A_106 = arith.addf %get3A_82, %get3A_105 : vector<16xf32>
      %get3A_107 = arith.constant 32 : i32
      %get3A_108 = arith.index_cast %get3A_107 : i32 to index
      %get3A_109 = arith.index_cast %mul3A_63 : i32 to index
      %get3A_110 = tpu.vector_load %arg6[%get3A_108, %get3A_109] {strides = array<i32>} : memref<96x768xf32, #tpu.memory_space<vmem>>, vector<1x16xf32>,
      %get3A_111 = vector.shape_cast %get3A_110 : vector<1x16xf32> to vector<16xf32>
      %add3A_112 = arith.addf %add3A_88, %get3A_111 : vector<16xf32>
      %get3A_113 = arith.constant 33 : i32
      %get3A_114 = arith.index_cast %get3A_113 : i32 to index
      %get3A_115 = arith.index_cast %mul3A_63 : i32 to index
      %get3A_116 = tpu.vector_load %arg6[%get3A_114, %get3A_115] {strides = array<i32>} : memref<96x768xf32, #tpu.memory_space<vmem>>, vector<1x16xf32>,
      %get3A_117 = vector.shape_cast %get3A_116 : vector<1x16xf32> to vector<16xf32>
      %add3A_118 = arith.addf %add3A_94, %get3A_117 : vector<16xf32>
      %get3A_119 = arith.constant 34 : i32
      %get3A_120 = arith.index_cast %get3A_119 : i32 to index
      %get3A_121 = arith.index_cast %mul3A_63 : i32 to index
      %get3A_122 = tpu.vector_load %arg6[%get3A_120, %get3A_121] {strides = array<i32>} : memref<96x768xf32, #tpu.memory_space<vmem>>, vector<1x16xf32>,
      %get3A_123 = vector.shape_cast %get3A_122 : vector<1x16xf32> to vector<16xf32>
      %add3A_124 = arith.addf %add3A_100, %get3A_123 : vector<16xf32>
      %get3A_125 = arith.constant 35 : i32
      %get3A_126 = arith.index_cast %get3A_125 : i32 to index
      %get3A_127 = arith.index_cast %mul3A_63 : i32 to index
      %get3A_128 = tpu.vector_load %arg6[%get3A_126, %get3A_127] {strides = array<i32>} : memref<96x768xf32, #tpu.memory_space<vmem>>, vector<1x16xf32>,
      %get3A_129 = vector.shape_cast %get3A_128 : vector<1x16xf32> to vector<16xf32>
      %add3A_130 = arith.addf %add3A_106, %get3A_129 : vector<16xf32>
      %get3A_131 = arith.constant 36 : i32
      %get3A_132 = arith.index_cast %get3A_131 : i32 to index
      %get3A_133 = arith.index_cast %mul3A_63 : i32 to index
      %get3A_134 = tpu.vector_load %arg6[%get3A_132, %get3A_133] {strides = array<i32>} : memref<96x768xf32, #tpu.memory_space<vmem>>, vector<1x16xf32>,
      %get3A_135 = vector.shape_cast %get3A_134 : vector<1x16xf32> to vector<16xf32>
      %add3A_136 = arith.addf %add3A_112, %get3A_135 : vector<16xf32>
      %get3A_137 = arith.constant 37 : i32
      %get3A_138 = arith.index_cast %get3A_137 : i32 to index
      %get3A_139 = arith.index_cast %mul3A_63 : i32 to index
      %get3A_140 = tpu.vector_load %arg6[%get3A_138, %get3A_139] {strides = array<i32>} : memref<96x768xf32, #tpu.memory_space<vmem>>, vector<1x16xf32>,
      %get3A_141 = vector.shape_cast %get3A_140 : vector<1x16xf32> to vector<16xf32>
      %add3A_142 = arith.addf %add3A_118, %get3A_141 : vector<16xf32>
      %get3A_143 = arith.constant 38 : i32
      %get3A_144 = arith.index_cast %get3A_143 : i32 to index
      %get3A_145 = arith.index_cast %mul3A_63 : i32 to index
      %get3A_146 = tpu.vector_load %arg6[%get3A_144, %get3A_145] {strides = array<i32>} : memref<96x768xf32, #tpu.memory_space<vmem>>, vector<1x16xf32>,
      %get3A_147 = vector.shape_cast %get3A_146 : vector<1x16xf32> to vector<16xf32>
      %add3A_148 = arith.addf %add3A_124, %get3A_147 : vector<16xf32>
      %get3A_149 = arith.constant 39 : i32
      %get3A_150 = arith.index_cast %get3A_149 : i32 to index
      %get3A_151 = arith.index_cast %mul3A_63 : i32 to index
      %get3A_152 = tpu.vector_load %arg6[%get3A_150, %get3A_151] {strides = array<i32>} : memref<96x768xf32, #tpu.memory_space<vmem>>, vector<1x16xf32>,
      %get3A_153 = vector.shape_cast %get3A_152 : vector<1x16xf32> to vector<16xf32>
      %add3A_154 = arith.addf %add3A_130, %get3A_153 : vector<16xf32>
      %get3A_155 = arith.constant 40 : i32
      %get3A_156 = arith.index_cast %get3A_155 : i32 to index
      %get3A_157 = arith.index_cast %mul3A_63 : i32 to index
      %get3A_158 = tpu.vector_load %arg6[%get3A_156, %get3A_157] {strides = array<i32>} : memref<96x768xf32, #tpu.memory_space<vmem>>, vector<1x16xf32>,
      %get3A_159 = vector.shape_cast %get3A_158 : vector<1x16xf32> to vector<16xf32>
      %add3A_160 = arith.addf %add3A_136, %get3A_159 : vector<16xf32>
      %get3A_161 = arith.constant 41 : i32
      %get3A_162 = arith.index_cast %get3A_161 : i32 to index
      %get3A_163 = arith.index_cast %mul3A_63 : i32 to index
      %get3A_164 = tpu.vector_load %arg6[%get3A_162, %get3A_163] {strides = array<i32>} : memref<96x768xf32, #tpu.memory_space<vmem>>, vector<1x16xf32>,
      %get3A_165 = vector.shape_cast %get3A_164 : vector<1x16xf32> to vector<16xf32>
      %add3A_166 = arith.addf %add3A_142, %get3A_165 : vector<16xf32>
      %get3A_167 = arith.constant 42 : i32
      %get3A_168 = arith.index_cast %get3A_167 : i32 to index
      %get3A_169 = arith.index_cast %mul3A_63 : i32 to index
      %get3A_170 = tpu.vector_load %arg6[%get3A_168, %get3A_169] {strides = array<i32>} : memref<96x768xf32, #tpu.memory_space<vmem>>, vector<1x16xf32>,
      %get3A_171 = vector.shape_cast %get3A_170 : vector<1x16xf32> to vector<16xf32>
      %add3A_172 = arith.addf %add3A_148, %get3A_171 : vector<16xf32>
      %get3A_173 = arith.constant 43 : i32
      %get3A_174 = arith.index_cast %get3A_173 : i32 to index
      %get3A_175 = arith.index_cast %mul3A_63 : i32 to index
      %get3A_176 = tpu.vector_load %arg6[%get3A_174, %get3A_175] {strides = array<i32>} : memref<96x768xf32, #tpu.memory_space<vmem>>, vector<1x16xf32>,
      %get3A_177 = vector.shape_cast %get3A_176 : vector<1x16xf32> to vector<16xf32>
      %add3A_178 = arith.addf %add3A_154, %get3A_177 : vector<16xf32>
      %get3A_179 = arith.constant 44 : i32
      %get3A_180 = arith.index_cast %get3A_179 : i32 to index
      %get3A_181 = arith.index_cast %mul3A_63 : i32 to index
      %get3A_182 = tpu.vector_load %arg6[%get3A_180, %get3A_181] {strides = array<i32>} : memref<96x768xf32, #tpu.memory_space<vmem>>, vector<1x16xf32>,
      %get3A_183 = vector.shape_cast %get3A_182 : vector<1x16xf32> to vector<16xf32>
      %add3A_184 = arith.addf %add3A_160, %get3A_183 : vector<16xf32>
      %get3A_185 = arith.constant 45 : i32
      %get3A_186 = arith.index_cast %get3A_185 : i32 to index
      %get3A_187 = arith.index_cast %mul3A_63 : i32 to index
      %get3A_188 = tpu.vector_load %arg6[%get3A_186, %get3A_187] {strides = array<i32>} : memref<96x768xf32, #tpu.memory_space<vmem>>, vector<1x16xf32>,
      %get3A_189 = vector.shape_cast %get3A_188 : vector<1x16xf32> to vector<16xf32>
      %add3A_190 = arith.addf %add3A_166, %get3A_189 : vector<16xf32>
      %get3A_191 = arith.constant 46 : i32
      %get3A_192 = arith.index_cast %get3A_191 : i32 to index
      %get3A_193 = arith.index_cast %mul3A_63 : i32 to index
      %get3A_194 = tpu.vector_load %arg6[%get3A_192, %get3A_193] {strides = array<i32>} : memref<96x768xf32, #tpu.memory_space<vmem>>, vector<1x16xf32>,
      %get3A_195 = vector.shape_cast %get3A_194 : vector<1x16xf32> to vector<16xf32>
      %add3A_196 = arith.addf %add3A_172, %get3A_195 : vector<16xf32>
      %get3A_197 = arith.constant 47 : i32
      %get3A_198 = arith.index_cast %get3A_197 : i32 to index
      %get3A_199 = arith.index_cast %mul3A_63 : i32 to index
      %get3A_200 = tpu.vector_load %arg6[%get3A_198, %get3A_199] {strides = array<i32>} : memref<96x768xf32, #tpu.memory_space<vmem>>, vector<1x16xf32>,
      %get3A_201 = vector.shape_cast %get3A_200 : vector<1x16xf32> to vector<16xf32>
      %add3A_202 = arith.addf %add3A_178, %get3A_201 : vector<16xf32>
      %add3A_203 = arith.addf %add3A_184, %add3A_190 : vector<16xf32>
      %add3A_204 = arith.addf %add3A_196, %add3A_202 : vector<16xf32>
      %add3A_205 = arith.addf %add3A_203, %add3A_204 : vector<16xf32>
      %mul3A_206 = arith.constant 0.0416666679 : f32
      %mul3A_207 = vector.broadcast %mul3A_206 : f32 to vector<16xf32>
      %mul3A_208 = arith.mulf %add3A_205, %mul3A_207 : vector<16xf32>
      %swap3A = arith.constant 1 : i32
      %swap3A_209 = arith.index_cast %swap3A : i32 to index
      %swap3A_210 = arith.index_cast %mul3A_63 : i32 to index
      %swap3A_211 = tpu.vector_load %arg7[%swap3A_209, %swap3A_210] {strides = array<i32>} : memref<4x768xf32, #tpu.memory_space<vmem>>, vector<1x16xf32>,
      %swap3A_212 = vector.shape_cast %swap3A_211 : vector<1x16xf32> to vector<16xf32>
      %swap3A_213 = vector.shape_cast %mul3A_208 : vector<16xf32> to vector<1x16xf32>
      tpu.vector_store %arg7[%swap3A_209, %swap3A_210], %swap3A_213 {strides = array<i32>} : memref<4x768xf32, #tpu.memory_space<vmem>>, vector<1x16xf32>,
      %mul3A_214 = arith.constant 2 : i32
      %mul3A_215 = arith.muli %scan3A_58, %mul3A_214 : i32
      %add3A_216 = arith.constant 1 : i32
      %add3A_217 = arith.addi %mul3A_215, %add3A_216 : i32
      %mul3A_218 = arith.constant 16 : i32
      %mul3A_219 = arith.muli %add3A_217, %mul3A_218 : i32
      %get3A_220 = arith.constant 24 : i32
      %get3A_221 = arith.index_cast %get3A_220 : i32 to index
      %get3A_222 = arith.index_cast %mul3A_219 : i32 to index
      %get3A_223 = tpu.vector_load %arg6[%get3A_221, %get3A_222] {strides = array<i32>} : memref<96x768xf32, #tpu.memory_space<vmem>>, vector<1x16xf32>,
      %get3A_224 = vector.shape_cast %get3A_223 : vector<1x16xf32> to vector<16xf32>
      %get3A_225 = arith.constant 25 : i32
      %get3A_226 = arith.index_cast %get3A_225 : i32 to index
      %get3A_227 = arith.index_cast %mul3A_219 : i32 to index
      %get3A_228 = tpu.vector_load %arg6[%get3A_226, %get3A_227] {strides = array<i32>} : memref<96x768xf32, #tpu.memory_space<vmem>>, vector<1x16xf32>,
      %get3A_229 = vector.shape_cast %get3A_228 : vector<1x16xf32> to vector<16xf32>
      %get3A_230 = arith.constant 26 : i32
      %get3A_231 = arith.index_cast %get3A_230 : i32 to index
      %get3A_232 = arith.index_cast %mul3A_219 : i32 to index
      %get3A_233 = tpu.vector_load %arg6[%get3A_231, %get3A_232] {strides = array<i32>} : memref<96x768xf32, #tpu.memory_space<vmem>>, vector<1x16xf32>,
      %get3A_234 = vector.shape_cast %get3A_233 : vector<1x16xf32> to vector<16xf32>
      %get3A_235 = arith.constant 27 : i32
      %get3A_236 = arith.index_cast %get3A_235 : i32 to index
      %get3A_237 = arith.index_cast %mul3A_219 : i32 to index
      %get3A_238 = tpu.vector_load %arg6[%get3A_236, %get3A_237] {strides = array<i32>} : memref<96x768xf32, #tpu.memory_space<vmem>>, vector<1x16xf32>,
      %get3A_239 = vector.shape_cast %get3A_238 : vector<1x16xf32> to vector<16xf32>
      %get3A_240 = arith.constant 28 : i32
      %get3A_241 = arith.index_cast %get3A_240 : i32 to index
      %get3A_242 = arith.index_cast %mul3A_219 : i32 to index
      %get3A_243 = tpu.vector_load %arg6[%get3A_241, %get3A_242] {strides = array<i32>} : memref<96x768xf32, #tpu.memory_space<vmem>>, vector<1x16xf32>,
      %get3A_244 = vector.shape_cast %get3A_243 : vector<1x16xf32> to vector<16xf32>
      %add3A_245 = arith.addf %get3A_224, %get3A_244 : vector<16xf32>
      %get3A_246 = arith.constant 29 : i32
      %get3A_247 = arith.index_cast %get3A_246 : i32 to index
      %get3A_248 = arith.index_cast %mul3A_219 : i32 to index
      %get3A_249 = tpu.vector_load %arg6[%get3A_247, %get3A_248] {strides = array<i32>} : memref<96x768xf32, #tpu.memory_space<vmem>>, vector<1x16xf32>,
      %get3A_250 = vector.shape_cast %get3A_249 : vector<1x16xf32> to vector<16xf32>
      %add3A_251 = arith.addf %get3A_229, %get3A_250 : vector<16xf32>
      %get3A_252 = arith.constant 30 : i32
      %get3A_253 = arith.index_cast %get3A_252 : i32 to index
      %get3A_254 = arith.index_cast %mul3A_219 : i32 to index
      %get3A_255 = tpu.vector_load %arg6[%get3A_253, %get3A_254] {strides = array<i32>} : memref<96x768xf32, #tpu.memory_space<vmem>>, vector<1x16xf32>,
      %get3A_256 = vector.shape_cast %get3A_255 : vector<1x16xf32> to vector<16xf32>
      %add3A_257 = arith.addf %get3A_234, %get3A_256 : vector<16xf32>
      %get3A_258 = arith.constant 31 : i32
      %get3A_259 = arith.index_cast %get3A_258 : i32 to index
      %get3A_260 = arith.index_cast %mul3A_219 : i32 to index
      %get3A_261 = tpu.vector_load %arg6[%get3A_259, %get3A_260] {strides = array<i32>} : memref<96x768xf32, #tpu.memory_space<vmem>>, vector<1x16xf32>,
      %get3A_262 = vector.shape_cast %get3A_261 : vector<1x16xf32> to vector<16xf32>
      %add3A_263 = arith.addf %get3A_239, %get3A_262 : vector<16xf32>
      %get3A_264 = arith.constant 32 : i32
      %get3A_265 = arith.index_cast %get3A_264 : i32 to index
      %get3A_266 = arith.index_cast %mul3A_219 : i32 to index
      %get3A_267 = tpu.vector_load %arg6[%get3A_265, %get3A_266] {strides = array<i32>} : memref<96x768xf32, #tpu.memory_space<vmem>>, vector<1x16xf32>,
      %get3A_268 = vector.shape_cast %get3A_267 : vector<1x16xf32> to vector<16xf32>
      %add3A_269 = arith.addf %add3A_245, %get3A_268 : vector<16xf32>
      %get3A_270 = arith.constant 33 : i32
      %get3A_271 = arith.index_cast %get3A_270 : i32 to index
      %get3A_272 = arith.index_cast %mul3A_219 : i32 to index
      %get3A_273 = tpu.vector_load %arg6[%get3A_271, %get3A_272] {strides = array<i32>} : memref<96x768xf32, #tpu.memory_space<vmem>>, vector<1x16xf32>,
      %get3A_274 = vector.shape_cast %get3A_273 : vector<1x16xf32> to vector<16xf32>
      %add3A_275 = arith.addf %add3A_251, %get3A_274 : vector<16xf32>
      %get3A_276 = arith.constant 34 : i32
      %get3A_277 = arith.index_cast %get3A_276 : i32 to index
      %get3A_278 = arith.index_cast %mul3A_219 : i32 to index
      %get3A_279 = tpu.vector_load %arg6[%get3A_277, %get3A_278] {strides = array<i32>} : memref<96x768xf32, #tpu.memory_space<vmem>>, vector<1x16xf32>,
      %get3A_280 = vector.shape_cast %get3A_279 : vector<1x16xf32> to vector<16xf32>
      %add3A_281 = arith.addf %add3A_257, %get3A_280 : vector<16xf32>
      %get3A_282 = arith.constant 35 : i32
      %get3A_283 = arith.index_cast %get3A_282 : i32 to index
      %get3A_284 = arith.index_cast %mul3A_219 : i32 to index
      %get3A_285 = tpu.vector_load %arg6[%get3A_283, %get3A_284] {strides = array<i32>} : memref<96x768xf32, #tpu.memory_space<vmem>>, vector<1x16xf32>,
      %get3A_286 = vector.shape_cast %get3A_285 : vector<1x16xf32> to vector<16xf32>
      %add3A_287 = arith.addf %add3A_263, %get3A_286 : vector<16xf32>
      %get3A_288 = arith.constant 36 : i32
      %get3A_289 = arith.index_cast %get3A_288 : i32 to index
      %get3A_290 = arith.index_cast %mul3A_219 : i32 to index
      %get3A_291 = tpu.vector_load %arg6[%get3A_289, %get3A_290] {strides = array<i32>} : memref<96x768xf32, #tpu.memory_space<vmem>>, vector<1x16xf32>,
      %get3A_292 = vector.shape_cast %get3A_291 : vector<1x16xf32> to vector<16xf32>
      %add3A_293 = arith.addf %add3A_269, %get3A_292 : vector<16xf32>
      %get3A_294 = arith.constant 37 : i32
      %get3A_295 = arith.index_cast %get3A_294 : i32 to index
      %get3A_296 = arith.index_cast %mul3A_219 : i32 to index
      %get3A_297 = tpu.vector_load %arg6[%get3A_295, %get3A_296] {strides = array<i32>} : memref<96x768xf32, #tpu.memory_space<vmem>>, vector<1x16xf32>,
      %get3A_298 = vector.shape_cast %get3A_297 : vector<1x16xf32> to vector<16xf32>
      %add3A_299 = arith.addf %add3A_275, %get3A_298 : vector<16xf32>
      %get3A_300 = arith.constant 38 : i32
      %get3A_301 = arith.index_cast %get3A_300 : i32 to index
      %get3A_302 = arith.index_cast %mul3A_219 : i32 to index
      %get3A_303 = tpu.vector_load %arg6[%get3A_301, %get3A_302] {strides = array<i32>} : memref<96x768xf32, #tpu.memory_space<vmem>>, vector<1x16xf32>,
      %get3A_304 = vector.shape_cast %get3A_303 : vector<1x16xf32> to vector<16xf32>
      %add3A_305 = arith.addf %add3A_281, %get3A_304 : vector<16xf32>
      %get3A_306 = arith.constant 39 : i32
      %get3A_307 = arith.index_cast %get3A_306 : i32 to index
      %get3A_308 = arith.index_cast %mul3A_219 : i32 to index
      %get3A_309 = tpu.vector_load %arg6[%get3A_307, %get3A_308] {strides = array<i32>} : memref<96x768xf32, #tpu.memory_space<vmem>>, vector<1x16xf32>,
      %get3A_310 = vector.shape_cast %get3A_309 : vector<1x16xf32> to vector<16xf32>
      %add3A_311 = arith.addf %add3A_287, %get3A_310 : vector<16xf32>
      %get3A_312 = arith.constant 40 : i32
      %get3A_313 = arith.index_cast %get3A_312 : i32 to index
      %get3A_314 = arith.index_cast %mul3A_219 : i32 to index
      %get3A_315 = tpu.vector_load %arg6[%get3A_313, %get3A_314] {strides = array<i32>} : memref<96x768xf32, #tpu.memory_space<vmem>>, vector<1x16xf32>,
      %get3A_316 = vector.shape_cast %get3A_315 : vector<1x16xf32> to vector<16xf32>
      %add3A_317 = arith.addf %add3A_293, %get3A_316 : vector<16xf32>
      %get3A_318 = arith.constant 41 : i32
      %get3A_319 = arith.index_cast %get3A_318 : i32 to index
      %get3A_320 = arith.index_cast %mul3A_219 : i32 to index
      %get3A_321 = tpu.vector_load %arg6[%get3A_319, %get3A_320] {strides = array<i32>} : memref<96x768xf32, #tpu.memory_space<vmem>>, vector<1x16xf32>,
      %get3A_322 = vector.shape_cast %get3A_321 : vector<1x16xf32> to vector<16xf32>
      %add3A_323 = arith.addf %add3A_299, %get3A_322 : vector<16xf32>
      %get3A_324 = arith.constant 42 : i32
      %get3A_325 = arith.index_cast %get3A_324 : i32 to index
      %get3A_326 = arith.index_cast %mul3A_219 : i32 to index
      %get3A_327 = tpu.vector_load %arg6[%get3A_325, %get3A_326] {strides = array<i32>} : memref<96x768xf32, #tpu.memory_space<vmem>>, vector<1x16xf32>,
      %get3A_328 = vector.shape_cast %get3A_327 : vector<1x16xf32> to vector<16xf32>
      %add3A_329 = arith.addf %add3A_305, %get3A_328 : vector<16xf32>
      %get3A_330 = arith.constant 43 : i32
      %get3A_331 = arith.index_cast %get3A_330 : i32 to index
      %get3A_332 = arith.index_cast %mul3A_219 : i32 to index
      %get3A_333 = tpu.vector_load %arg6[%get3A_331, %get3A_332] {strides = array<i32>} : memref<96x768xf32, #tpu.memory_space<vmem>>, vector<1x16xf32>,
      %get3A_334 = vector.shape_cast %get3A_333 : vector<1x16xf32> to vector<16xf32>
      %add3A_335 = arith.addf %add3A_311, %get3A_334 : vector<16xf32>
      %get3A_336 = arith.constant 44 : i32
      %get3A_337 = arith.index_cast %get3A_336 : i32 to index
      %get3A_338 = arith.index_cast %mul3A_219 : i32 to index
      %get3A_339 = tpu.vector_load %arg6[%get3A_337, %get3A_338] {strides = array<i32>} : memref<96x768xf32, #tpu.memory_space<vmem>>, vector<1x16xf32>,
      %get3A_340 = vector.shape_cast %get3A_339 : vector<1x16xf32> to vector<16xf32>
      %add3A_341 = arith.addf %add3A_317, %get3A_340 : vector<16xf32>
      %get3A_342 = arith.constant 45 : i32
      %get3A_343 = arith.index_cast %get3A_342 : i32 to index
      %get3A_344 = arith.index_cast %mul3A_219 : i32 to index
      %get3A_345 = tpu.vector_load %arg6[%get3A_343, %get3A_344] {strides = array<i32>} : memref<96x768xf32, #tpu.memory_space<vmem>>, vector<1x16xf32>,
      %get3A_346 = vector.shape_cast %get3A_345 : vector<1x16xf32> to vector<16xf32>
      %add3A_347 = arith.addf %add3A_323, %get3A_346 : vector<16xf32>
      %get3A_348 = arith.constant 46 : i32
      %get3A_349 = arith.index_cast %get3A_348 : i32 to index
      %get3A_350 = arith.index_cast %mul3A_219 : i32 to index
      %get3A_351 = tpu.vector_load %arg6[%get3A_349, %get3A_350] {strides = array<i32>} : memref<96x768xf32, #tpu.memory_space<vmem>>, vector<1x16xf32>,
      %get3A_352 = vector.shape_cast %get3A_351 : vector<1x16xf32> to vector<16xf32>
      %add3A_353 = arith.addf %add3A_329, %get3A_352 : vector<16xf32>
      %get3A_354 = arith.constant 47 : i32
      %get3A_355 = arith.index_cast %get3A_354 : i32 to index
      %get3A_356 = arith.index_cast %mul3A_219 : i32 to index
      %get3A_357 = tpu.vector_load %arg6[%get3A_355, %get3A_356] {strides = array<i32>} : memref<96x768xf32, #tpu.memory_space<vmem>>, vector<1x16xf32>,
      %get3A_358 = vector.shape_cast %get3A_357 : vector<1x16xf32> to vector<16xf32>
      %add3A_359 = arith.addf %add3A_335, %get3A_358 : vector<16xf32>
      %add3A_360 = arith.addf %add3A_341, %add3A_347 : vector<16xf32>
      %add3A_361 = arith.addf %add3A_353, %add3A_359 : vector<16xf32>
      %add3A_362 = arith.addf %add3A_360, %add3A_361 : vector<16xf32>
      %mul3A_363 = arith.constant 0.0416666679 : f32
      %mul3A_364 = vector.broadcast %mul3A_363 : f32 to vector<16xf32>
      %mul3A_365 = arith.mulf %add3A_362, %mul3A_364 : vector<16xf32>
      %swap3A_366 = arith.constant 1 : i32
      %swap3A_367 = arith.index_cast %swap3A_366 : i32 to index
      %swap3A_368 = arith.index_cast %mul3A_219 : i32 to index
      %swap3A_369 = tpu.vector_load %arg7[%swap3A_367, %swap3A_368] {strides = array<i32>} : memref<4x768xf32, #tpu.memory_space<vmem>>, vector<1x16xf32>,
      %swap3A_370 = vector.shape_cast %swap3A_369 : vector<1x16xf32> to vector<16xf32>
      %swap3A_371 = vector.shape_cast %mul3A_365 : vector<16xf32> to vector<1x16xf32>
      tpu.vector_store %arg7[%swap3A_367, %swap3A_368], %swap3A_371 {strides = array<i32>} : memref<4x768xf32, #tpu.memory_space<vmem>>, vector<1x16xf32>,
    }
    %scan3A_33 = arith.constant 24 : i32
    %dma_wait3A_34 = arith.constant 48 : i32
    %dma_wait3A_35 = arith.constant 0 : i32
    %dma_wait3A_36 = tpu.memref_slice %arg6[%dma_wait3A_34, %dma_wait3A_35] : memref<96x768xf32, #tpu.memory_space<vmem>> -> memref<48x768xf32, #tpu.memory_space<vmem>>
    %dma_wait3A_37 = arith.constant 48 : i32
    %dma_wait3A_38 = tpu.memref_slice %arg5[%dma_wait3A_37] : memref<96xi32, #tpu.memory_space<vmem>> -> memref<48xi32, #tpu.memory_space<vmem>>
    %dma_wait3A_39 = arith.constant 0 : i32
    %dma_wait3A_40 = arith.constant 0 : i32
    %dma_wait3A_41 = tpu.memref_slice %arg3[%dma_wait3A_39, %dma_wait3A_40] : memref<8192x768xf32, #tpu.memory_space<hbm>> -> memref<8192x768xf32, #tpu.memory_space<hbm>>
    tpu.wait_indirect_dma semaphore(%arg10 : memref<!tpu.dma_semaphore, #tpu.memory_space<semaphore_mem>>) src(%dma_wait3A_41 : memref<8192x768xf32, #tpu.memory_space<hbm>>) dst(%dma_wait3A_36 : memref<48x768xf32, #tpu.memory_space<vmem>>)
    %scan3A_42 = arith.constant 0 : i32
    %scan3A_43 = arith.constant 0 : i32
    %scan3A_44 = arith.constant 24 : i32
    %scan3A_45 = arith.addi %scan3A_43, %scan3A_44 : i32
    %scan3A_46 = arith.constant 1 : i32
    scf.for %scan3A_58 = %scan3A_43 to %scan3A_45 step %scan3A_46  : i32 {
      %mul3A_59 = arith.constant 2 : i32
      %mul3A_60 = arith.muli %scan3A_58, %mul3A_59 : i32
      %add3A = arith.constant 0 : i32
      %add3A_61 = arith.addi %mul3A_60, %add3A : i32
      %mul3A_62 = arith.constant 16 : i32
      %mul3A_63 = arith.muli %add3A_61, %mul3A_62 : i32
      %get3A = arith.constant 48 : i32
      %get3A_64 = arith.index_cast %get3A : i32 to index
      %get3A_65 = arith.index_cast %mul3A_63 : i32 to index
      %get3A_66 = tpu.vector_load %arg6[%get3A_64, %get3A_65] {strides = array<i32>} : memref<96x768xf32, #tpu.memory_space<vmem>>, vector<1x16xf32>,
      %get3A_67 = vector.shape_cast %get3A_66 : vector<1x16xf32> to vector<16xf32>
      %get3A_68 = arith.constant 49 : i32
      %get3A_69 = arith.index_cast %get3A_68 : i32 to index
      %get3A_70 = arith.index_cast %mul3A_63 : i32 to index
      %get3A_71 = tpu.vector_load %arg6[%get3A_69, %get3A_70] {strides = array<i32>} : memref<96x768xf32, #tpu.memory_space<vmem>>, vector<1x16xf32>,
      %get3A_72 = vector.shape_cast %get3A_71 : vector<1x16xf32> to vector<16xf32>
      %get3A_73 = arith.constant 50 : i32
      %get3A_74 = arith.index_cast %get3A_73 : i32 to index
      %get3A_75 = arith.index_cast %mul3A_63 : i32 to index
      %get3A_76 = tpu.vector_load %arg6[%get3A_74, %get3A_75] {strides = array<i32>} : memref<96x768xf32, #tpu.memory_space<vmem>>, vector<1x16xf32>,
      %get3A_77 = vector.shape_cast %get3A_76 : vector<1x16xf32> to vector<16xf32>
      %get3A_78 = arith.constant 51 : i32
      %get3A_79 = arith.index_cast %get3A_78 : i32 to index
      %get3A_80 = arith.index_cast %mul3A_63 : i32 to index
      %get3A_81 = tpu.vector_load %arg6[%get3A_79, %get3A_80] {strides = array<i32>} : memref<96x768xf32, #tpu.memory_space<vmem>>, vector<1x16xf32>,
      %get3A_82 = vector.shape_cast %get3A_81 : vector<1x16xf32> to vector<16xf32>
      %get3A_83 = arith.constant 52 : i32
      %get3A_84 = arith.index_cast %get3A_83 : i32 to index
      %get3A_85 = arith.index_cast %mul3A_63 : i32 to index
      %get3A_86 = tpu.vector_load %arg6[%get3A_84, %get3A_85] {strides = array<i32>} : memref<96x768xf32, #tpu.memory_space<vmem>>, vector<1x16xf32>,
      %get3A_87 = vector.shape_cast %get3A_86 : vector<1x16xf32> to vector<16xf32>
      %add3A_88 = arith.addf %get3A_67, %get3A_87 : vector<16xf32>
      %get3A_89 = arith.constant 53 : i32
      %get3A_90 = arith.index_cast %get3A_89 : i32 to index
      %get3A_91 = arith.index_cast %mul3A_63 : i32 to index
      %get3A_92 = tpu.vector_load %arg6[%get3A_90, %get3A_91] {strides = array<i32>} : memref<96x768xf32, #tpu.memory_space<vmem>>, vector<1x16xf32>,
      %get3A_93 = vector.shape_cast %get3A_92 : vector<1x16xf32> to vector<16xf32>
      %add3A_94 = arith.addf %get3A_72, %get3A_93 : vector<16xf32>
      %get3A_95 = arith.constant 54 : i32
      %get3A_96 = arith.index_cast %get3A_95 : i32 to index
      %get3A_97 = arith.index_cast %mul3A_63 : i32 to index
      %get3A_98 = tpu.vector_load %arg6[%get3A_96, %get3A_97] {strides = array<i32>} : memref<96x768xf32, #tpu.memory_space<vmem>>, vector<1x16xf32>,
      %get3A_99 = vector.shape_cast %get3A_98 : vector<1x16xf32> to vector<16xf32>
      %add3A_100 = arith.addf %get3A_77, %get3A_99 : vector<16xf32>
      %get3A_101 = arith.constant 55 : i32
      %get3A_102 = arith.index_cast %get3A_101 : i32 to index
      %get3A_103 = arith.index_cast %mul3A_63 : i32 to index
      %get3A_104 = tpu.vector_load %arg6[%get3A_102, %get3A_103] {strides = array<i32>} : memref<96x768xf32, #tpu.memory_space<vmem>>, vector<1x16xf32>,
      %get3A_105 = vector.shape_cast %get3A_104 : vector<1x16xf32> to vector<16xf32>
      %add3A_106 = arith.addf %get3A_82, %get3A_105 : vector<16xf32>
      %get3A_107 = arith.constant 56 : i32
      %get3A_108 = arith.index_cast %get3A_107 : i32 to index
      %get3A_109 = arith.index_cast %mul3A_63 : i32 to index
      %get3A_110 = tpu.vector_load %arg6[%get3A_108, %get3A_109] {strides = array<i32>} : memref<96x768xf32, #tpu.memory_space<vmem>>, vector<1x16xf32>,
      %get3A_111 = vector.shape_cast %get3A_110 : vector<1x16xf32> to vector<16xf32>
      %add3A_112 = arith.addf %add3A_88, %get3A_111 : vector<16xf32>
      %get3A_113 = arith.constant 57 : i32
      %get3A_114 = arith.index_cast %get3A_113 : i32 to index
      %get3A_115 = arith.index_cast %mul3A_63 : i32 to index
      %get3A_116 = tpu.vector_load %arg6[%get3A_114, %get3A_115] {strides = array<i32>} : memref<96x768xf32, #tpu.memory_space<vmem>>, vector<1x16xf32>,
      %get3A_117 = vector.shape_cast %get3A_116 : vector<1x16xf32> to vector<16xf32>
      %add3A_118 = arith.addf %add3A_94, %get3A_117 : vector<16xf32>
      %get3A_119 = arith.constant 58 : i32
      %get3A_120 = arith.index_cast %get3A_119 : i32 to index
      %get3A_121 = arith.index_cast %mul3A_63 : i32 to index
      %get3A_122 = tpu.vector_load %arg6[%get3A_120, %get3A_121] {strides = array<i32>} : memref<96x768xf32, #tpu.memory_space<vmem>>, vector<1x16xf32>,
      %get3A_123 = vector.shape_cast %get3A_122 : vector<1x16xf32> to vector<16xf32>
      %add3A_124 = arith.addf %add3A_100, %get3A_123 : vector<16xf32>
      %get3A_125 = arith.constant 59 : i32
      %get3A_126 = arith.index_cast %get3A_125 : i32 to index
      %get3A_127 = arith.index_cast %mul3A_63 : i32 to index
      %get3A_128 = tpu.vector_load %arg6[%get3A_126, %get3A_127] {strides = array<i32>} : memref<96x768xf32, #tpu.memory_space<vmem>>, vector<1x16xf32>,
      %get3A_129 = vector.shape_cast %get3A_128 : vector<1x16xf32> to vector<16xf32>
      %add3A_130 = arith.addf %add3A_106, %get3A_129 : vector<16xf32>
      %get3A_131 = arith.constant 60 : i32
      %get3A_132 = arith.index_cast %get3A_131 : i32 to index
      %get3A_133 = arith.index_cast %mul3A_63 : i32 to index
      %get3A_134 = tpu.vector_load %arg6[%get3A_132, %get3A_133] {strides = array<i32>} : memref<96x768xf32, #tpu.memory_space<vmem>>, vector<1x16xf32>,
      %get3A_135 = vector.shape_cast %get3A_134 : vector<1x16xf32> to vector<16xf32>
      %add3A_136 = arith.addf %add3A_112, %get3A_135 : vector<16xf32>
      %get3A_137 = arith.constant 61 : i32
      %get3A_138 = arith.index_cast %get3A_137 : i32 to index
      %get3A_139 = arith.index_cast %mul3A_63 : i32 to index
      %get3A_140 = tpu.vector_load %arg6[%get3A_138, %get3A_139] {strides = array<i32>} : memref<96x768xf32, #tpu.memory_space<vmem>>, vector<1x16xf32>,
      %get3A_141 = vector.shape_cast %get3A_140 : vector<1x16xf32> to vector<16xf32>
      %add3A_142 = arith.addf %add3A_118, %get3A_141 : vector<16xf32>
      %get3A_143 = arith.constant 62 : i32
      %get3A_144 = arith.index_cast %get3A_143 : i32 to index
      %get3A_145 = arith.index_cast %mul3A_63 : i32 to index
      %get3A_146 = tpu.vector_load %arg6[%get3A_144, %get3A_145] {strides = array<i32>} : memref<96x768xf32, #tpu.memory_space<vmem>>, vector<1x16xf32>,
      %get3A_147 = vector.shape_cast %get3A_146 : vector<1x16xf32> to vector<16xf32>
      %add3A_148 = arith.addf %add3A_124, %get3A_147 : vector<16xf32>
      %get3A_149 = arith.constant 63 : i32
      %get3A_150 = arith.index_cast %get3A_149 : i32 to index
      %get3A_151 = arith.index_cast %mul3A_63 : i32 to index
      %get3A_152 = tpu.vector_load %arg6[%get3A_150, %get3A_151] {strides = array<i32>} : memref<96x768xf32, #tpu.memory_space<vmem>>, vector<1x16xf32>,
      %get3A_153 = vector.shape_cast %get3A_152 : vector<1x16xf32> to vector<16xf32>
      %add3A_154 = arith.addf %add3A_130, %get3A_153 : vector<16xf32>
      %get3A_155 = arith.constant 64 : i32
      %get3A_156 = arith.index_cast %get3A_155 : i32 to index
      %get3A_157 = arith.index_cast %mul3A_63 : i32 to index
      %get3A_158 = tpu.vector_load %arg6[%get3A_156, %get3A_157] {strides = array<i32>} : memref<96x768xf32, #tpu.memory_space<vmem>>, vector<1x16xf32>,
      %get3A_159 = vector.shape_cast %get3A_158 : vector<1x16xf32> to vector<16xf32>
      %add3A_160 = arith.addf %add3A_136, %get3A_159 : vector<16xf32>
      %get3A_161 = arith.constant 65 : i32
      %get3A_162 = arith.index_cast %get3A_161 : i32 to index
      %get3A_163 = arith.index_cast %mul3A_63 : i32 to index
      %get3A_164 = tpu.vector_load %arg6[%get3A_162, %get3A_163] {strides = array<i32>} : memref<96x768xf32, #tpu.memory_space<vmem>>, vector<1x16xf32>,
      %get3A_165 = vector.shape_cast %get3A_164 : vector<1x16xf32> to vector<16xf32>
      %add3A_166 = arith.addf %add3A_142, %get3A_165 : vector<16xf32>
      %get3A_167 = arith.constant 66 : i32
      %get3A_168 = arith.index_cast %get3A_167 : i32 to index
      %get3A_169 = arith.index_cast %mul3A_63 : i32 to index
      %get3A_170 = tpu.vector_load %arg6[%get3A_168, %get3A_169] {strides = array<i32>} : memref<96x768xf32, #tpu.memory_space<vmem>>, vector<1x16xf32>,
      %get3A_171 = vector.shape_cast %get3A_170 : vector<1x16xf32> to vector<16xf32>
      %add3A_172 = arith.addf %add3A_148, %get3A_171 : vector<16xf32>
      %get3A_173 = arith.constant 67 : i32
      %get3A_174 = arith.index_cast %get3A_173 : i32 to index
      %get3A_175 = arith.index_cast %mul3A_63 : i32 to index
      %get3A_176 = tpu.vector_load %arg6[%get3A_174, %get3A_175] {strides = array<i32>} : memref<96x768xf32, #tpu.memory_space<vmem>>, vector<1x16xf32>,
      %get3A_177 = vector.shape_cast %get3A_176 : vector<1x16xf32> to vector<16xf32>
      %add3A_178 = arith.addf %add3A_154, %get3A_177 : vector<16xf32>
      %get3A_179 = arith.constant 68 : i32
      %get3A_180 = arith.index_cast %get3A_179 : i32 to index
      %get3A_181 = arith.index_cast %mul3A_63 : i32 to index
      %get3A_182 = tpu.vector_load %arg6[%get3A_180, %get3A_181] {strides = array<i32>} : memref<96x768xf32, #tpu.memory_space<vmem>>, vector<1x16xf32>,
      %get3A_183 = vector.shape_cast %get3A_182 : vector<1x16xf32> to vector<16xf32>
      %add3A_184 = arith.addf %add3A_160, %get3A_183 : vector<16xf32>
      %get3A_185 = arith.constant 69 : i32
      %get3A_186 = arith.index_cast %get3A_185 : i32 to index
      %get3A_187 = arith.index_cast %mul3A_63 : i32 to index
      %get3A_188 = tpu.vector_load %arg6[%get3A_186, %get3A_187] {strides = array<i32>} : memref<96x768xf32, #tpu.memory_space<vmem>>, vector<1x16xf32>,
      %get3A_189 = vector.shape_cast %get3A_188 : vector<1x16xf32> to vector<16xf32>
      %add3A_190 = arith.addf %add3A_166, %get3A_189 : vector<16xf32>
      %get3A_191 = arith.constant 70 : i32
      %get3A_192 = arith.index_cast %get3A_191 : i32 to index
      %get3A_193 = arith.index_cast %mul3A_63 : i32 to index
      %get3A_194 = tpu.vector_load %arg6[%get3A_192, %get3A_193] {strides = array<i32>} : memref<96x768xf32, #tpu.memory_space<vmem>>, vector<1x16xf32>,
      %get3A_195 = vector.shape_cast %get3A_194 : vector<1x16xf32> to vector<16xf32>
      %add3A_196 = arith.addf %add3A_172, %get3A_195 : vector<16xf32>
      %get3A_197 = arith.constant 71 : i32
      %get3A_198 = arith.index_cast %get3A_197 : i32 to index
      %get3A_199 = arith.index_cast %mul3A_63 : i32 to index
      %get3A_200 = tpu.vector_load %arg6[%get3A_198, %get3A_199] {strides = array<i32>} : memref<96x768xf32, #tpu.memory_space<vmem>>, vector<1x16xf32>,
      %get3A_201 = vector.shape_cast %get3A_200 : vector<1x16xf32> to vector<16xf32>
      %add3A_202 = arith.addf %add3A_178, %get3A_201 : vector<16xf32>
      %add3A_203 = arith.addf %add3A_184, %add3A_190 : vector<16xf32>
      %add3A_204 = arith.addf %add3A_196, %add3A_202 : vector<16xf32>
      %add3A_205 = arith.addf %add3A_203, %add3A_204 : vector<16xf32>
      %mul3A_206 = arith.constant 0.0416666679 : f32
      %mul3A_207 = vector.broadcast %mul3A_206 : f32 to vector<16xf32>
      %mul3A_208 = arith.mulf %add3A_205, %mul3A_207 : vector<16xf32>
      %swap3A = arith.constant 2 : i32
      %swap3A_209 = arith.index_cast %swap3A : i32 to index
      %swap3A_210 = arith.index_cast %mul3A_63 : i32 to index
      %swap3A_211 = tpu.vector_load %arg7[%swap3A_209, %swap3A_210] {strides = array<i32>} : memref<4x768xf32, #tpu.memory_space<vmem>>, vector<1x16xf32>,
      %swap3A_212 = vector.shape_cast %swap3A_211 : vector<1x16xf32> to vector<16xf32>
      %swap3A_213 = vector.shape_cast %mul3A_208 : vector<16xf32> to vector<1x16xf32>
      tpu.vector_store %arg7[%swap3A_209, %swap3A_210], %swap3A_213 {strides = array<i32>} : memref<4x768xf32, #tpu.memory_space<vmem>>, vector<1x16xf32>,
      %mul3A_214 = arith.constant 2 : i32
      %mul3A_215 = arith.muli %scan3A_58, %mul3A_214 : i32
      %add3A_216 = arith.constant 1 : i32
      %add3A_217 = arith.addi %mul3A_215, %add3A_216 : i32
      %mul3A_218 = arith.constant 16 : i32
      %mul3A_219 = arith.muli %add3A_217, %mul3A_218 : i32
      %get3A_220 = arith.constant 48 : i32
      %get3A_221 = arith.index_cast %get3A_220 : i32 to index
      %get3A_222 = arith.index_cast %mul3A_219 : i32 to index
      %get3A_223 = tpu.vector_load %arg6[%get3A_221, %get3A_222] {strides = array<i32>} : memref<96x768xf32, #tpu.memory_space<vmem>>, vector<1x16xf32>,
      %get3A_224 = vector.shape_cast %get3A_223 : vector<1x16xf32> to vector<16xf32>
      %get3A_225 = arith.constant 49 : i32
      %get3A_226 = arith.index_cast %get3A_225 : i32 to index
      %get3A_227 = arith.index_cast %mul3A_219 : i32 to index
      %get3A_228 = tpu.vector_load %arg6[%get3A_226, %get3A_227] {strides = array<i32>} : memref<96x768xf32, #tpu.memory_space<vmem>>, vector<1x16xf32>,
      %get3A_229 = vector.shape_cast %get3A_228 : vector<1x16xf32> to vector<16xf32>
      %get3A_230 = arith.constant 50 : i32
      %get3A_231 = arith.index_cast %get3A_230 : i32 to index
      %get3A_232 = arith.index_cast %mul3A_219 : i32 to index
      %get3A_233 = tpu.vector_load %arg6[%get3A_231, %get3A_232] {strides = array<i32>} : memref<96x768xf32, #tpu.memory_space<vmem>>, vector<1x16xf32>,
      %get3A_234 = vector.shape_cast %get3A_233 : vector<1x16xf32> to vector<16xf32>
      %get3A_235 = arith.constant 51 : i32
      %get3A_236 = arith.index_cast %get3A_235 : i32 to index
      %get3A_237 = arith.index_cast %mul3A_219 : i32 to index
      %get3A_238 = tpu.vector_load %arg6[%get3A_236, %get3A_237] {strides = array<i32>} : memref<96x768xf32, #tpu.memory_space<vmem>>, vector<1x16xf32>,
      %get3A_239 = vector.shape_cast %get3A_238 : vector<1x16xf32> to vector<16xf32>
      %get3A_240 = arith.constant 52 : i32
      %get3A_241 = arith.index_cast %get3A_240 : i32 to index
      %get3A_242 = arith.index_cast %mul3A_219 : i32 to index
      %get3A_243 = tpu.vector_load %arg6[%get3A_241, %get3A_242] {strides = array<i32>} : memref<96x768xf32, #tpu.memory_space<vmem>>, vector<1x16xf32>,
      %get3A_244 = vector.shape_cast %get3A_243 : vector<1x16xf32> to vector<16xf32>
      %add3A_245 = arith.addf %get3A_224, %get3A_244 : vector<16xf32>
      %get3A_246 = arith.constant 53 : i32
      %get3A_247 = arith.index_cast %get3A_246 : i32 to index
      %get3A_248 = arith.index_cast %mul3A_219 : i32 to index
      %get3A_249 = tpu.vector_load %arg6[%get3A_247, %get3A_248] {strides = array<i32>} : memref<96x768xf32, #tpu.memory_space<vmem>>, vector<1x16xf32>,
      %get3A_250 = vector.shape_cast %get3A_249 : vector<1x16xf32> to vector<16xf32>
      %add3A_251 = arith.addf %get3A_229, %get3A_250 : vector<16xf32>
      %get3A_252 = arith.constant 54 : i32
      %get3A_253 = arith.index_cast %get3A_252 : i32 to index
      %get3A_254 = arith.index_cast %mul3A_219 : i32 to index
      %get3A_255 = tpu.vector_load %arg6[%get3A_253, %get3A_254] {strides = array<i32>} : memref<96x768xf32, #tpu.memory_space<vmem>>, vector<1x16xf32>,
      %get3A_256 = vector.shape_cast %get3A_255 : vector<1x16xf32> to vector<16xf32>
      %add3A_257 = arith.addf %get3A_234, %get3A_256 : vector<16xf32>
      %get3A_258 = arith.constant 55 : i32
      %get3A_259 = arith.index_cast %get3A_258 : i32 to index
      %get3A_260 = arith.index_cast %mul3A_219 : i32 to index
      %get3A_261 = tpu.vector_load %arg6[%get3A_259, %get3A_260] {strides = array<i32>} : memref<96x768xf32, #tpu.memory_space<vmem>>, vector<1x16xf32>,
      %get3A_262 = vector.shape_cast %get3A_261 : vector<1x16xf32> to vector<16xf32>
      %add3A_263 = arith.addf %get3A_239, %get3A_262 : vector<16xf32>
      %get3A_264 = arith.constant 56 : i32
      %get3A_265 = arith.index_cast %get3A_264 : i32 to index
      %get3A_266 = arith.index_cast %mul3A_219 : i32 to index
      %get3A_267 = tpu.vector_load %arg6[%get3A_265, %get3A_266] {strides = array<i32>} : memref<96x768xf32, #tpu.memory_space<vmem>>, vector<1x16xf32>,
      %get3A_268 = vector.shape_cast %get3A_267 : vector<1x16xf32> to vector<16xf32>
      %add3A_269 = arith.addf %add3A_245, %get3A_268 : vector<16xf32>
      %get3A_270 = arith.constant 57 : i32
      %get3A_271 = arith.index_cast %get3A_270 : i32 to index
      %get3A_272 = arith.index_cast %mul3A_219 : i32 to index
      %get3A_273 = tpu.vector_load %arg6[%get3A_271, %get3A_272] {strides = array<i32>} : memref<96x768xf32, #tpu.memory_space<vmem>>, vector<1x16xf32>,
      %get3A_274 = vector.shape_cast %get3A_273 : vector<1x16xf32> to vector<16xf32>
      %add3A_275 = arith.addf %add3A_251, %get3A_274 : vector<16xf32>
      %get3A_276 = arith.constant 58 : i32
      %get3A_277 = arith.index_cast %get3A_276 : i32 to index
      %get3A_278 = arith.index_cast %mul3A_219 : i32 to index
      %get3A_279 = tpu.vector_load %arg6[%get3A_277, %get3A_278] {strides = array<i32>} : memref<96x768xf32, #tpu.memory_space<vmem>>, vector<1x16xf32>,
      %get3A_280 = vector.shape_cast %get3A_279 : vector<1x16xf32> to vector<16xf32>
      %add3A_281 = arith.addf %add3A_257, %get3A_280 : vector<16xf32>
      %get3A_282 = arith.constant 59 : i32
      %get3A_283 = arith.index_cast %get3A_282 : i32 to index
      %get3A_284 = arith.index_cast %mul3A_219 : i32 to index
      %get3A_285 = tpu.vector_load %arg6[%get3A_283, %get3A_284] {strides = array<i32>} : memref<96x768xf32, #tpu.memory_space<vmem>>, vector<1x16xf32>,
      %get3A_286 = vector.shape_cast %get3A_285 : vector<1x16xf32> to vector<16xf32>
      %add3A_287 = arith.addf %add3A_263, %get3A_286 : vector<16xf32>
      %get3A_288 = arith.constant 60 : i32
      %get3A_289 = arith.index_cast %get3A_288 : i32 to index
      %get3A_290 = arith.index_cast %mul3A_219 : i32 to index
      %get3A_291 = tpu.vector_load %arg6[%get3A_289, %get3A_290] {strides = array<i32>} : memref<96x768xf32, #tpu.memory_space<vmem>>, vector<1x16xf32>,
      %get3A_292 = vector.shape_cast %get3A_291 : vector<1x16xf32> to vector<16xf32>
      %add3A_293 = arith.addf %add3A_269, %get3A_292 : vector<16xf32>
      %get3A_294 = arith.constant 61 : i32
      %get3A_295 = arith.index_cast %get3A_294 : i32 to index
      %get3A_296 = arith.index_cast %mul3A_219 : i32 to index
      %get3A_297 = tpu.vector_load %arg6[%get3A_295, %get3A_296] {strides = array<i32>} : memref<96x768xf32, #tpu.memory_space<vmem>>, vector<1x16xf32>,
      %get3A_298 = vector.shape_cast %get3A_297 : vector<1x16xf32> to vector<16xf32>
      %add3A_299 = arith.addf %add3A_275, %get3A_298 : vector<16xf32>
      %get3A_300 = arith.constant 62 : i32
      %get3A_301 = arith.index_cast %get3A_300 : i32 to index
      %get3A_302 = arith.index_cast %mul3A_219 : i32 to index
      %get3A_303 = tpu.vector_load %arg6[%get3A_301, %get3A_302] {strides = array<i32>} : memref<96x768xf32, #tpu.memory_space<vmem>>, vector<1x16xf32>,
      %get3A_304 = vector.shape_cast %get3A_303 : vector<1x16xf32> to vector<16xf32>
      %add3A_305 = arith.addf %add3A_281, %get3A_304 : vector<16xf32>
      %get3A_306 = arith.constant 63 : i32
      %get3A_307 = arith.index_cast %get3A_306 : i32 to index
      %get3A_308 = arith.index_cast %mul3A_219 : i32 to index
      %get3A_309 = tpu.vector_load %arg6[%get3A_307, %get3A_308] {strides = array<i32>} : memref<96x768xf32, #tpu.memory_space<vmem>>, vector<1x16xf32>,
      %get3A_310 = vector.shape_cast %get3A_309 : vector<1x16xf32> to vector<16xf32>
      %add3A_311 = arith.addf %add3A_287, %get3A_310 : vector<16xf32>
      %get3A_312 = arith.constant 64 : i32
      %get3A_313 = arith.index_cast %get3A_312 : i32 to index
      %get3A_314 = arith.index_cast %mul3A_219 : i32 to index
      %get3A_315 = tpu.vector_load %arg6[%get3A_313, %get3A_314] {strides = array<i32>} : memref<96x768xf32, #tpu.memory_space<vmem>>, vector<1x16xf32>,
      %get3A_316 = vector.shape_cast %get3A_315 : vector<1x16xf32> to vector<16xf32>
      %add3A_317 = arith.addf %add3A_293, %get3A_316 : vector<16xf32>
      %get3A_318 = arith.constant 65 : i32
      %get3A_319 = arith.index_cast %get3A_318 : i32 to index
      %get3A_320 = arith.index_cast %mul3A_219 : i32 to index
      %get3A_321 = tpu.vector_load %arg6[%get3A_319, %get3A_320] {strides = array<i32>} : memref<96x768xf32, #tpu.memory_space<vmem>>, vector<1x16xf32>,
      %get3A_322 = vector.shape_cast %get3A_321 : vector<1x16xf32> to vector<16xf32>
      %add3A_323 = arith.addf %add3A_299, %get3A_322 : vector<16xf32>
      %get3A_324 = arith.constant 66 : i32
      %get3A_325 = arith.index_cast %get3A_324 : i32 to index
      %get3A_326 = arith.index_cast %mul3A_219 : i32 to index
      %get3A_327 = tpu.vector_load %arg6[%get3A_325, %get3A_326] {strides = array<i32>} : memref<96x768xf32, #tpu.memory_space<vmem>>, vector<1x16xf32>,
      %get3A_328 = vector.shape_cast %get3A_327 : vector<1x16xf32> to vector<16xf32>
      %add3A_329 = arith.addf %add3A_305, %get3A_328 : vector<16xf32>
      %get3A_330 = arith.constant 67 : i32
      %get3A_331 = arith.index_cast %get3A_330 : i32 to index
      %get3A_332 = arith.index_cast %mul3A_219 : i32 to index
      %get3A_333 = tpu.vector_load %arg6[%get3A_331, %get3A_332] {strides = array<i32>} : memref<96x768xf32, #tpu.memory_space<vmem>>, vector<1x16xf32>,
      %get3A_334 = vector.shape_cast %get3A_333 : vector<1x16xf32> to vector<16xf32>
      %add3A_335 = arith.addf %add3A_311, %get3A_334 : vector<16xf32>
      %get3A_336 = arith.constant 68 : i32
      %get3A_337 = arith.index_cast %get3A_336 : i32 to index
      %get3A_338 = arith.index_cast %mul3A_219 : i32 to index
      %get3A_339 = tpu.vector_load %arg6[%get3A_337, %get3A_338] {strides = array<i32>} : memref<96x768xf32, #tpu.memory_space<vmem>>, vector<1x16xf32>,
      %get3A_340 = vector.shape_cast %get3A_339 : vector<1x16xf32> to vector<16xf32>
      %add3A_341 = arith.addf %add3A_317, %get3A_340 : vector<16xf32>
      %get3A_342 = arith.constant 69 : i32
      %get3A_343 = arith.index_cast %get3A_342 : i32 to index
      %get3A_344 = arith.index_cast %mul3A_219 : i32 to index
      %get3A_345 = tpu.vector_load %arg6[%get3A_343, %get3A_344] {strides = array<i32>} : memref<96x768xf32, #tpu.memory_space<vmem>>, vector<1x16xf32>,
      %get3A_346 = vector.shape_cast %get3A_345 : vector<1x16xf32> to vector<16xf32>
      %add3A_347 = arith.addf %add3A_323, %get3A_346 : vector<16xf32>
      %get3A_348 = arith.constant 70 : i32
      %get3A_349 = arith.index_cast %get3A_348 : i32 to index
      %get3A_350 = arith.index_cast %mul3A_219 : i32 to index
      %get3A_351 = tpu.vector_load %arg6[%get3A_349, %get3A_350] {strides = array<i32>} : memref<96x768xf32, #tpu.memory_space<vmem>>, vector<1x16xf32>,
      %get3A_352 = vector.shape_cast %get3A_351 : vector<1x16xf32> to vector<16xf32>
      %add3A_353 = arith.addf %add3A_329, %get3A_352 : vector<16xf32>
      %get3A_354 = arith.constant 71 : i32
      %get3A_355 = arith.index_cast %get3A_354 : i32 to index
      %get3A_356 = arith.index_cast %mul3A_219 : i32 to index
      %get3A_357 = tpu.vector_load %arg6[%get3A_355, %get3A_356] {strides = array<i32>} : memref<96x768xf32, #tpu.memory_space<vmem>>, vector<1x16xf32>,
      %get3A_358 = vector.shape_cast %get3A_357 : vector<1x16xf32> to vector<16xf32>
      %add3A_359 = arith.addf %add3A_335, %get3A_358 : vector<16xf32>
      %add3A_360 = arith.addf %add3A_341, %add3A_347 : vector<16xf32>
      %add3A_361 = arith.addf %add3A_353, %add3A_359 : vector<16xf32>
      %add3A_362 = arith.addf %add3A_360, %add3A_361 : vector<16xf32>
      %mul3A_363 = arith.constant 0.0416666679 : f32
      %mul3A_364 = vector.broadcast %mul3A_363 : f32 to vector<16xf32>
      %mul3A_365 = arith.mulf %add3A_362, %mul3A_364 : vector<16xf32>
      %swap3A_366 = arith.constant 2 : i32
      %swap3A_367 = arith.index_cast %swap3A_366 : i32 to index
      %swap3A_368 = arith.index_cast %mul3A_219 : i32 to index
      %swap3A_369 = tpu.vector_load %arg7[%swap3A_367, %swap3A_368] {strides = array<i32>} : memref<4x768xf32, #tpu.memory_space<vmem>>, vector<1x16xf32>,
      %swap3A_370 = vector.shape_cast %swap3A_369 : vector<1x16xf32> to vector<16xf32>
      %swap3A_371 = vector.shape_cast %mul3A_365 : vector<16xf32> to vector<1x16xf32>
      tpu.vector_store %arg7[%swap3A_367, %swap3A_368], %swap3A_371 {strides = array<i32>} : memref<4x768xf32, #tpu.memory_space<vmem>>, vector<1x16xf32>,
    }
    %scan3A_47 = arith.constant 24 : i32
    %scan3A_48 = arith.constant 0 : i32
    %scan3A_49 = arith.constant 0 : i32
    %scan3A_50 = arith.constant 24 : i32
    %scan3A_51 = arith.addi %scan3A_49, %scan3A_50 : i32
    %scan3A_52 = arith.constant 1 : i32
    scf.for %scan3A_58 = %scan3A_49 to %scan3A_51 step %scan3A_52  : i32 {
      %mul3A_59 = arith.constant 2 : i32
      %mul3A_60 = arith.muli %scan3A_58, %mul3A_59 : i32
      %add3A = arith.constant 0 : i32
      %add3A_61 = arith.addi %mul3A_60, %add3A : i32
      %mul3A_62 = arith.constant 16 : i32
      %mul3A_63 = arith.muli %add3A_61, %mul3A_62 : i32
      %get3A = arith.constant 72 : i32
      %get3A_64 = arith.index_cast %get3A : i32 to index
      %get3A_65 = arith.index_cast %mul3A_63 : i32 to index
      %get3A_66 = tpu.vector_load %arg6[%get3A_64, %get3A_65] {strides = array<i32>} : memref<96x768xf32, #tpu.memory_space<vmem>>, vector<1x16xf32>,
      %get3A_67 = vector.shape_cast %get3A_66 : vector<1x16xf32> to vector<16xf32>
      %get3A_68 = arith.constant 73 : i32
      %get3A_69 = arith.index_cast %get3A_68 : i32 to index
      %get3A_70 = arith.index_cast %mul3A_63 : i32 to index
      %get3A_71 = tpu.vector_load %arg6[%get3A_69, %get3A_70] {strides = array<i32>} : memref<96x768xf32, #tpu.memory_space<vmem>>, vector<1x16xf32>,
      %get3A_72 = vector.shape_cast %get3A_71 : vector<1x16xf32> to vector<16xf32>
      %get3A_73 = arith.constant 74 : i32
      %get3A_74 = arith.index_cast %get3A_73 : i32 to index
      %get3A_75 = arith.index_cast %mul3A_63 : i32 to index
      %get3A_76 = tpu.vector_load %arg6[%get3A_74, %get3A_75] {strides = array<i32>} : memref<96x768xf32, #tpu.memory_space<vmem>>, vector<1x16xf32>,
      %get3A_77 = vector.shape_cast %get3A_76 : vector<1x16xf32> to vector<16xf32>
      %get3A_78 = arith.constant 75 : i32
      %get3A_79 = arith.index_cast %get3A_78 : i32 to index
      %get3A_80 = arith.index_cast %mul3A_63 : i32 to index
      %get3A_81 = tpu.vector_load %arg6[%get3A_79, %get3A_80] {strides = array<i32>} : memref<96x768xf32, #tpu.memory_space<vmem>>, vector<1x16xf32>,
      %get3A_82 = vector.shape_cast %get3A_81 : vector<1x16xf32> to vector<16xf32>
      %get3A_83 = arith.constant 76 : i32
      %get3A_84 = arith.index_cast %get3A_83 : i32 to index
      %get3A_85 = arith.index_cast %mul3A_63 : i32 to index
      %get3A_86 = tpu.vector_load %arg6[%get3A_84, %get3A_85] {strides = array<i32>} : memref<96x768xf32, #tpu.memory_space<vmem>>, vector<1x16xf32>,
      %get3A_87 = vector.shape_cast %get3A_86 : vector<1x16xf32> to vector<16xf32>
      %add3A_88 = arith.addf %get3A_67, %get3A_87 : vector<16xf32>
      %get3A_89 = arith.constant 77 : i32
      %get3A_90 = arith.index_cast %get3A_89 : i32 to index
      %get3A_91 = arith.index_cast %mul3A_63 : i32 to index
      %get3A_92 = tpu.vector_load %arg6[%get3A_90, %get3A_91] {strides = array<i32>} : memref<96x768xf32, #tpu.memory_space<vmem>>, vector<1x16xf32>,
      %get3A_93 = vector.shape_cast %get3A_92 : vector<1x16xf32> to vector<16xf32>
      %add3A_94 = arith.addf %get3A_72, %get3A_93 : vector<16xf32>
      %get3A_95 = arith.constant 78 : i32
      %get3A_96 = arith.index_cast %get3A_95 : i32 to index
      %get3A_97 = arith.index_cast %mul3A_63 : i32 to index
      %get3A_98 = tpu.vector_load %arg6[%get3A_96, %get3A_97] {strides = array<i32>} : memref<96x768xf32, #tpu.memory_space<vmem>>, vector<1x16xf32>,
      %get3A_99 = vector.shape_cast %get3A_98 : vector<1x16xf32> to vector<16xf32>
      %add3A_100 = arith.addf %get3A_77, %get3A_99 : vector<16xf32>
      %get3A_101 = arith.constant 79 : i32
      %get3A_102 = arith.index_cast %get3A_101 : i32 to index
      %get3A_103 = arith.index_cast %mul3A_63 : i32 to index
      %get3A_104 = tpu.vector_load %arg6[%get3A_102, %get3A_103] {strides = array<i32>} : memref<96x768xf32, #tpu.memory_space<vmem>>, vector<1x16xf32>,
      %get3A_105 = vector.shape_cast %get3A_104 : vector<1x16xf32> to vector<16xf32>
      %add3A_106 = arith.addf %get3A_82, %get3A_105 : vector<16xf32>
      %get3A_107 = arith.constant 80 : i32
      %get3A_108 = arith.index_cast %get3A_107 : i32 to index
      %get3A_109 = arith.index_cast %mul3A_63 : i32 to index
      %get3A_110 = tpu.vector_load %arg6[%get3A_108, %get3A_109] {strides = array<i32>} : memref<96x768xf32, #tpu.memory_space<vmem>>, vector<1x16xf32>,
      %get3A_111 = vector.shape_cast %get3A_110 : vector<1x16xf32> to vector<16xf32>
      %add3A_112 = arith.addf %add3A_88, %get3A_111 : vector<16xf32>
      %get3A_113 = arith.constant 81 : i32
      %get3A_114 = arith.index_cast %get3A_113 : i32 to index
      %get3A_115 = arith.index_cast %mul3A_63 : i32 to index
      %get3A_116 = tpu.vector_load %arg6[%get3A_114, %get3A_115] {strides = array<i32>} : memref<96x768xf32, #tpu.memory_space<vmem>>, vector<1x16xf32>,
      %get3A_117 = vector.shape_cast %get3A_116 : vector<1x16xf32> to vector<16xf32>
      %add3A_118 = arith.addf %add3A_94, %get3A_117 : vector<16xf32>
      %get3A_119 = arith.constant 82 : i32
      %get3A_120 = arith.index_cast %get3A_119 : i32 to index
      %get3A_121 = arith.index_cast %mul3A_63 : i32 to index
      %get3A_122 = tpu.vector_load %arg6[%get3A_120, %get3A_121] {strides = array<i32>} : memref<96x768xf32, #tpu.memory_space<vmem>>, vector<1x16xf32>,
      %get3A_123 = vector.shape_cast %get3A_122 : vector<1x16xf32> to vector<16xf32>
      %add3A_124 = arith.addf %add3A_100, %get3A_123 : vector<16xf32>
      %get3A_125 = arith.constant 83 : i32
      %get3A_126 = arith.index_cast %get3A_125 : i32 to index
      %get3A_127 = arith.index_cast %mul3A_63 : i32 to index
      %get3A_128 = tpu.vector_load %arg6[%get3A_126, %get3A_127] {strides = array<i32>} : memref<96x768xf32, #tpu.memory_space<vmem>>, vector<1x16xf32>,
      %get3A_129 = vector.shape_cast %get3A_128 : vector<1x16xf32> to vector<16xf32>
      %add3A_130 = arith.addf %add3A_106, %get3A_129 : vector<16xf32>
      %get3A_131 = arith.constant 84 : i32
      %get3A_132 = arith.index_cast %get3A_131 : i32 to index
      %get3A_133 = arith.index_cast %mul3A_63 : i32 to index
      %get3A_134 = tpu.vector_load %arg6[%get3A_132, %get3A_133] {strides = array<i32>} : memref<96x768xf32, #tpu.memory_space<vmem>>, vector<1x16xf32>,
      %get3A_135 = vector.shape_cast %get3A_134 : vector<1x16xf32> to vector<16xf32>
      %add3A_136 = arith.addf %add3A_112, %get3A_135 : vector<16xf32>
      %get3A_137 = arith.constant 85 : i32
      %get3A_138 = arith.index_cast %get3A_137 : i32 to index
      %get3A_139 = arith.index_cast %mul3A_63 : i32 to index
      %get3A_140 = tpu.vector_load %arg6[%get3A_138, %get3A_139] {strides = array<i32>} : memref<96x768xf32, #tpu.memory_space<vmem>>, vector<1x16xf32>,
      %get3A_141 = vector.shape_cast %get3A_140 : vector<1x16xf32> to vector<16xf32>
      %add3A_142 = arith.addf %add3A_118, %get3A_141 : vector<16xf32>
      %get3A_143 = arith.constant 86 : i32
      %get3A_144 = arith.index_cast %get3A_143 : i32 to index
      %get3A_145 = arith.index_cast %mul3A_63 : i32 to index
      %get3A_146 = tpu.vector_load %arg6[%get3A_144, %get3A_145] {strides = array<i32>} : memref<96x768xf32, #tpu.memory_space<vmem>>, vector<1x16xf32>,
      %get3A_147 = vector.shape_cast %get3A_146 : vector<1x16xf32> to vector<16xf32>
      %add3A_148 = arith.addf %add3A_124, %get3A_147 : vector<16xf32>
      %get3A_149 = arith.constant 87 : i32
      %get3A_150 = arith.index_cast %get3A_149 : i32 to index
      %get3A_151 = arith.index_cast %mul3A_63 : i32 to index
      %get3A_152 = tpu.vector_load %arg6[%get3A_150, %get3A_151] {strides = array<i32>} : memref<96x768xf32, #tpu.memory_space<vmem>>, vector<1x16xf32>,
      %get3A_153 = vector.shape_cast %get3A_152 : vector<1x16xf32> to vector<16xf32>
      %add3A_154 = arith.addf %add3A_130, %get3A_153 : vector<16xf32>
      %get3A_155 = arith.constant 88 : i32
      %get3A_156 = arith.index_cast %get3A_155 : i32 to index
      %get3A_157 = arith.index_cast %mul3A_63 : i32 to index
      %get3A_158 = tpu.vector_load %arg6[%get3A_156, %get3A_157] {strides = array<i32>} : memref<96x768xf32, #tpu.memory_space<vmem>>, vector<1x16xf32>,
      %get3A_159 = vector.shape_cast %get3A_158 : vector<1x16xf32> to vector<16xf32>
      %add3A_160 = arith.addf %add3A_136, %get3A_159 : vector<16xf32>
      %get3A_161 = arith.constant 89 : i32
      %get3A_162 = arith.index_cast %get3A_161 : i32 to index
      %get3A_163 = arith.index_cast %mul3A_63 : i32 to index
      %get3A_164 = tpu.vector_load %arg6[%get3A_162, %get3A_163] {strides = array<i32>} : memref<96x768xf32, #tpu.memory_space<vmem>>, vector<1x16xf32>,
      %get3A_165 = vector.shape_cast %get3A_164 : vector<1x16xf32> to vector<16xf32>
      %add3A_166 = arith.addf %add3A_142, %get3A_165 : vector<16xf32>
      %get3A_167 = arith.constant 90 : i32
      %get3A_168 = arith.index_cast %get3A_167 : i32 to index
      %get3A_169 = arith.index_cast %mul3A_63 : i32 to index
      %get3A_170 = tpu.vector_load %arg6[%get3A_168, %get3A_169] {strides = array<i32>} : memref<96x768xf32, #tpu.memory_space<vmem>>, vector<1x16xf32>,
      %get3A_171 = vector.shape_cast %get3A_170 : vector<1x16xf32> to vector<16xf32>
      %add3A_172 = arith.addf %add3A_148, %get3A_171 : vector<16xf32>
      %get3A_173 = arith.constant 91 : i32
      %get3A_174 = arith.index_cast %get3A_173 : i32 to index
      %get3A_175 = arith.index_cast %mul3A_63 : i32 to index
      %get3A_176 = tpu.vector_load %arg6[%get3A_174, %get3A_175] {strides = array<i32>} : memref<96x768xf32, #tpu.memory_space<vmem>>, vector<1x16xf32>,
      %get3A_177 = vector.shape_cast %get3A_176 : vector<1x16xf32> to vector<16xf32>
      %add3A_178 = arith.addf %add3A_154, %get3A_177 : vector<16xf32>
      %get3A_179 = arith.constant 92 : i32
      %get3A_180 = arith.index_cast %get3A_179 : i32 to index
      %get3A_181 = arith.index_cast %mul3A_63 : i32 to index
      %get3A_182 = tpu.vector_load %arg6[%get3A_180, %get3A_181] {strides = array<i32>} : memref<96x768xf32, #tpu.memory_space<vmem>>, vector<1x16xf32>,
      %get3A_183 = vector.shape_cast %get3A_182 : vector<1x16xf32> to vector<16xf32>
      %add3A_184 = arith.addf %add3A_160, %get3A_183 : vector<16xf32>
      %get3A_185 = arith.constant 93 : i32
      %get3A_186 = arith.index_cast %get3A_185 : i32 to index
      %get3A_187 = arith.index_cast %mul3A_63 : i32 to index
      %get3A_188 = tpu.vector_load %arg6[%get3A_186, %get3A_187] {strides = array<i32>} : memref<96x768xf32, #tpu.memory_space<vmem>>, vector<1x16xf32>,
      %get3A_189 = vector.shape_cast %get3A_188 : vector<1x16xf32> to vector<16xf32>
      %add3A_190 = arith.addf %add3A_166, %get3A_189 : vector<16xf32>
      %get3A_191 = arith.constant 94 : i32
      %get3A_192 = arith.index_cast %get3A_191 : i32 to index
      %get3A_193 = arith.index_cast %mul3A_63 : i32 to index
      %get3A_194 = tpu.vector_load %arg6[%get3A_192, %get3A_193] {strides = array<i32>} : memref<96x768xf32, #tpu.memory_space<vmem>>, vector<1x16xf32>,
      %get3A_195 = vector.shape_cast %get3A_194 : vector<1x16xf32> to vector<16xf32>
      %add3A_196 = arith.addf %add3A_172, %get3A_195 : vector<16xf32>
      %get3A_197 = arith.constant 95 : i32
      %get3A_198 = arith.index_cast %get3A_197 : i32 to index
      %get3A_199 = arith.index_cast %mul3A_63 : i32 to index
      %get3A_200 = tpu.vector_load %arg6[%get3A_198, %get3A_199] {strides = array<i32>} : memref<96x768xf32, #tpu.memory_space<vmem>>, vector<1x16xf32>,
      %get3A_201 = vector.shape_cast %get3A_200 : vector<1x16xf32> to vector<16xf32>
      %add3A_202 = arith.addf %add3A_178, %get3A_201 : vector<16xf32>
      %add3A_203 = arith.addf %add3A_184, %add3A_190 : vector<16xf32>
      %add3A_204 = arith.addf %add3A_196, %add3A_202 : vector<16xf32>
      %add3A_205 = arith.addf %add3A_203, %add3A_204 : vector<16xf32>
      %mul3A_206 = arith.constant 0.0416666679 : f32
      %mul3A_207 = vector.broadcast %mul3A_206 : f32 to vector<16xf32>
      %mul3A_208 = arith.mulf %add3A_205, %mul3A_207 : vector<16xf32>
      %swap3A = arith.constant 3 : i32
      %swap3A_209 = arith.index_cast %swap3A : i32 to index
      %swap3A_210 = arith.index_cast %mul3A_63 : i32 to index
      %swap3A_211 = tpu.vector_load %arg7[%swap3A_209, %swap3A_210] {strides = array<i32>} : memref<4x768xf32, #tpu.memory_space<vmem>>, vector<1x16xf32>,
      %swap3A_212 = vector.shape_cast %swap3A_211 : vector<1x16xf32> to vector<16xf32>
      %swap3A_213 = vector.shape_cast %mul3A_208 : vector<16xf32> to vector<1x16xf32>
      tpu.vector_store %arg7[%swap3A_209, %swap3A_210], %swap3A_213 {strides = array<i32>} : memref<4x768xf32, #tpu.memory_space<vmem>>, vector<1x16xf32>,
      %mul3A_214 = arith.constant 2 : i32
      %mul3A_215 = arith.muli %scan3A_58, %mul3A_214 : i32
      %add3A_216 = arith.constant 1 : i32
      %add3A_217 = arith.addi %mul3A_215, %add3A_216 : i32
      %mul3A_218 = arith.constant 16 : i32
      %mul3A_219 = arith.muli %add3A_217, %mul3A_218 : i32
      %get3A_220 = arith.constant 72 : i32
      %get3A_221 = arith.index_cast %get3A_220 : i32 to index
      %get3A_222 = arith.index_cast %mul3A_219 : i32 to index
      %get3A_223 = tpu.vector_load %arg6[%get3A_221, %get3A_222] {strides = array<i32>} : memref<96x768xf32, #tpu.memory_space<vmem>>, vector<1x16xf32>,
      %get3A_224 = vector.shape_cast %get3A_223 : vector<1x16xf32> to vector<16xf32>
      %get3A_225 = arith.constant 73 : i32
      %get3A_226 = arith.index_cast %get3A_225 : i32 to index
      %get3A_227 = arith.index_cast %mul3A_219 : i32 to index
      %get3A_228 = tpu.vector_load %arg6[%get3A_226, %get3A_227] {strides = array<i32>} : memref<96x768xf32, #tpu.memory_space<vmem>>, vector<1x16xf32>,
      %get3A_229 = vector.shape_cast %get3A_228 : vector<1x16xf32> to vector<16xf32>
      %get3A_230 = arith.constant 74 : i32
      %get3A_231 = arith.index_cast %get3A_230 : i32 to index
      %get3A_232 = arith.index_cast %mul3A_219 : i32 to index
      %get3A_233 = tpu.vector_load %arg6[%get3A_231, %get3A_232] {strides = array<i32>} : memref<96x768xf32, #tpu.memory_space<vmem>>, vector<1x16xf32>,
      %get3A_234 = vector.shape_cast %get3A_233 : vector<1x16xf32> to vector<16xf32>
      %get3A_235 = arith.constant 75 : i32
      %get3A_236 = arith.index_cast %get3A_235 : i32 to index
      %get3A_237 = arith.index_cast %mul3A_219 : i32 to index
      %get3A_238 = tpu.vector_load %arg6[%get3A_236, %get3A_237] {strides = array<i32>} : memref<96x768xf32, #tpu.memory_space<vmem>>, vector<1x16xf32>,
      %get3A_239 = vector.shape_cast %get3A_238 : vector<1x16xf32> to vector<16xf32>
      %get3A_240 = arith.constant 76 : i32
      %get3A_241 = arith.index_cast %get3A_240 : i32 to index
      %get3A_242 = arith.index_cast %mul3A_219 : i32 to index
      %get3A_243 = tpu.vector_load %arg6[%get3A_241, %get3A_242] {strides = array<i32>} : memref<96x768xf32, #tpu.memory_space<vmem>>, vector<1x16xf32>,
      %get3A_244 = vector.shape_cast %get3A_243 : vector<1x16xf32> to vector<16xf32>
      %add3A_245 = arith.addf %get3A_224, %get3A_244 : vector<16xf32>
      %get3A_246 = arith.constant 77 : i32
      %get3A_247 = arith.index_cast %get3A_246 : i32 to index
      %get3A_248 = arith.index_cast %mul3A_219 : i32 to index
      %get3A_249 = tpu.vector_load %arg6[%get3A_247, %get3A_248] {strides = array<i32>} : memref<96x768xf32, #tpu.memory_space<vmem>>, vector<1x16xf32>,
      %get3A_250 = vector.shape_cast %get3A_249 : vector<1x16xf32> to vector<16xf32>
      %add3A_251 = arith.addf %get3A_229, %get3A_250 : vector<16xf32>
      %get3A_252 = arith.constant 78 : i32
      %get3A_253 = arith.index_cast %get3A_252 : i32 to index
      %get3A_254 = arith.index_cast %mul3A_219 : i32 to index
      %get3A_255 = tpu.vector_load %arg6[%get3A_253, %get3A_254] {strides = array<i32>} : memref<96x768xf32, #tpu.memory_space<vmem>>, vector<1x16xf32>,
      %get3A_256 = vector.shape_cast %get3A_255 : vector<1x16xf32> to vector<16xf32>
      %add3A_257 = arith.addf %get3A_234, %get3A_256 : vector<16xf32>
      %get3A_258 = arith.constant 79 : i32
      %get3A_259 = arith.index_cast %get3A_258 : i32 to index
      %get3A_260 = arith.index_cast %mul3A_219 : i32 to index
      %get3A_261 = tpu.vector_load %arg6[%get3A_259, %get3A_260] {strides = array<i32>} : memref<96x768xf32, #tpu.memory_space<vmem>>, vector<1x16xf32>,
      %get3A_262 = vector.shape_cast %get3A_261 : vector<1x16xf32> to vector<16xf32>
      %add3A_263 = arith.addf %get3A_239, %get3A_262 : vector<16xf32>
      %get3A_264 = arith.constant 80 : i32
      %get3A_265 = arith.index_cast %get3A_264 : i32 to index
      %get3A_266 = arith.index_cast %mul3A_219 : i32 to index
      %get3A_267 = tpu.vector_load %arg6[%get3A_265, %get3A_266] {strides = array<i32>} : memref<96x768xf32, #tpu.memory_space<vmem>>, vector<1x16xf32>,
      %get3A_268 = vector.shape_cast %get3A_267 : vector<1x16xf32> to vector<16xf32>
      %add3A_269 = arith.addf %add3A_245, %get3A_268 : vector<16xf32>
      %get3A_270 = arith.constant 81 : i32
      %get3A_271 = arith.index_cast %get3A_270 : i32 to index
      %get3A_272 = arith.index_cast %mul3A_219 : i32 to index
      %get3A_273 = tpu.vector_load %arg6[%get3A_271, %get3A_272] {strides = array<i32>} : memref<96x768xf32, #tpu.memory_space<vmem>>, vector<1x16xf32>,
      %get3A_274 = vector.shape_cast %get3A_273 : vector<1x16xf32> to vector<16xf32>
      %add3A_275 = arith.addf %add3A_251, %get3A_274 : vector<16xf32>
      %get3A_276 = arith.constant 82 : i32
      %get3A_277 = arith.index_cast %get3A_276 : i32 to index
      %get3A_278 = arith.index_cast %mul3A_219 : i32 to index
      %get3A_279 = tpu.vector_load %arg6[%get3A_277, %get3A_278] {strides = array<i32>} : memref<96x768xf32, #tpu.memory_space<vmem>>, vector<1x16xf32>,
      %get3A_280 = vector.shape_cast %get3A_279 : vector<1x16xf32> to vector<16xf32>
      %add3A_281 = arith.addf %add3A_257, %get3A_280 : vector<16xf32>
      %get3A_282 = arith.constant 83 : i32
      %get3A_283 = arith.index_cast %get3A_282 : i32 to index
      %get3A_284 = arith.index_cast %mul3A_219 : i32 to index
      %get3A_285 = tpu.vector_load %arg6[%get3A_283, %get3A_284] {strides = array<i32>} : memref<96x768xf32, #tpu.memory_space<vmem>>, vector<1x16xf32>,
      %get3A_286 = vector.shape_cast %get3A_285 : vector<1x16xf32> to vector<16xf32>
      %add3A_287 = arith.addf %add3A_263, %get3A_286 : vector<16xf32>
      %get3A_288 = arith.constant 84 : i32
      %get3A_289 = arith.index_cast %get3A_288 : i32 to index
      %get3A_290 = arith.index_cast %mul3A_219 : i32 to index
      %get3A_291 = tpu.vector_load %arg6[%get3A_289, %get3A_290] {strides = array<i32>} : memref<96x768xf32, #tpu.memory_space<vmem>>, vector<1x16xf32>,
      %get3A_292 = vector.shape_cast %get3A_291 : vector<1x16xf32> to vector<16xf32>
      %add3A_293 = arith.addf %add3A_269, %get3A_292 : vector<16xf32>
      %get3A_294 = arith.constant 85 : i32
      %get3A_295 = arith.index_cast %get3A_294 : i32 to index
      %get3A_296 = arith.index_cast %mul3A_219 : i32 to index
      %get3A_297 = tpu.vector_load %arg6[%get3A_295, %get3A_296] {strides = array<i32>} : memref<96x768xf32, #tpu.memory_space<vmem>>, vector<1x16xf32>,
      %get3A_298 = vector.shape_cast %get3A_297 : vector<1x16xf32> to vector<16xf32>
      %add3A_299 = arith.addf %add3A_275, %get3A_298 : vector<16xf32>
      %get3A_300 = arith.constant 86 : i32
      %get3A_301 = arith.index_cast %get3A_300 : i32 to index
      %get3A_302 = arith.index_cast %mul3A_219 : i32 to index
      %get3A_303 = tpu.vector_load %arg6[%get3A_301, %get3A_302] {strides = array<i32>} : memref<96x768xf32, #tpu.memory_space<vmem>>, vector<1x16xf32>,
      %get3A_304 = vector.shape_cast %get3A_303 : vector<1x16xf32> to vector<16xf32>
      %add3A_305 = arith.addf %add3A_281, %get3A_304 : vector<16xf32>
      %get3A_306 = arith.constant 87 : i32
      %get3A_307 = arith.index_cast %get3A_306 : i32 to index
      %get3A_308 = arith.index_cast %mul3A_219 : i32 to index
      %get3A_309 = tpu.vector_load %arg6[%get3A_307, %get3A_308] {strides = array<i32>} : memref<96x768xf32, #tpu.memory_space<vmem>>, vector<1x16xf32>,
      %get3A_310 = vector.shape_cast %get3A_309 : vector<1x16xf32> to vector<16xf32>
      %add3A_311 = arith.addf %add3A_287, %get3A_310 : vector<16xf32>
      %get3A_312 = arith.constant 88 : i32
      %get3A_313 = arith.index_cast %get3A_312 : i32 to index
      %get3A_314 = arith.index_cast %mul3A_219 : i32 to index
      %get3A_315 = tpu.vector_load %arg6[%get3A_313, %get3A_314] {strides = array<i32>} : memref<96x768xf32, #tpu.memory_space<vmem>>, vector<1x16xf32>,
      %get3A_316 = vector.shape_cast %get3A_315 : vector<1x16xf32> to vector<16xf32>
      %add3A_317 = arith.addf %add3A_293, %get3A_316 : vector<16xf32>
      %get3A_318 = arith.constant 89 : i32
      %get3A_319 = arith.index_cast %get3A_318 : i32 to index
      %get3A_320 = arith.index_cast %mul3A_219 : i32 to index
      %get3A_321 = tpu.vector_load %arg6[%get3A_319, %get3A_320] {strides = array<i32>} : memref<96x768xf32, #tpu.memory_space<vmem>>, vector<1x16xf32>,
      %get3A_322 = vector.shape_cast %get3A_321 : vector<1x16xf32> to vector<16xf32>
      %add3A_323 = arith.addf %add3A_299, %get3A_322 : vector<16xf32>
      %get3A_324 = arith.constant 90 : i32
      %get3A_325 = arith.index_cast %get3A_324 : i32 to index
      %get3A_326 = arith.index_cast %mul3A_219 : i32 to index
      %get3A_327 = tpu.vector_load %arg6[%get3A_325, %get3A_326] {strides = array<i32>} : memref<96x768xf32, #tpu.memory_space<vmem>>, vector<1x16xf32>,
      %get3A_328 = vector.shape_cast %get3A_327 : vector<1x16xf32> to vector<16xf32>
      %add3A_329 = arith.addf %add3A_305, %get3A_328 : vector<16xf32>
      %get3A_330 = arith.constant 91 : i32
      %get3A_331 = arith.index_cast %get3A_330 : i32 to index
      %get3A_332 = arith.index_cast %mul3A_219 : i32 to index
      %get3A_333 = tpu.vector_load %arg6[%get3A_331, %get3A_332] {strides = array<i32>} : memref<96x768xf32, #tpu.memory_space<vmem>>, vector<1x16xf32>,
      %get3A_334 = vector.shape_cast %get3A_333 : vector<1x16xf32> to vector<16xf32>
      %add3A_335 = arith.addf %add3A_311, %get3A_334 : vector<16xf32>
      %get3A_336 = arith.constant 92 : i32
      %get3A_337 = arith.index_cast %get3A_336 : i32 to index
      %get3A_338 = arith.index_cast %mul3A_219 : i32 to index
      %get3A_339 = tpu.vector_load %arg6[%get3A_337, %get3A_338] {strides = array<i32>} : memref<96x768xf32, #tpu.memory_space<vmem>>, vector<1x16xf32>,
      %get3A_340 = vector.shape_cast %get3A_339 : vector<1x16xf32> to vector<16xf32>
      %add3A_341 = arith.addf %add3A_317, %get3A_340 : vector<16xf32>
      %get3A_342 = arith.constant 93 : i32
      %get3A_343 = arith.index_cast %get3A_342 : i32 to index
      %get3A_344 = arith.index_cast %mul3A_219 : i32 to index
      %get3A_345 = tpu.vector_load %arg6[%get3A_343, %get3A_344] {strides = array<i32>} : memref<96x768xf32, #tpu.memory_space<vmem>>, vector<1x16xf32>,
      %get3A_346 = vector.shape_cast %get3A_345 : vector<1x16xf32> to vector<16xf32>
      %add3A_347 = arith.addf %add3A_323, %get3A_346 : vector<16xf32>
      %get3A_348 = arith.constant 94 : i32
      %get3A_349 = arith.index_cast %get3A_348 : i32 to index
      %get3A_350 = arith.index_cast %mul3A_219 : i32 to index
      %get3A_351 = tpu.vector_load %arg6[%get3A_349, %get3A_350] {strides = array<i32>} : memref<96x768xf32, #tpu.memory_space<vmem>>, vector<1x16xf32>,
      %get3A_352 = vector.shape_cast %get3A_351 : vector<1x16xf32> to vector<16xf32>
      %add3A_353 = arith.addf %add3A_329, %get3A_352 : vector<16xf32>
      %get3A_354 = arith.constant 95 : i32
      %get3A_355 = arith.index_cast %get3A_354 : i32 to index
      %get3A_356 = arith.index_cast %mul3A_219 : i32 to index
      %get3A_357 = tpu.vector_load %arg6[%get3A_355, %get3A_356] {strides = array<i32>} : memref<96x768xf32, #tpu.memory_space<vmem>>, vector<1x16xf32>,
      %get3A_358 = vector.shape_cast %get3A_357 : vector<1x16xf32> to vector<16xf32>
      %add3A_359 = arith.addf %add3A_335, %get3A_358 : vector<16xf32>
      %add3A_360 = arith.addf %add3A_341, %add3A_347 : vector<16xf32>
      %add3A_361 = arith.addf %add3A_353, %add3A_359 : vector<16xf32>
      %add3A_362 = arith.addf %add3A_360, %add3A_361 : vector<16xf32>
      %mul3A_363 = arith.constant 0.0416666679 : f32
      %mul3A_364 = vector.broadcast %mul3A_363 : f32 to vector<16xf32>
      %mul3A_365 = arith.mulf %add3A_362, %mul3A_364 : vector<16xf32>
      %swap3A_366 = arith.constant 3 : i32
      %swap3A_367 = arith.index_cast %swap3A_366 : i32 to index
      %swap3A_368 = arith.index_cast %mul3A_219 : i32 to index
      %swap3A_369 = tpu.vector_load %arg7[%swap3A_367, %swap3A_368] {strides = array<i32>} : memref<4x768xf32, #tpu.memory_space<vmem>>, vector<1x16xf32>,
      %swap3A_370 = vector.shape_cast %swap3A_369 : vector<1x16xf32> to vector<16xf32>
      %swap3A_371 = vector.shape_cast %mul3A_365 : vector<16xf32> to vector<1x16xf32>
      tpu.vector_store %arg7[%swap3A_367, %swap3A_368], %swap3A_371 {strides = array<i32>} : memref<4x768xf32, #tpu.memory_space<vmem>>, vector<1x16xf32>,
    }
    %scan3A_53 = arith.constant 24 : i32
    %mul3A_54 = arith.constant 4 : i32
    %mul3A_55 = arith.muli %arg1, %mul3A_54 : i32
    "tpu.region"() ({
      %run_scoped3A = tpu.sem_alloc : memref<!tpu.dma_semaphore, #tpu.memory_space<semaphore_mem>>
      %dma_start3A_58 = arith.constant 0 : i32
      %dma_start3A_59 = arith.constant 0 : i32
      %dma_start3A_60 = tpu.memref_slice %arg7[%dma_start3A_58, %dma_start3A_59] : memref<4x768xf32, #tpu.memory_space<vmem>> -> memref<4x768xf32, #tpu.memory_space<vmem>>
      %dma_start3A_61 = arith.constant 0 : i32
      %dma_start3A_62 = tpu.memref_slice %arg8[%mul3A_55, %dma_start3A_61] : memref<64x768xf32, #tpu.memory_space<vmem_shared>> -> memref<4x768xf32, #tpu.memory_space<vmem_shared>>
      %dma_start3A_63 = arith.constant 0 : i32
      %dma_start3A_64 = tpu.memref_slice %arg8[%mul3A_55, %dma_start3A_63] : memref<64x768xf32, #tpu.memory_space<vmem_shared>> -> memref<4x768xf32, #tpu.memory_space<vmem_shared>>
      %dma_start3A_65 = arith.constant 0 : i32
      %dma_start3A_66 = arith.constant 0 : i32
      %dma_start3A_67 = tpu.memref_slice %arg7[%dma_start3A_65, %dma_start3A_66] : memref<4x768xf32, #tpu.memory_space<vmem>> -> memref<4x768xf32, #tpu.memory_space<vmem>>
      tpu.enqueue_dma source(%dma_start3A_67 : memref<4x768xf32, #tpu.memory_space<vmem>>) target(%dma_start3A_64 : memref<4x768xf32, #tpu.memory_space<vmem_shared>>) target_semaphore(%run_scoped3A : memref<!tpu.dma_semaphore, #tpu.memory_space<semaphore_mem>>)
      %dma_wait3A_68 = arith.constant 0 : i32
      %dma_wait3A_69 = arith.constant 0 : i32
      %dma_wait3A_70 = tpu.memref_slice %arg7[%dma_wait3A_68, %dma_wait3A_69] : memref<4x768xf32, #tpu.memory_space<vmem>> -> memref<4x768xf32, #tpu.memory_space<vmem>>
      %dma_wait3A_71 = arith.constant 0 : i32
      %dma_wait3A_72 = tpu.memref_slice %arg8[%mul3A_55, %dma_wait3A_71] : memref<64x768xf32, #tpu.memory_space<vmem_shared>> -> memref<4x768xf32, #tpu.memory_space<vmem_shared>>
      %dma_wait3A_73 = arith.constant 0 : i32
      %dma_wait3A_74 = tpu.memref_slice %arg8[%mul3A_55, %dma_wait3A_73] : memref<64x768xf32, #tpu.memory_space<vmem_shared>> -> memref<4x768xf32, #tpu.memory_space<vmem_shared>>
      %dma_wait3A_75 = arith.constant 0 : i32
      %dma_wait3A_76 = arith.constant 0 : i32
      %dma_wait3A_77 = tpu.memref_slice %arg7[%dma_wait3A_75, %dma_wait3A_76] : memref<4x768xf32, #tpu.memory_space<vmem>> -> memref<4x768xf32, #tpu.memory_space<vmem>>
      tpu.wait_dma2 semaphore(%run_scoped3A : memref<!tpu.dma_semaphore, #tpu.memory_space<semaphore_mem>>) src(%dma_wait3A_77 : memref<4x768xf32, #tpu.memory_space<vmem>>) dst(%dma_wait3A_74 : memref<4x768xf32, #tpu.memory_space<vmem_shared>>)
      tpu.yield
    }) : () -> ()
    %barrier3A = arith.constant 0 : index
    tpu.barrier barrier_id(%barrier3A)
    %lt3A = arith.constant 8 : i32
    %lt3A_56 = arith.cmpi slt, %arg1, %lt3A : i32
    %convert_element_type3A = arith.extui %lt3A_56 : i1 to i32
    %cond3A = arith.constant 0 : i32
    %cond3A_57 = arith.cmpi ne, %convert_element_type3A, %cond3A : i32
    scf.if %cond3A_57 {
      %mul3A_58 = arith.constant 8 : i32
      %mul3A_59 = arith.muli %arg1, %mul3A_58 : i32
      "tpu.region"() ({
        %run_scoped3A = tpu.sem_alloc : memref<!tpu.dma_semaphore, #tpu.memory_space<semaphore_mem>>
        %dma_start3A_62 = arith.constant 0 : i32
        %dma_start3A_63 = arith.constant 0 : i32
        %dma_start3A_64 = tpu.memref_slice %arg6[%dma_start3A_62, %dma_start3A_63] : memref<96x768xf32, #tpu.memory_space<vmem>> -> memref<8x768xf32, #tpu.memory_space<vmem>>
        %dma_start3A_65 = arith.constant 0 : i32
        %dma_start3A_66 = tpu.memref_slice %arg8[%mul3A_59, %dma_start3A_65] : memref<64x768xf32, #tpu.memory_space<vmem_shared>> -> memref<8x768xf32, #tpu.memory_space<vmem_shared>>
        %dma_start3A_67 = arith.constant 0 : i32
        %dma_start3A_68 = arith.constant 0 : i32
        %dma_start3A_69 = tpu.memref_slice %arg6[%dma_start3A_67, %dma_start3A_68] : memref<96x768xf32, #tpu.memory_space<vmem>> -> memref<8x768xf32, #tpu.memory_space<vmem>>
        %dma_start3A_70 = arith.constant 0 : i32
        %dma_start3A_71 = tpu.memref_slice %arg8[%mul3A_59, %dma_start3A_70] : memref<64x768xf32, #tpu.memory_space<vmem_shared>> -> memref<8x768xf32, #tpu.memory_space<vmem_shared>>
        tpu.enqueue_dma source(%dma_start3A_71 : memref<8x768xf32, #tpu.memory_space<vmem_shared>>) target(%dma_start3A_69 : memref<8x768xf32, #tpu.memory_space<vmem>>) target_semaphore(%run_scoped3A : memref<!tpu.dma_semaphore, #tpu.memory_space<semaphore_mem>>)
        %dma_wait3A_72 = arith.constant 0 : i32
        %dma_wait3A_73 = arith.constant 0 : i32
        %dma_wait3A_74 = tpu.memref_slice %arg6[%dma_wait3A_72, %dma_wait3A_73] : memref<96x768xf32, #tpu.memory_space<vmem>> -> memref<8x768xf32, #tpu.memory_space<vmem>>
        %dma_wait3A_75 = arith.constant 0 : i32
        %dma_wait3A_76 = tpu.memref_slice %arg8[%mul3A_59, %dma_wait3A_75] : memref<64x768xf32, #tpu.memory_space<vmem_shared>> -> memref<8x768xf32, #tpu.memory_space<vmem_shared>>
        %dma_wait3A_77 = arith.constant 0 : i32
        %dma_wait3A_78 = arith.constant 0 : i32
        %dma_wait3A_79 = tpu.memref_slice %arg6[%dma_wait3A_77, %dma_wait3A_78] : memref<96x768xf32, #tpu.memory_space<vmem>> -> memref<8x768xf32, #tpu.memory_space<vmem>>
        %dma_wait3A_80 = arith.constant 0 : i32
        %dma_wait3A_81 = tpu.memref_slice %arg8[%mul3A_59, %dma_wait3A_80] : memref<64x768xf32, #tpu.memory_space<vmem_shared>> -> memref<8x768xf32, #tpu.memory_space<vmem_shared>>
        tpu.wait_dma2 semaphore(%run_scoped3A : memref<!tpu.dma_semaphore, #tpu.memory_space<semaphore_mem>>) src(%dma_wait3A_81 : memref<8x768xf32, #tpu.memory_space<vmem_shared>>) dst(%dma_wait3A_79 : memref<8x768xf32, #tpu.memory_space<vmem>>)
        tpu.yield
      }) : () -> ()
      %mul3A_60 = arith.constant 8 : i32
      %mul3A_61 = arith.muli %arg1, %mul3A_60 : i32
      "tpu.region"() ({
        %run_scoped3A = tpu.sem_alloc : memref<!tpu.dma_semaphore, #tpu.memory_space<semaphore_mem>>
        %dma_start3A_62 = arith.constant 0 : i32
        %dma_start3A_63 = arith.constant 0 : i32
        %dma_start3A_64 = tpu.memref_slice %arg6[%dma_start3A_62, %dma_start3A_63] : memref<96x768xf32, #tpu.memory_space<vmem>> -> memref<8x768xf32, #tpu.memory_space<vmem>>
        %dma_start3A_65 = arith.constant 0 : i32
        %dma_start3A_66 = tpu.memref_slice %arg4[%mul3A_61, %dma_start3A_65] : memref<64x768xf32, #tpu.memory_space<hbm>> -> memref<8x768xf32, #tpu.memory_space<hbm>>
        %dma_start3A_67 = arith.constant 0 : i32
        %dma_start3A_68 = tpu.memref_slice %arg4[%mul3A_61, %dma_start3A_67] : memref<64x768xf32, #tpu.memory_space<hbm>> -> memref<8x768xf32, #tpu.memory_space<hbm>>
        %dma_start3A_69 = arith.constant 0 : i32
        %dma_start3A_70 = arith.constant 0 : i32
        %dma_start3A_71 = tpu.memref_slice %arg6[%dma_start3A_69, %dma_start3A_70] : memref<96x768xf32, #tpu.memory_space<vmem>> -> memref<8x768xf32, #tpu.memory_space<vmem>>
        tpu.enqueue_dma source(%dma_start3A_71 : memref<8x768xf32, #tpu.memory_space<vmem>>) target(%dma_start3A_68 : memref<8x768xf32, #tpu.memory_space<hbm>>) target_semaphore(%run_scoped3A : memref<!tpu.dma_semaphore, #tpu.memory_space<semaphore_mem>>)
        %dma_wait3A_72 = arith.constant 0 : i32
        %dma_wait3A_73 = arith.constant 0 : i32
        %dma_wait3A_74 = tpu.memref_slice %arg6[%dma_wait3A_72, %dma_wait3A_73] : memref<96x768xf32, #tpu.memory_space<vmem>> -> memref<8x768xf32, #tpu.memory_space<vmem>>
        %dma_wait3A_75 = arith.constant 0 : i32
        %dma_wait3A_76 = tpu.memref_slice %arg4[%mul3A_61, %dma_wait3A_75] : memref<64x768xf32, #tpu.memory_space<hbm>> -> memref<8x768xf32, #tpu.memory_space<hbm>>
        %dma_wait3A_77 = arith.constant 0 : i32
        %dma_wait3A_78 = tpu.memref_slice %arg4[%mul3A_61, %dma_wait3A_77] : memref<64x768xf32, #tpu.memory_space<hbm>> -> memref<8x768xf32, #tpu.memory_space<hbm>>
        %dma_wait3A_79 = arith.constant 0 : i32
        %dma_wait3A_80 = arith.constant 0 : i32
        %dma_wait3A_81 = tpu.memref_slice %arg6[%dma_wait3A_79, %dma_wait3A_80] : memref<96x768xf32, #tpu.memory_space<vmem>> -> memref<8x768xf32, #tpu.memory_space<vmem>>
        tpu.wait_dma2 semaphore(%run_scoped3A : memref<!tpu.dma_semaphore, #tpu.memory_space<semaphore_mem>>) src(%dma_wait3A_81 : memref<8x768xf32, #tpu.memory_space<vmem>>) dst(%dma_wait3A_78 : memref<8x768xf32, #tpu.memory_space<hbm>>)
        tpu.yield
      }) : () -> ()
    } else {
    }
    return
  }
}

module attributes {stable_mosaic.version = 14 : i64} {
  func.func @_combine_body(%arg0: memref<64x768xf32, #tpu.memory_space<vmem>>, %arg1: memref<64x768xf32, #tpu.memory_space<vmem>>, %arg2: memref<64x1xf32, #tpu.memory_space<vmem>>, %arg3: memref<1x1xf32, #tpu.memory_space<vmem>>) attributes {dimension_semantics = [], scalar_prefetch = 0 : i64, scratch_operands = 0 : i64, tpu.core_type = #tpu.core_type<tc>} {
    %get3A = arith.constant 0 : index
    %get3A_0 = arith.constant 0 : index
    %get3A_1 = vector.load %arg0[%get3A, %get3A_0] : memref<64x768xf32, #tpu.memory_space<vmem>>, vector<64x768xf32>
    %get3A_2 = arith.constant 0 : index
    %get3A_3 = arith.constant 0 : index
    %get3A_4 = vector.load %arg1[%get3A_2, %get3A_3] : memref<64x768xf32, #tpu.memory_space<vmem>>, vector<64x768xf32>
    %get3A_5 = arith.constant 0 : index
    %get3A_6 = arith.constant 0 : index
    %get3A_7 = vector.load %arg2[%get3A_5, %get3A_6] : memref<64x1xf32, #tpu.memory_space<vmem>>, vector<64x1xf32>
    %mul3A = arith.mulf %get3A_1, %get3A_1 : vector<64x768xf32>
    %reduce_sum3A = arith.constant dense<0.000000e+00> : vector<64xf32>
    %reduce_sum3A_8 = vector.multi_reduction <add>, %mul3A, %reduce_sum3A [1] : vector<64x768xf32> to vector<64xf32>
    %broadcast_in_dim3A = vector.shape_cast %reduce_sum3A_8 : vector<64xf32> to vector<64x1xf32>
    %sqrt3A = math.sqrt %broadcast_in_dim3A : vector<64x1xf32>
    %mul3A_9 = arith.mulf %get3A_4, %get3A_4 : vector<64x768xf32>
    %reduce_sum3A_10 = arith.constant dense<0.000000e+00> : vector<64xf32>
    %reduce_sum3A_11 = vector.multi_reduction <add>, %mul3A_9, %reduce_sum3A_10 [1] : vector<64x768xf32> to vector<64xf32>
    %broadcast_in_dim3A_12 = vector.shape_cast %reduce_sum3A_11 : vector<64xf32> to vector<64x1xf32>
    %sqrt3A_13 = math.sqrt %broadcast_in_dim3A_12 : vector<64x1xf32>
    %max3A = arith.constant 9.99999993E-9 : f32
    %max3A_14 = vector.broadcast %max3A : f32 to vector<64x1xf32>
    %max3A_15 = arith.maximumf %sqrt3A, %max3A_14 : vector<64x1xf32>
    %max3A_16 = arith.constant 9.99999993E-9 : f32
    %max3A_17 = vector.broadcast %max3A_16 : f32 to vector<64x1xf32>
    %max3A_18 = arith.maximumf %sqrt3A_13, %max3A_17 : vector<64x1xf32>
    %mul3A_19 = arith.mulf %max3A_15, %max3A_18 : vector<64x1xf32>
    %mul3A_20 = arith.mulf %get3A_1, %get3A_4 : vector<64x768xf32>
    %reduce_sum3A_21 = arith.constant dense<0.000000e+00> : vector<64xf32>
    %reduce_sum3A_22 = vector.multi_reduction <add>, %mul3A_20, %reduce_sum3A_21 [1] : vector<64x768xf32> to vector<64xf32>
    %broadcast_in_dim3A_23 = vector.shape_cast %reduce_sum3A_22 : vector<64xf32> to vector<64x1xf32>
    %div3A = arith.divf %broadcast_in_dim3A_23, %mul3A_19 : vector<64x1xf32>
    %sub3A = arith.constant 1.000000e+00 : f32
    %sub3A_24 = vector.broadcast %sub3A : f32 to vector<64x1xf32>
    %sub3A_25 = arith.subf %sub3A_24, %div3A : vector<64x1xf32>
    %mul3A_26 = arith.mulf %get3A_7, %sub3A_25 : vector<64x1xf32>
    %reduce_sum3A_27 = arith.constant dense<0.000000e+00> : vector<1xf32>
    %reduce_sum3A_28 = vector.multi_reduction <add>, %mul3A_26, %reduce_sum3A_27 [0] : vector<64x1xf32> to vector<1xf32>
    %broadcast_in_dim3A_29 = vector.shape_cast %reduce_sum3A_28 : vector<1xf32> to vector<1x1xf32>
    %reduce_sum3A_30 = arith.constant dense<0.000000e+00> : vector<1xf32>
    %reduce_sum3A_31 = vector.multi_reduction <add>, %get3A_7, %reduce_sum3A_30 [0] : vector<64x1xf32> to vector<1xf32>
    %broadcast_in_dim3A_32 = vector.shape_cast %reduce_sum3A_31 : vector<1xf32> to vector<1x1xf32>
    %gt3A = arith.constant 0.000000e+00 : f32
    %gt3A_33 = vector.broadcast %gt3A : f32 to vector<1x1xf32>
    %gt3A_34 = arith.cmpf ogt, %broadcast_in_dim3A_32, %gt3A_33 : vector<1x1xf32>
    %max3A_35 = arith.constant 1.000000e+00 : f32
    %max3A_36 = vector.broadcast %max3A_35 : f32 to vector<1x1xf32>
    %max3A_37 = arith.maximumf %broadcast_in_dim3A_32, %max3A_36 : vector<1x1xf32>
    %div3A_38 = arith.divf %broadcast_in_dim3A_29, %max3A_37 : vector<1x1xf32>
    %jit3A = arith.constant 0.000000e+00 : f32
    %broadcast_in_dim3A_39 = vector.broadcast %jit3A : f32 to vector<1x1xf32>
    %select_n3A = arith.select %gt3A_34, %div3A_38, %broadcast_in_dim3A_39 : vector<1x1xi1>, vector<1x1xf32>
    %swap3A = arith.constant 0 : index
    %swap3A_40 = arith.constant 0 : index
    %swap3A_41 = vector.load %arg3[%swap3A, %swap3A_40] : memref<1x1xf32, #tpu.memory_space<vmem>>, vector<1x1xf32>
    tpu.vector_store %arg3[%swap3A, %swap3A_40], %select_n3A {strides = array<i32>} : memref<1x1xf32, #tpu.memory_space<vmem>>, vector<1x1xf32>,
    return
  }
}

module attributes {stable_mosaic.version = 14 : i64} {
  func.func @_mlp_body(%arg0: memref<64x768xf32, #tpu.memory_space<vmem>>, %arg1: memref<64x1xf32, #tpu.memory_space<vmem>>, %arg2: memref<768x512xf32, #tpu.memory_space<vmem>>, %arg3: memref<512x512xf32, #tpu.memory_space<vmem>>, %arg4: memref<512x768xf32, #tpu.memory_space<vmem>>, %arg5: memref<64x768xf32, #tpu.memory_space<vmem>>, %arg6: memref<64x768xf32, #tpu.memory_space<vmem>>) attributes {dimension_semantics = [], scalar_prefetch = 0 : i64, scratch_operands = 0 : i64, tpu.core_type = #tpu.core_type<tc>} {
    %get3A = arith.constant 0 : index
    %get3A_0 = arith.constant 0 : index
    %get3A_1 = vector.load %arg0[%get3A, %get3A_0] : memref<64x768xf32, #tpu.memory_space<vmem>>, vector<64x768xf32>
    %get3A_2 = arith.constant 0 : index
    %get3A_3 = arith.constant 0 : index
    %get3A_4 = vector.load %arg2[%get3A_2, %get3A_3] : memref<768x512xf32, #tpu.memory_space<vmem>>, vector<768x512xf32>
    %dot_general3A = arith.constant dense<0.000000e+00> : vector<64x512xf32>
    %dot_general3A_5 = tpu.matmul %get3A_1, %get3A_4, %dot_general3A {dimension_numbers = #tpu.dot_dimension_numbers<[1], [0], [0], [1], [0, 0, 1, 1], [], []>, transpose_lhs_hint = false} : vector<64x768xf32>, vector<768x512xf32>, vector<64x512xf32> -> vector<64x512xf32>
    %max3A = arith.constant 0.000000e+00 : f32
    %max3A_6 = vector.broadcast %max3A : f32 to vector<64x512xf32>
    %max3A_7 = arith.maximumf %dot_general3A_5, %max3A_6 : vector<64x512xf32>
    %get3A_8 = arith.constant 0 : index
    %get3A_9 = arith.constant 0 : index
    %get3A_10 = vector.load %arg3[%get3A_8, %get3A_9] : memref<512x512xf32, #tpu.memory_space<vmem>>, vector<512x512xf32>
    %dot_general3A_11 = arith.constant dense<0.000000e+00> : vector<64x512xf32>
    %dot_general3A_12 = tpu.matmul %max3A_7, %get3A_10, %dot_general3A_11 {dimension_numbers = #tpu.dot_dimension_numbers<[1], [0], [0], [1], [0, 0, 1, 1], [], []>, transpose_lhs_hint = false} : vector<64x512xf32>, vector<512x512xf32>, vector<64x512xf32> -> vector<64x512xf32>
    %max3A_13 = arith.constant 0.000000e+00 : f32
    %max3A_14 = vector.broadcast %max3A_13 : f32 to vector<64x512xf32>
    %max3A_15 = arith.maximumf %dot_general3A_12, %max3A_14 : vector<64x512xf32>
    %get3A_16 = arith.constant 0 : index
    %get3A_17 = arith.constant 0 : index
    %get3A_18 = vector.load %arg4[%get3A_16, %get3A_17] : memref<512x768xf32, #tpu.memory_space<vmem>>, vector<512x768xf32>
    %dot_general3A_19 = arith.constant dense<0.000000e+00> : vector<64x768xf32>
    %dot_general3A_20 = tpu.matmul %max3A_15, %get3A_18, %dot_general3A_19 {dimension_numbers = #tpu.dot_dimension_numbers<[1], [0], [0], [1], [0, 0, 1, 1], [], []>, transpose_lhs_hint = false} : vector<64x512xf32>, vector<512x768xf32>, vector<64x768xf32> -> vector<64x768xf32>
    %swap3A = arith.constant 0 : index
    %swap3A_21 = arith.constant 0 : index
    %swap3A_22 = vector.load %arg5[%swap3A, %swap3A_21] : memref<64x768xf32, #tpu.memory_space<vmem>>, vector<64x768xf32>
    tpu.vector_store %arg5[%swap3A, %swap3A_21], %dot_general3A_20 {strides = array<i32>} : memref<64x768xf32, #tpu.memory_space<vmem>>, vector<64x768xf32>,
    %get3A_23 = arith.constant 0 : index
    %get3A_24 = arith.constant 0 : index
    %get3A_25 = vector.load %arg1[%get3A_23, %get3A_24] : memref<64x1xf32, #tpu.memory_space<vmem>>, vector<64x1xf32>
    %gt3A = arith.constant 0.000000e+00 : f32
    %gt3A_26 = vector.broadcast %gt3A : f32 to vector<64x1xf32>
    %gt3A_27 = arith.cmpf ogt, %get3A_25, %gt3A_26 : vector<64x1xf32>
    %broadcast_in_dim3A = vector.shape_cast %gt3A_27 : vector<64x1xi1> to vector<64x1xi1>
    %broadcast_in_dim3A_28 = vector.broadcast %broadcast_in_dim3A : vector<64x1xi1> to vector<64x768xi1>
    %select_n3A = arith.select %broadcast_in_dim3A_28, %dot_general3A_20, %get3A_1 : vector<64x768xi1>, vector<64x768xf32>
    %swap3A_29 = arith.constant 0 : index
    %swap3A_30 = arith.constant 0 : index
    %swap3A_31 = vector.load %arg6[%swap3A_29, %swap3A_30] : memref<64x768xf32, #tpu.memory_space<vmem>>, vector<64x768xf32>
    tpu.vector_store %arg6[%swap3A_29, %swap3A_30], %select_n3A {strides = array<i32>} : memref<64x768xf32, #tpu.memory_space<vmem>>, vector<64x768xf32>,
    return
  }
}

</mosaic_0001>

<sc_bundles>
// kernel: kernel.5.cloned.1.call-start
scs
__scs_entry_jumppad:
0x0: {  	(pc) =	sbr.rel $0x88, $3  }
0x1: {  	(tag) =	ssettag $0x0;
	lr =	simm.s32 $0x1  }
0x2: {  	[smem:$0x3F9A] =	sst lr;
	_ =	strace $0xD0000000  }
0x3: {  	_ = 	snop  }
0x4: {  	_ = 	snop  }
0x5: {  	_ = 	snop  }
0x6: {  	_ = 	snop  }
0x7: {  	_ = 	snop  }
__scs_overlays_trampoline_lowered:
0x8: {  	[smem:$0x3FA9] =	sst s0  }
0x9: {  	[smem:$0x3FAA] =	sst s1  }
0xa: {  	[smem:$0x3FAB] =	sst s2  }
0xb: {  	[smem:$0x3FAC] =	sst s3  }
0xc: {  	[smem:$0x3FAD] =	sst s4  }
0xd: {  	[smem:$0x3FAE] =	sst s5  }
0xe: {  	[smem:$0x3FAF] =	sst s6  }
0xf: {  	[smem:$0x3FB0] =	sst s7  }
0x10: {  	[smem:$0x3FB1] =	sst s8  }
0x11: {  	[smem:$0x3FB2] =	sst s9;
	s0 =	simm.s32 @!p0 $0x0  }
0x12: {  	s1 =	sld [smem:$0x3F98];
	s0 =	simm.s32 @p0 $0x1  }
0x13: {  	[smem:$0x3FB3] =	sst s0;
	s0 =	simm.s32 @!p1 $0x0  }
0x14: {  	s2 =	sld [smem:$0x3F97];
	s0 =	simm.s32 @p1 $0x1  }
0x15: {  	[smem:$0x3FB4] =	sst s0;
	s0 =	simm.s32 @!p2 $0x0  }
0x16: {  	s3 =	sld [smem:$0x3FDB];
	s0 =	simm.s32 @p2 $0x1  }
0x17: {  	s4 =	simm.s32 $0x1BF5;
	[smem:$0x3FB6] =	sst s0  }
0x18: {  	s0 =	sld [smem:$0x3F99];
	_ =	swait.ge [sflag:s4], $0x0  }
0x19: {  	s7 =	sld [smem:$0x3F9A]  }
0x1a: {  	s8 =	sadd.s32 $0xFFFFE003, lr  }
0x1b: {  	s9 =	sadd.s32 $0xFFFFFEF7, lr;
	s5 =	simm.s32 $0xFFFFFFFF;
	p2 =	slt.u32 s8, $0xFFFFF086  }
0x1c: {  	p1 =	slt.u32 s9, $0xF7A;
	s5 =	simm.s32 @!p2 $0x0  }
0x1d: {  	s5 =	simm.s32 @p1 $0x1;
	p0 =	seq.s32 s7, s2  }
0x1e: {  	s7 =	smul.u32 @!p0 $0xF7A, s2;
	p2 =	seq.s32 @!p0 s5, $0x0  }
0x1f: {  	s9 =	smul.u32 $0xF7A, s1;
	s8 =	simm.s32 @!p0 $0x1BF5;
	p2 =	por !p2, p0  }
0x20: {  	[sflag:s8] =	ssyncset.s32 @!p0 $0xFFFFF086;
	s6 =	sadd.s32 @!p0 s3, s7;
	s7 =	simm.s32 @!p0 $0x108  }
0x21: {  	s3 =	sadd.s32 s3, s9;
	s6 =	sadd.s32 @!p0 $0x88, s6;
	s7 =	simm.s32 @p2 $0x1082  }
0x22: {  	[simem:s7], [sflag:s8] =	dma.local @!p0 [hbm:s6], $0xF7A  }
0x23: {  	s9 =	sor.u32 $0xD0000000, s2;
	s6 =	simm.s32 $0x108;
	_ =	swait.ge @!p0 [sflag:s8], $0x0  }
0x24: {  	s3 =	sadd.s32 $0x88, s3;
	s6 =	simm.s32 @!p1 $0x1082;
	[sflag:s4] =	ssyncset.s32 $0xFFFFF086  }
0x25: {  	[simem:s6], [sflag:s4] =	dma.local [hbm:s3], $0xF7A  }
0x26: {  	[smem:$0x3F9A] =	sst s1;
	(tag) =	ssettag s2;
	_ =	strace s9  }
0x27: {  	s1 =	sld [smem:$0x3FAA]  }
0x28: {  	s2 =	sld [smem:$0x3FAB]  }
0x29: {  	s4 =	sld [smem:$0x3FAD]  }
0x2a: {  	p0 =	seq.s32 s5, $0x0;
	s5 =	sld [smem:$0x3FAE]  }
0x2b: {  	s6 =	sld [smem:$0x3FAF]  }
0x2c: {  	s7 =	sld [smem:$0x3FB0]  }
0x2d: {  	s3 =	simm.s32 $0x108;
	s8 =	sld [smem:$0x3FB1]  }
0x2e: {  	s3 =	simm.s32 @!p0 $0x1082;
	s9 =	sld [smem:$0x3FB2]  }
0x2f: {  	lr =	sadd.s32 s0, s3;
	s0 =	sld [smem:$0x3FA9]  }
0x30: {  	s3 =	sld [smem:$0x3FAC]  }
0x31: {  	[smem:$0x3FB5] =	sst s10  }
0x32: {  	s10 =	sld [smem:$0x3FB3];
	_ =	sdelay $0x3  }
0x33: {  	p0 =	seq.s32 s10, $0x1;
	s10 =	sld [smem:$0x3FB5];
	_ =	sdelay $0x3  }
0x34: {  	[smem:$0x3FB5] =	sst s10  }
0x35: {  	s10 =	sld [smem:$0x3FB4];
	_ =	sdelay $0x3  }
0x36: {  	p1 =	seq.s32 s10, $0x1;
	s10 =	sld [smem:$0x3FB5];
	_ =	sdelay $0x3  }
0x37: {  	[smem:$0x3FB5] =	sst s10  }
0x38: {  	s10 =	sld [smem:$0x3FB6]  }
0x39: {  	_ = 	snop;
	(pc) =	sbr.ind lr, $3  }
0x3a: {  	_ = 	snop  }
0x3b: {  	_ = 	snop  }
0x3c: {  	p2 =	seq.s32 s10, $0x1;
	s10 =	sld [smem:$0x3FB5]  }
0x3d: {  	_ =	shalt  }
0x3e: {  	_ =	shalt  }
0x3f: {  	_ =	shalt  }
0x40: {  	_ =	shalt  }
0x41: {  	_ =	shalt  }
0x42: {  	_ =	shalt  }
0x43: {  	_ =	shalt  }
0x44: {  	_ =	shalt  }
0x45: {  	_ =	shalt  }
0x46: {  	_ =	shalt  }
0x47: {  	_ =	shalt  }
0x48: {  	_ =	shalt  }
0x49: {  	_ =	shalt  }
0x4a: {  	_ =	shalt  }
0x4b: {  	_ =	shalt  }
0x4c: {  	_ =	shalt  }
0x4d: {  	_ =	shalt  }
0x4e: {  	_ =	shalt  }
0x4f: {  	_ =	shalt  }
0x50: {  	_ =	shalt  }
0x51: {  	_ =	shalt  }
0x52: {  	_ =	shalt  }
0x53: {  	_ =	shalt  }
0x54: {  	_ =	shalt  }
0x55: {  	_ =	shalt  }
0x56: {  	_ =	shalt  }
0x57: {  	_ =	shalt  }
0x58: {  	_ =	shalt  }
0x59: {  	_ =	shalt  }
0x5a: {  	_ =	shalt  }
0x5b: {  	_ =	shalt  }
0x5c: {  	_ =	shalt  }
0x5d: {  	_ =	shalt  }
0x5e: {  	_ =	shalt  }
0x5f: {  	_ =	shalt  }
0x60: {  	_ =	shalt  }
0x61: {  	_ =	shalt  }
0x62: {  	_ =	shalt  }
0x63: {  	_ =	shalt  }
0x64: {  	_ =	shalt  }
0x65: {  	_ =	shalt  }
0x66: {  	_ =	shalt  }
0x67: {  	_ =	shalt  }
0x68: {  	_ =	shalt  }
0x69: {  	_ =	shalt  }
0x6a: {  	_ =	shalt  }
0x6b: {  	_ =	shalt  }
0x6c: {  	_ =	shalt  }
0x6d: {  	_ =	shalt  }
0x6e: {  	_ =	shalt  }
0x6f: {  	_ =	shalt  }
0x70: {  	_ =	shalt  }
0x71: {  	_ =	shalt  }
0x72: {  	_ =	shalt  }
0x73: {  	_ =	shalt  }
0x74: {  	_ =	shalt  }
0x75: {  	_ =	shalt  }
0x76: {  	_ =	shalt  }
0x77: {  	_ =	shalt  }
0x78: {  	_ =	shalt  }
0x79: {  	_ =	shalt  }
0x7a: {  	_ =	shalt  }
0x7b: {  	_ =	shalt  }
0x7c: {  	_ =	shalt  }
0x7d: {  	_ =	shalt  }
0x7e: {  	_ =	shalt  }
0x7f: {  	_ =	shalt  }
0x80: {  	_ =	shalt  }
0x81: {  	_ =	shalt  }
0x82: {  	_ =	shalt  }
0x83: {  	_ =	shalt  }
0x84: {  	_ =	shalt  }
0x85: {  	_ =	shalt  }
0x86: {  	_ =	shalt  }
0x87: {  	_ =	shalt  }
.Lfunc_end0:
.L_simem_size_0:
called_computation_lowered:
.L_overlay_start_0:
0x88: {  	s0 =	sld [smem:$0x3FD9]  }
0x89: {  	s1 =	sld [smem:$0x3FFE];
	_ =	sdelay $0x3  }
0x8a: {  	s0 =	sadd.s32 s1, s0  }
0x8b: {  	[smem:$0x3FC1] =	sst s0  }
0x8c: {  	_ = 	snop  }
0x8d: {  	s0 =	sld [smem:$0x3FC9];
	(tm) =	ssettm $0x1  }
0x8e: {  	s16 =	sld [smem:$0x3FFB];
	_ =	sdelay $0x3  }
0x8f: {  	_ =	strace s16  }
0x90: {  	s1 =	sld [smem:$0x3FFC];
	_ =	sdelay $0x3  }
0x91: {  	_ =	strace s1  }
0x92: {  	s1 =	sld [smem:$0x3FFD];
	_ =	sdelay $0x3  }
0x93: {  	_ =	strace s1  }
0x94: {  	_ =	strace $0x8FFFFFFF  }
0x95: {  	s17 =	sld [smem:$0x3FDB];
	_ =	sdelay $0x1  }
0x96: {  	s2 =	simm.s32 $_scs_section_size  }
0x97: {  	s3 =	simm.s32 $_size__tile_overlayer_lowered;
	s4 =	simm.s32 $_tile_overlayer_lowered  }
0x98: {  	s20 =	simm.s32 $0x1BFF;
	s19 =	sshll.u32 s4, $0x1;
	s1 =	sadd.s32 s2, s17  }
0x99: {  	s5 =	simm.s32 $0x0;
	s18 =	sshll.u32 s3, $0x1;
	s3 =	sadd.s32 s19, s1  }
0x9a: {  	[timem:s5], [sflag:s20] =	dma.local [hbm:s3], s18  }
0x9b: {  	_ =	swait.ge [sflag:s20], s18  }
0x9c: {  	s2 =	ssub.s32 $0x0, s18;
	[sflag:s20] =	ssyncset.done $0x0  }
0x9d: {  	[sflag:s20] =	ssyncadd.s32 s2;
	_ =	sdelay $0x1  }
0x9e: {  	s21 =	simm.s32 $0x1B8B  }
0x9f: {  	_ =	swait.ge [sflag:s21], $0x1  }
0xa0: {  	[sflag:s21] =	ssyncset.done $0x0  }
0xa1: {  	s23 =	simm.s32 $0x1B8E;
	s22 =	sld [smem:$0x3FFE];
	[sflag:s21] =	ssyncadd.s32 $0xFFFFFFFF  }
0xa2: {  	s24 =	simm.s32 $execute0_lowered;
	[smem:$0x3FD2] =	sst s23  }
0xa3: {  	s3 =	sshll.u32 s24, $0x1;
	_ =	strace $0x80000046;
	[dreg:$0x1] =	wrdreg $0xFFFFFFFF  }
0xa4: {  	s25 =	simm.s32 $_size_execute0_lowered;
	s1 =	sadd.s32 s1, s3;
	[dreg:$0x0] =	wrdreg $0x0  }
0xa5: {  	s3 =	sshll.u32 s25, $0x1;
	[dreg:$0x2] =	wrdreg s1  }
0xa6: {  	[dreg:$0x3] =	wrdreg s3  }
0xa7: {  	[dreg:$0x4] =	wrdreg $0xC0  }
0xa8: {  	_ =	task [dreg:s5], $0x5FFFF  }
0xa9: {  	[dreg:$0x1] =	wrdreg $0xFFFFFFFF  }
0xaa: {  	[dreg:$0x0] =	wrdreg $0x60  }
0xab: {  	[dreg:$0x2] =	wrdreg s22  }
0xac: {  	[dreg:$0x3] =	wrdreg s0  }
0xad: {  	[dreg:$0x4] =	wrdreg $0x12C800  }
0xae: {  	[dreg:$0x5] =	wrdreg $0x9  }
0xaf: {  	_ =	task.clear_ibuf [dreg:s5], $0x6FFFF;
	_ =	strace $0x90000046  }
0xb0: {  	s26 =	simm.s32 $0x9;
	_ =	strace $0x80000048  }
0xb1: {  	_ =	swait.ge [sflag:s26], $0x1  }
0xb2: {  	[sflag:s26] =	ssyncadd.s32 $0xFFFFFFFF  }
0xb3: {  	_ =	strace $0x90000048  }
0xb4: {  	_ =	sfence  }
0xb5: {  	s28 =	sld [smem:$0x0];
	_ =	sdelay $0x1  }
0xb6: {  	s29 =	srdreg.scid  }
0xb7: {  	s30 =	sshll.u32 s29, $0xD;
	s31 =	sshrl.u32 s29, $0x2  }
0xb8: {  	s2 =	sand.u32 $0x4000, s30;
	s1 =	sand.u32 $0x1, s29;
	s0 =	sadd.s32 s31, s28  }
0xb9: {  	s1 =	sor.u32 s2, s1;
	s0 =	sshll.u32 s0, $0x11  }
0xba: {  	s0 =	sor.u32 s0, s1  }
0xbb: {  	s0 =	sadd.s32 $0x8F2B, s0  }
0xbc: {  	[sflag:s0] =	ssyncadd.remote.s32 $0x1  }
0xbd: {  	_ =	sfence.sel $0xFFFF  }
0xbe: {  	[dreg:$0x0] =	wrdreg $0xFFFFFFFF;
	(pc) =	sbr.abs _section_cstart, $3  }
0xbf: {  	[dreg:$0x1] =	wrdreg $0xFFFFFFFF  }
0xc0: {  	_ =	task.clear_ibuf [dreg:s5], $0x2FFFF;
	_ =	strace $0x9FFFFFFF  }
0xc1: {  	(tm) =	ssettm $0x7FFFFFFF  }
tec
execute0_lowered:
.L_overlay_start_1:
0x0: {  	(tag) =	ssettag $0x1  }
0x1: {  	s0 =	stileid.u32  }
0x2: {  	s3 =	rddreg [dreg:$0x0];
	s0 =	smul.u32 $0xC, s0  }
0x3: {  	s4 =	rddreg [dreg:$0x1];
	s9 =	simm.s32 $0x0  }
0x4: {  	[smem:$0x7FF] =	sst s9;
	s0 =	sadd.s32 s0, s3  }
0x5: {  	s8 =	simm.s32 $0x3;
	_ =	strace $0x80000047;
	s0 =	sadd.s32 $0x1600, s0  }
0x6: {  	[tilespmem:s9], [sflag:$0x3] =	stream.linear.gather [hbm4b:s0+s9], $0x60, $0x38;
	[tilespmem:$0x13880] =	vst v63  }
0x7: {  	_ =	swait.ge [sflag:s8], $0x60  }
0x8: {  	[sflag:s8] =	ssyncset.done $0x0  }
0x9: {  	[sflag:s8] =	ssyncadd.s32 $0xFFFFFFA0  }
0xa: {  	v0 =	vld [tilespmem:$0x0];
	_ =	sdelay $0x4  }
0xb: {  	v1 =	vshrl.u32 v0, $0x3  }
0xc: {  	v1 =	vmul.u32 $0x30, v1  }
0xd: {  	v2 =	vlaneseq.u32;
	v0 =	vand.u32 $0x7, v0  }
0xe: {  	v46 =	vand.u32 $0x7, v2;
	v3 =	vshrl.u32 v2, $0x3;
	v0 =	vor.u32 v0, v1  }
0xf: {  	v3 =	vmul.u32 $0x8, v3;
	v4 =	vperm.xlane v0, v46;
	_ =	sdelay $0x1  }
0x10: {  	v4 =	vadd.s32 v3, v4;
	_ =	sdelay $0x2  }
0x11: {  	v2 =	vor.u32 $0x8, v2  }
0x12: {  	vm0 =	vmmov $0xffff;
	s10 =	simm.s32 $0x80;
	v0 =	vperm.xlane v0, v2  }
0x13: {  	[tilespmem:s10], [sflag:$0x1] =	stream.indirect_vreg.gather [hbm4b:s4+s9], $0x80, v4, vm0, $0xb8;
	[tilespmem:$0x13880] =	vst v63  }
0x14: {  	s11 =	simm.s32 $0x880;
	s5 =	sadd.s32 $0x100, s4;
	v0 =	vadd.s32 v3, v0  }
0x15: {  	[tilespmem:s11], [sflag:$0x1] =	stream.indirect_vreg.gather [hbm4b:s5+s9], $0x80, v4, vm0, $0xb8;
	[tilespmem:$0x13880] =	vst v63  }
0x16: {  	s12 =	simm.s32 $0x1080;
	s7 =	sadd.s32 $0x200, s4  }
0x17: {  	[tilespmem:s12], [sflag:$0x1] =	stream.indirect_vreg.gather [hbm4b:s7+s9], $0x80, v4, vm0, $0xb8;
	[tilespmem:$0x13880] =	vst v63  }
0x18: {  	s13 =	simm.s32 $0x1880  }
0x19: {  	[tilespmem:s13], [sflag:$0x1] =	stream.indirect_vreg.gather [hbm4b:s4+s9], $0x80, v0, vm0, $0xb8;
	[tilespmem:$0x13880] =	vst v63  }
0x1a: {  	s14 =	simm.s32 $0x2080  }
0x1b: {  	[tilespmem:s14], [sflag:$0x1] =	stream.indirect_vreg.gather [hbm4b:s5+s9], $0x80, v0, vm0, $0xb8;
	[tilespmem:$0x13880] =	vst v63  }
0x1c: {  	s15 =	simm.s32 $0x2880  }
0x1d: {  	[tilespmem:s15], [sflag:$0x1] =	stream.indirect_vreg.gather [hbm4b:s7+s9], $0x80, v0, vm0, $0xb8;
	[tilespmem:$0x13880] =	vst v63  }
0x1e: {  	v0 =	vld [tilespmem:$0x10];
	_ =	sdelay $0x4  }
0x1f: {  	v47 =	vshrl.u32 v0, $0x3  }
0x20: {  	v4 =	vmul.u32 $0x30, v47  }
0x21: {  	v0 =	vand.u32 $0x7, v0  }
0x22: {  	v0 =	vor.u32 v0, v4  }
0x23: {  	v4 =	vperm.xlane v0, v46;
	_ =	sdelay $0x1  }
0x24: {  	v4 =	vadd.s32 v3, v4;
	_ =	sdelay $0x3  }
0x25: {  	s16 =	simm.s32 $0x3080;
	v0 =	vperm.xlane v0, v2  }
0x26: {  	[tilespmem:s16], [sflag:$0x1] =	stream.indirect_vreg.gather [hbm4b:s4+s9], $0x80, v4, vm0, $0xb8;
	[tilespmem:$0x13880] =	vst v63  }
0x27: {  	s17 =	simm.s32 $0x3880;
	v0 =	vadd.s32 v3, v0  }
0x28: {  	[tilespmem:s17], [sflag:$0x1] =	stream.indirect_vreg.gather [hbm4b:s5+s9], $0x80, v4, vm0, $0xb8;
	[tilespmem:$0x13880] =	vst v63  }
0x29: {  	s18 =	simm.s32 $0x4080  }
0x2a: {  	[tilespmem:s18], [sflag:$0x1] =	stream.indirect_vreg.gather [hbm4b:s7+s9], $0x80, v4, vm0, $0xb8;
	[tilespmem:$0x13880] =	vst v63  }
0x2b: {  	s19 =	simm.s32 $0x4880  }
0x2c: {  	[tilespmem:s19], [sflag:$0x1] =	stream.indirect_vreg.gather [hbm4b:s4+s9], $0x80, v0, vm0, $0xb8;
	[tilespmem:$0x13880] =	vst v63  }
0x2d: {  	s20 =	simm.s32 $0x5080  }
0x2e: {  	[tilespmem:s20], [sflag:$0x1] =	stream.indirect_vreg.gather [hbm4b:s5+s9], $0x80, v0, vm0, $0xb8;
	[tilespmem:$0x13880] =	vst v63  }
0x2f: {  	s21 =	simm.s32 $0x5880  }
0x30: {  	[tilespmem:s21], [sflag:$0x1] =	stream.indirect_vreg.gather [hbm4b:s7+s9], $0x80, v0, vm0, $0xb8;
	[tilespmem:$0x13880] =	vst v63  }
0x31: {  	v0 =	vld [tilespmem:$0x20];
	_ =	sdelay $0x4  }
0x32: {  	v48 =	vshrl.u32 v0, $0x3  }
0x33: {  	v4 =	vmul.u32 $0x30, v48  }
0x34: {  	v0 =	vand.u32 $0x7, v0  }
0x35: {  	v0 =	vor.u32 v0, v4  }
0x36: {  	v4 =	vperm.xlane v0, v46;
	_ =	sdelay $0x1  }
0x37: {  	v4 =	vadd.s32 v3, v4;
	_ =	sdelay $0x3  }
0x38: {  	s22 =	simm.s32 $0x6080;
	v0 =	vperm.xlane v0, v2  }
0x39: {  	[tilespmem:s22], [sflag:$0x1] =	stream.indirect_vreg.gather [hbm4b:s4+s9], $0x80, v4, vm0, $0xb8;
	[tilespmem:$0x13880] =	vst v63  }
0x3a: {  	s23 =	simm.s32 $0x6880;
	v0 =	vadd.s32 v3, v0  }
0x3b: {  	[tilespmem:s23], [sflag:$0x1] =	stream.indirect_vreg.gather [hbm4b:s5+s9], $0x80, v4, vm0, $0xb8;
	[tilespmem:$0x13880] =	vst v63  }
0x3c: {  	s24 =	simm.s32 $0x7080  }
0x3d: {  	[tilespmem:s24], [sflag:$0x1] =	stream.indirect_vreg.gather [hbm4b:s7+s9], $0x80, v4, vm0, $0xb8;
	[tilespmem:$0x13880] =	vst v63  }
0x3e: {  	s25 =	simm.s32 $0x7880  }
0x3f: {  	[tilespmem:s25], [sflag:$0x1] =	stream.indirect_vreg.gather [hbm4b:s4+s9], $0x80, v0, vm0, $0xb8;
	[tilespmem:$0x13880] =	vst v63  }
0x40: {  	s26 =	simm.s32 $0x8080  }
0x41: {  	[tilespmem:s26], [sflag:$0x1] =	stream.indirect_vreg.gather [hbm4b:s5+s9], $0x80, v0, vm0, $0xb8;
	[tilespmem:$0x13880] =	vst v63  }
0x42: {  	s28 =	simm.s32 $0x8880  }
0x43: {  	[tilespmem:s28], [sflag:$0x1] =	stream.indirect_vreg.gather [hbm4b:s7+s9], $0x80, v0, vm0, $0xb8;
	[tilespmem:$0x13880] =	vst v63  }
0x44: {  	v0 =	vld [tilespmem:$0x30];
	_ =	sdelay $0x4  }
0x45: {  	v49 =	vshrl.u32 v0, $0x3  }
0x46: {  	v4 =	vmul.u32 $0x30, v49  }
0x47: {  	v0 =	vand.u32 $0x7, v0  }
0x48: {  	v0 =	vor.u32 v0, v4  }
0x49: {  	v4 =	vperm.xlane v0, v46;
	_ =	sdelay $0x1  }
0x4a: {  	v4 =	vadd.s32 v3, v4;
	_ =	sdelay $0x3  }
0x4b: {  	s30 =	simm.s32 $0x9080;
	v0 =	vperm.xlane v0, v2  }
0x4c: {  	[tilespmem:s30], [sflag:$0x2] =	stream.indirect_vreg.gather [hbm4b:s4+s9], $0x80, v4, vm0, $0xb8;
	[tilespmem:$0x13880] =	vst v63  }
0x4d: {  	s1 =	simm.s32 $0x9880;
	v0 =	vadd.s32 v3, v0  }
0x4e: {  	[tilespmem:s1], [sflag:$0x2] =	stream.indirect_vreg.gather [hbm4b:s5+s9], $0x80, v4, vm0, $0xb8;
	[tilespmem:$0x13880] =	vst v63  }
0x4f: {  	s2 =	simm.s32 $0xA080  }
0x50: {  	[tilespmem:s2], [sflag:$0x2] =	stream.indirect_vreg.gather [hbm4b:s7+s9], $0x80, v4, vm0, $0xb8;
	[tilespmem:$0x13880] =	vst v63  }
0x51: {  	s6 =	simm.s32 $0xA880  }
0x52: {  	[tilespmem:s6], [sflag:$0x2] =	stream.indirect_vreg.gather [hbm4b:s4+s9], $0x80, v0, vm0, $0xb8;
	[tilespmem:$0x13880] =	vst v63  }
0x53: {  	s8 =	simm.s32 $0xB080  }
0x54: {  	[tilespmem:s8], [sflag:$0x2] =	stream.indirect_vreg.gather [hbm4b:s5+s9], $0x80, v0, vm0, $0xb8;
	[tilespmem:$0x13880] =	vst v63  }
0x55: {  	s10 =	simm.s32 $0xB880  }
0x56: {  	[tilespmem:s10], [sflag:$0x2] =	stream.indirect_vreg.gather [hbm4b:s7+s9], $0x80, v0, vm0, $0xb8;
	[tilespmem:$0x13880] =	vst v63  }
0x57: {  	v0 =	vld [tilespmem:$0x40];
	_ =	sdelay $0x4  }
0x58: {  	v50 =	vshrl.u32 v0, $0x3  }
0x59: {  	v4 =	vmul.u32 $0x30, v50  }
0x5a: {  	v0 =	vand.u32 $0x7, v0  }
0x5b: {  	v0 =	vor.u32 v0, v4  }
0x5c: {  	v4 =	vperm.xlane v0, v46;
	_ =	sdelay $0x1  }
0x5d: {  	v4 =	vadd.s32 v3, v4;
	_ =	sdelay $0x3  }
0x5e: {  	s11 =	simm.s32 $0xC080;
	v0 =	vperm.xlane v0, v2  }
0x5f: {  	[tilespmem:s11], [sflag:$0x2] =	stream.indirect_vreg.gather [hbm4b:s4+s9], $0x80, v4, vm0, $0xb8;
	[tilespmem:$0x13880] =	vst v63  }
0x60: {  	s12 =	simm.s32 $0xC880;
	v0 =	vadd.s32 v3, v0  }
0x61: {  	[tilespmem:s12], [sflag:$0x2] =	stream.indirect_vreg.gather [hbm4b:s5+s9], $0x80, v4, vm0, $0xb8;
	[tilespmem:$0x13880] =	vst v63  }
0x62: {  	s13 =	simm.s32 $0xD080  }
0x63: {  	[tilespmem:s13], [sflag:$0x2] =	stream.indirect_vreg.gather [hbm4b:s7+s9], $0x80, v4, vm0, $0xb8;
	[tilespmem:$0x13880] =	vst v63  }
0x64: {  	s14 =	simm.s32 $0xD880  }
0x65: {  	[tilespmem:s14], [sflag:$0x2] =	stream.indirect_vreg.gather [hbm4b:s4+s9], $0x80, v0, vm0, $0xb8;
	[tilespmem:$0x13880] =	vst v63  }
0x66: {  	s15 =	simm.s32 $0xE080  }
0x67: {  	[tilespmem:s15], [sflag:$0x2] =	stream.indirect_vreg.gather [hbm4b:s5+s9], $0x80, v0, vm0, $0xb8;
	[tilespmem:$0x13880] =	vst v63  }
0x68: {  	s16 =	simm.s32 $0xE880  }
0x69: {  	[tilespmem:s16], [sflag:$0x2] =	stream.indirect_vreg.gather [hbm4b:s7+s9], $0x80, v0, vm0, $0xb8;
	[tilespmem:$0x13880] =	vst v63  }
0x6a: {  	v0 =	vld [tilespmem:$0x50];
	_ =	sdelay $0x4  }
0x6b: {  	v51 =	vshrl.u32 v0, $0x3  }
0x6c: {  	v4 =	vmul.u32 $0x30, v51  }
0x6d: {  	v0 =	vand.u32 $0x7, v0  }
0x6e: {  	v0 =	vor.u32 v0, v4  }
0x6f: {  	v1 =	vperm.xlane v0, v46;
	_ =	sdelay $0x1  }
0x70: {  	v1 =	vadd.s32 v3, v1;
	_ =	sdelay $0x3  }
0x71: {  	s17 =	simm.s32 $0xF080;
	v0 =	vperm.xlane v0, v2  }
0x72: {  	[tilespmem:s17], [sflag:$0x2] =	stream.indirect_vreg.gather [hbm4b:s4+s9], $0x80, v1, vm0, $0xb8;
	[tilespmem:$0x13880] =	vst v63  }
0x73: {  	s18 =	simm.s32 $0xF880;
	v0 =	vadd.s32 v3, v0  }
0x74: {  	[tilespmem:s18], [sflag:$0x2] =	stream.indirect_vreg.gather [hbm4b:s5+s9], $0x80, v1, vm0, $0xb8;
	[tilespmem:$0x13880] =	vst v63  }
0x75: {  	s19 =	simm.s32 $0x10080  }
0x76: {  	[tilespmem:s19], [sflag:$0x2] =	stream.indirect_vreg.gather [hbm4b:s7+s9], $0x80, v1, vm0, $0xb8;
	[tilespmem:$0x13880] =	vst v63  }
0x77: {  	s20 =	simm.s32 $0x10880  }
0x78: {  	[tilespmem:s20], [sflag:$0x2] =	stream.indirect_vreg.gather [hbm4b:s4+s9], $0x80, v0, vm0, $0xb8;
	[tilespmem:$0x13880] =	vst v63  }
0x79: {  	s21 =	simm.s32 $0x11080  }
0x7a: {  	[tilespmem:s21], [sflag:$0x2] =	stream.indirect_vreg.gather [hbm4b:s5+s9], $0x80, v0, vm0, $0xb8;
	[tilespmem:$0x13880] =	vst v63  }
0x7b: {  	s22 =	simm.s32 $0x11880;
	s23 =	simm.s32 $0x1;
	s1 =	simm.s32 $0x0  }
0x7c: {  	[tilespmem:s22], [sflag:$0x2] =	stream.indirect_vreg.gather [hbm4b:s7+s9], $0x80, v0, vm0, $0xb8;
	[tilespmem:$0x13880] =	vst v63  }
0x7d: {  	s7 =	sand.u32 $0x3FFFFC00, s1;
	_ =	swait.ge [sflag:s23], $0x9000  }
0x7e: {  	s6 =	sand.u32 $0x60, s9;
	s2 =	sor.u32 $0x80, s7;
	[sflag:s23] =	ssyncset.done $0x0  }
0x7f: {  	s19 =	sadd.s32 $0x1C00, s7;
	s24 =	sor.u32 s6, s2;
	[sflag:s23] =	ssyncadd.s32 $0xFFFF7000  }
0x80: {  	s16 =	sadd.s32 $0x1B80, s7;
	s25 =	sor.u32 s6, s19;
	v52 =	vld [tilespmem:s24+$0x280]  }
0x81: {  	s0 =	sadd.s32 $0x3100, s7;
	s8 =	sor.u32 s6, s16;
	v53 =	vld [tilespmem:s25+$0x0]  }
0x82: {  	s11 =	sadd.s32 $0x1A00, s7;
	s10 =	sor.u32 s6, s0;
	v54 =	vld [tilespmem:s8+$0x0]  }
0x83: {  	s1 =	sadd.s32 $0x1B00, s7;
	s26 =	sor.u32 s6, s11;
	v55 =	vld [tilespmem:s10+$0x0]  }
0x84: {  	s29 =	sadd.s32 $0x1980, s7;
	s28 =	sor.u32 s6, s1;
	v56 =	vld [tilespmem:s26+$0x0]  }
0x85: {  	s30 =	sor.u32 s6, s29;
	v5 =	vld [tilespmem:s28+$0x0]  }
0x86: {  	v6 =	vld [tilespmem:s30+$0x0]  }
0x87: {  	v7 =	vld [tilespmem:s24+$0x380]  }
0x88: {  	v8 =	vld [tilespmem:s24+$0x180]  }
0x89: {  	s5 =	sadd.s32 $0x1900, s7;
	v9 =	vld [tilespmem:s24+$0x200]  }
0x8a: {  	s21 =	sadd.s32 $0x1880, s7;
	s13 =	sor.u32 s6, s5;
	v10 =	vld [tilespmem:s24+$0x80]  }
0x8b: {  	s14 =	sor.u32 s6, s21;
	v11 =	vld [tilespmem:s13+$0x0]  }
0x8c: {  	v12 =	vld [tilespmem:s14+$0x0]  }
0x8d: {  	v13 =	vld [tilespmem:s24+$0x300]  }
0x8e: {  	s22 =	sadd.s32 $0x3380, s7;
	v14 =	vld [tilespmem:s24+$0x100]  }
0x8f: {  	s15 =	sadd.s32 $0x3180, s7;
	s17 =	sor.u32 s6, s22;
	v15 =	vld [tilespmem:s24+$0x0]  }
0x90: {  	s20 =	sadd.s32 $0x3200, s7;
	s28 =	sor.u32 s6, s15;
	v18 =	vld [tilespmem:s17+$0x0]  }
0x91: {  	s13 =	sadd.s32 $0x1A80, s7;
	s24 =	sor.u32 s6, s20;
	v16 =	vld [tilespmem:s28+$0x0]  }
0x92: {  	s23 =	sadd.s32 $0x3400, s7;
	s12 =	sor.u32 s6, s13;
	v59 =	vld [tilespmem:s24+$0x0]  }
0x93: {  	s14 =	sadd.s32 $0x3080, s7;
	s25 =	sor.u32 s6, s23;
	v57 =	vld [tilespmem:s12+$0x0];
	v0 =	vadd.f32 v52, v10;
	v13 =	vadd.f32 v13, v14  }
0x94: {  	s30 =	sadd.s32 $0x3300, s7;
	s18 =	sor.u32 s6, s14;
	v60 =	vld [tilespmem:s25+$0x0];
	v9 =	vadd.f32 v9, v15;
	v7 =	vadd.f32 v7, v8  }
0x95: {  	[smem:$0x7FA] =	sst s7;
	s7 =	sadd.s32 $0x3280, s7;
	s10 =	sor.u32 s6, s30;
	v58 =	vld [tilespmem:s18+$0x0];
	v0 =	vadd.f32 v11, v0;
	v6 =	vadd.f32 v6, v13  }
0x96: {  	s26 =	sor.u32 s6, s7;
	v17 =	vld [tilespmem:s10+$0x0];
	v9 =	vadd.f32 v12, v9;
	v4 =	vadd.f32 v56, v7  }
0x97: {  	v61 =	vld [tilespmem:s26+$0x0];
	v0 =	vadd.f32 v5, v0;
	v2 =	vadd.f32 v54, v6  }
0x98: {  	v62 =	vadd.f32 v57, v9;
	v1 =	vadd.f32 v53, v4  }
0x99: {  	v0 =	vadd.f32 v55, v0;
	v2 =	vadd.f32 v16, v2  }
0x9a: {  	v63 =	vadd.f32 v58, v62;
	v1 =	vadd.f32 v59, v1  }
0x9b: {  	v0 =	vadd.f32 v17, v0;
	v2 =	vadd.f32 v18, v2  }
0x9c: {  	v3 =	vadd.f32 v61, v63;
	v1 =	vadd.f32 v60, v1  }
0x9d: {  	s3 =	sadd.s32 $0x1800, s3  }
0x9e: {  	[dreg:$0x1f] =	wrdreg s3;
	v0 =	vadd.f32 v0, v3;
	v1 =	vadd.f32 v1, v2  }
0x9f: {  	s31 =	simm.s32 $0x1;
	[smem:$0x7FB] =	sst s6;
	s17 =	sor.u32 $0x10, s6  }
0xa0: {  	s28 =	simm.s32 $0x0;
	s25 =	sor.u32 s17, s5;
	s3 =	sor.u32 s17, s0;
	v0 =	vadd.f32 v1, v0  }
0xa1: {  	s0 =	sor.u32 s17, s30;
	s1 =	sor.u32 s17, s1;
	s4 =	sand.u32 $0x3FFFFE00, s28  }
0xa2: {  	s24 =	sor.u32 s17, s2;
	s2 =	sor.u32 s17, s23;
	s4 =	sadd.s32 $0x12080, s4;
	v0 =	vmul.f32 $4.166666790e-02, v0  }
0xa3: {  	s23 =	sor.u32 s17, s22;
	s30 =	sor.u32 s6, s4;
	[smem:$0x7FD] =	sst s4  }
0xa4: {  	s18 =	sor.u32 s17, s15;
	s6 =	sor.u32 s17, s4;
	[smem:$0x7FC] =	sst s30;
	[tilespmem:s30+$0x0] =	vst v0  }
.LBB2_1:
0xa5: {  	v0 =	vld [tilespmem:s3+$0x0]  }
0xa6: {  	v1 =	vld [tilespmem:s0+$0x0]  }
0xa7: {  	v2 =	vld [tilespmem:s25+$0x0]  }
0xa8: {  	v3 =	vld [tilespmem:s1+$0x0]  }
0xa9: {  	v4 =	vld [tilespmem:s24+$0x280]  }
0xaa: {  	v5 =	vld [tilespmem:s24+$0x0]  }
0xab: {  	v6 =	vld [tilespmem:s24+$0x80]  }
0xac: {  	v10 =	vld [tilespmem:s24+$0x380]  }
0xad: {  	v11 =	vld [tilespmem:s24+$0x100]  }
0xae: {  	v13 =	vld [tilespmem:s24+$0x180]  }
0xaf: {  	v14 =	vld [tilespmem:s24+$0x300]  }
0xb0: {  	v15 =	vld [tilespmem:s24+$0x200]  }
0xb1: {  	v34 =	vld [tilespmem:s2+$0x0]  }
0xb2: {  	s15 =	sor.u32 s17, s16;
	v36 =	vld [tilespmem:s18+$0x0]  }
0xb3: {  	s12 =	sor.u32 s17, s29;
	v7 =	vld [tilespmem:s15+$0x0]  }
0xb4: {  	s22 =	sor.u32 s17, s11;
	v8 =	vld [tilespmem:s12+$0x0]  }
0xb5: {  	s25 =	sor.u32 s17, s21;
	v9 =	vld [tilespmem:s22+$0x0];
	v4 =	vadd.f32 v4, v6  }
0xb6: {  	s16 =	sor.u32 s17, s20;
	s20 =	sor.u32 s17, s19;
	v31 =	vld [tilespmem:s25+$0x0]  }
0xb7: {  	s26 =	sor.u32 s17, s13;
	v12 =	vld [tilespmem:s20+$0x0];
	v2 =	vadd.f32 v2, v4  }
0xb8: {  	v32 =	vld [tilespmem:s26+$0x0];
	v10 =	vadd.f32 v10, v13;
	v11 =	vadd.f32 v14, v11  }
0xb9: {  	s28 =	sor.u32 s17, s14;
	v35 =	vld [tilespmem:s16+$0x0];
	v5 =	vadd.f32 v15, v5;
	v2 =	vadd.f32 v3, v2  }
0xba: {  	v37 =	vld [tilespmem:s28+$0x0];
	v9 =	vadd.f32 v9, v10;
	v8 =	vadd.f32 v8, v11  }
0xbb: {  	s30 =	sor.u32 s17, s7;
	v40 =	vld [tilespmem:s23+$0x0];
	v38 =	vadd.f32 v31, v5;
	v0 =	vadd.f32 v0, v2  }
0xbc: {  	v33 =	vld [tilespmem:s30+$0x0];
	v39 =	vadd.f32 v12, v9;
	v7 =	vadd.f32 v7, v8  }
0xbd: {  	v0 =	vadd.f32 v1, v0;
	v1 =	vadd.f32 v32, v38  }
0xbe: {  	v2 =	vadd.f32 v35, v39  }
0xbf: {  	v41 =	vadd.f32 v36, v7;
	v1 =	vadd.f32 v37, v1  }
0xc0: {  	v2 =	vadd.f32 v34, v2  }
0xc1: {  	v4 =	vadd.f32 v40, v41;
	v1 =	vadd.f32 v33, v1;
	_ =	sdelay $0x1  }
0xc2: {  	v2 =	vadd.f32 v2, v4;
	v0 =	vadd.f32 v0, v1;
	_ =	sdelay $0x1  }
0xc3: {  	s4 =	smov.u32 s31;
	v0 =	vadd.f32 v2, v0  }
0xc4: {  	s5 =	sshll.u32 s4, $0x8  }
0xc5: {  	s9 =	sadd.s32 $0x20, s9;
	s0 =	sand.u32 $0x3FFFFC00, s5;
	v0 =	vmul.f32 $4.166666790e-02, v0  }
0xc6: {  	s23 =	sand.u32 $0x60, s9;
	s7 =	sor.u32 $0x80, s0  }
0xc7: {  	s21 =	sadd.s32 $0x1880, s0;
	s19 =	sadd.s32 $0x1C00, s0;
	s28 =	sor.u32 s23, s7;
	[tilespmem:s6+$0x0] =	vst v0  }
0xc8: {  	s16 =	sadd.s32 $0x1B80, s0;
	s8 =	sor.u32 s23, s21;
	s15 =	sor.u32 s23, s19;
	v0 =	vld [tilespmem:s28+$0x280]  }
0xc9: {  	s11 =	sor.u32 s23, s16;
	[dreg:$0x1d] =	wrdreg s8;
	s8 =	sadd.s32 $0x3100, s0;
	v42 =	vld [tilespmem:s15+$0x0]  }
0xca: {  	s12 =	sadd.s32 $0x1A00, s0;
	s22 =	sor.u32 s23, s8;
	v43 =	vld [tilespmem:s11+$0x0]  }
0xcb: {  	s30 =	sadd.s32 $0x1B00, s0;
	s10 =	sor.u32 s23, s12;
	v44 =	vld [tilespmem:s22+$0x0]  }
0xcc: {  	s29 =	sadd.s32 $0x1980, s0;
	s3 =	sor.u32 s23, s30;
	v45 =	vld [tilespmem:s10+$0x0]  }
0xcd: {  	s5 =	sor.u32 s23, s29;
	v46 =	vld [tilespmem:s3+$0x0]  }
0xce: {  	v47 =	vld [tilespmem:s5+$0x0]  }
0xcf: {  	v48 =	vld [tilespmem:s28+$0x380]  }
0xd0: {  	v49 =	vld [tilespmem:s28+$0x180]  }
0xd1: {  	s25 =	sadd.s32 $0x3180, s0;
	v50 =	vld [tilespmem:s28+$0x200]  }
0xd2: {  	[dreg:$0x12] =	wrdreg s4;
	s17 =	sor.u32 $0x10, s23;
	s4 =	sor.u32 s23, s25;
	v51 =	vld [tilespmem:s28+$0x80]  }
0xd3: {  	s1 =	sadd.s32 $0x1900, s0;
	s13 =	sadd.s32 $0x1A80, s0;
	s20 =	sadd.s32 $0x3200, s0;
	v54 =	vld [tilespmem:s4+$0x0]  }
0xd4: {  	[dreg:$0x11] =	wrdreg s7;
	s14 =	sor.u32 s23, s13;
	s7 =	sadd.s32 $0x3280, s0;
	v55 =	vld [tilespmem:s28+$0x300]  }
0xd5: {  	[dreg:$0x1b] =	wrdreg s14;
	s14 =	sadd.s32 $0x3080, s0;
	s26 =	sor.u32 s23, s7;
	v56 =	vld [tilespmem:s28+$0x100]  }
0xd6: {  	s24 =	sor.u32 s23, s14;
	[dreg:$0x1c] =	wrdreg s26;
	s6 =	sadd.s32 $0x3300, s0;
	v16 =	vld [tilespmem:s28+$0x0]  }
0xd7: {  	s26 =	sadd.s32 $0x3380, s0;
	s2 =	sor.u32 s23, s6;
	s10 =	sor.u32 s23, s1;
	v59 =	vld [tilespmem:s24+$0x0]  }
0xd8: {  	s22 =	sadd.s32 $0x3400, s0;
	s0 =	sor.u32 s17, s6;
	s6 =	rddreg [dreg:$0x1d];
	v52 =	vld [tilespmem:s10+$0x0]  }
0xd9: {  	v53 =	vld [tilespmem:s6+$0x0]  }
0xda: {  	s18 =	sor.u32 s23, s20;
	s3 =	sor.u32 s17, s8;
	s8 =	rddreg [dreg:$0x1b];
	v17 =	vld [tilespmem:s2+$0x0]  }
0xdb: {  	[dreg:$0x1e] =	wrdreg s18;
	s11 =	smov.u32 s9;
	s9 =	sor.u32 s23, s26;
	v57 =	vld [tilespmem:s8+$0x0];
	v0 =	vadd.f32 v0, v51;
	v14 =	vadd.f32 v55, v56  }
0xdc: {  	v18 =	vld [tilespmem:s9+$0x0];
	s10 =	rddreg [dreg:$0x1e];
	v9 =	vadd.f32 v50, v16;
	v7 =	vadd.f32 v48, v49  }
0xdd: {  	s15 =	sor.u32 s23, s22;
	v60 =	vld [tilespmem:s10+$0x0];
	v0 =	vadd.f32 v52, v0;
	v6 =	vadd.f32 v47, v14  }
0xde: {  	s9 =	smov.u32 s11;
	s11 =	smov.u32 s12;
	s12 =	rddreg [dreg:$0x1c];
	v58 =	vld [tilespmem:s15+$0x0];
	v9 =	vadd.f32 v53, v9;
	v4 =	vadd.f32 v45, v7  }
0xdf: {  	v61 =	vld [tilespmem:s12+$0x0];
	v0 =	vadd.f32 v46, v0;
	v2 =	vadd.f32 v43, v6  }
0xe0: {  	v62 =	vadd.f32 v57, v9;
	v1 =	vadd.f32 v42, v4  }
0xe1: {  	v0 =	vadd.f32 v44, v0;
	v2 =	vadd.f32 v54, v2  }
0xe2: {  	v63 =	vadd.f32 v59, v62;
	v1 =	vadd.f32 v60, v1  }
0xe3: {  	v0 =	vadd.f32 v17, v0;
	v2 =	vadd.f32 v18, v2  }
0xe4: {  	v3 =	vadd.f32 v61, v63;
	v1 =	vadd.f32 v58, v1;
	_ =	sdelay $0x1  }
0xe5: {  	v0 =	vadd.f32 v0, v3;
	v1 =	vadd.f32 v1, v2  }
0xe6: {  	p0 =	sne.s32 s31, $0x17;
	s15 =	rddreg [dreg:$0x12]  }
.Ltmp0:
0xe7: {  	s24 =	sshll.u32 s15, $0x7;
	v0 =	vadd.f32 v1, v0;
	(pc) =	sbr.rel @p0 .LBB2_1-.Ltmp0, $4  }
0xe8: {  	s31 =	sadd.s32 $0x1, s31;
	s18 =	sor.u32 s17, s25;
	s4 =	sand.u32 $0x3FFFFE00, s24  }
0xe9: {  	s25 =	sor.u32 s17, s1;
	s1 =	sor.u32 s17, s30;
	s4 =	sadd.s32 $0x12080, s4;
	v0 =	vmul.f32 $4.166666790e-02, v0  }
0xea: {  	s30 =	rddreg [dreg:$0x11];
	s2 =	sor.u32 s17, s22;
	s28 =	sor.u32 s23, s4  }
0xeb: {  	s24 =	sor.u32 s17, s30;
	s6 =	sor.u32 s17, s4;
	s23 =	sor.u32 s17, s26;
	[tilespmem:s28+$0x0] =	vst v0  }
0xec: {  	v0 =	vld [tilespmem:s3+$0x0]  }
0xed: {  	v1 =	vld [tilespmem:s0+$0x0]  }
0xee: {  	v2 =	vld [tilespmem:s25+$0x0]  }
0xef: {  	v3 =	vld [tilespmem:s1+$0x0]  }
0xf0: {  	v4 =	vld [tilespmem:s24+$0x280]  }
0xf1: {  	v5 =	vld [tilespmem:s24+$0x0]  }
0xf2: {  	v6 =	vld [tilespmem:s24+$0x80]  }
0xf3: {  	v10 =	vld [tilespmem:s24+$0x380]  }
0xf4: {  	v11 =	vld [tilespmem:s24+$0x100]  }
0xf5: {  	v13 =	vld [tilespmem:s24+$0x180]  }
0xf6: {  	v14 =	vld [tilespmem:s24+$0x300]  }
0xf7: {  	v15 =	vld [tilespmem:s24+$0x200]  }
0xf8: {  	v50 =	vld [tilespmem:s18+$0x0]  }
0xf9: {  	s5 =	sor.u32 s17, s16;
	v51 =	vld [tilespmem:s2+$0x0]  }
0xfa: {  	s8 =	sor.u32 s17, s29;
	v7 =	vld [tilespmem:s5+$0x0]  }
0xfb: {  	s9 =	sor.u32 s17, s11;
	v8 =	vld [tilespmem:s8+$0x0]  }
0xfc: {  	s10 =	sor.u32 s17, s21;
	v9 =	vld [tilespmem:s9+$0x0]  }
0xfd: {  	s11 =	sor.u32 s17, s19;
	v12 =	vld [tilespmem:s10+$0x0]  }
0xfe: {  	s12 =	sor.u32 s17, s13;
	v16 =	vld [tilespmem:s11+$0x0]  }
0xff: {  	s15 =	sor.u32 s17, s20;
	v17 =	vld [tilespmem:s12+$0x0];
	v4 =	vadd.f32 v4, v6;
	v6 =	vadd.f32 v10, v13  }
0x100: {  	s16 =	sor.u32 s17, s14;
	v49 =	vld [tilespmem:s15+$0x0];
	v11 =	vadd.f32 v14, v11;
	v5 =	vadd.f32 v15, v5  }
0x101: {  	s13 =	sor.u32 s17, s7;
	v2 =	vadd.f32 v2, v4;
	v4 =	vadd.f32 v9, v6;
	v6 =	vld [tilespmem:s16+$0x0]  }
0x102: {  	v18 =	vld [tilespmem:s13+$0x0];
	v8 =	vadd.f32 v8, v11;
	v5 =	vadd.f32 v12, v5  }
0x103: {  	v2 =	vadd.f32 v3, v2;
	v3 =	vadd.f32 v16, v4;
	v4 =	vld [tilespmem:s23+$0x0]  }
0x104: {  	v7 =	vadd.f32 v7, v8;
	v5 =	vadd.f32 v17, v5  }
0x105: {  	v0 =	vadd.f32 v0, v2;
	v2 =	vadd.f32 v49, v3  }
0x106: {  	v3 =	vadd.f32 v50, v7;
	v5 =	vadd.f32 v6, v5  }
0x107: {  	v0 =	vadd.f32 v1, v0;
	v1 =	vadd.f32 v51, v2  }
0x108: {  	v2 =	vadd.f32 v4, v3;
	v3 =	vadd.f32 v18, v5;
	_ =	sdelay $0x1  }
0x109: {  	v1 =	vadd.f32 v1, v2;
	v0 =	vadd.f32 v0, v3;
	_ =	sdelay $0x1  }
0x10a: {  	s8 =	sld [smem:$0x7FA];
	v0 =	vadd.f32 v1, v0  }
0x10b: {  	s7 =	sld [smem:$0x7FB]  }
0x10c: {  	v0 =	vmul.f32 $4.166666790e-02, v0  }
0x10d: {  	s9 =	sadd.s32 $0x4880, s8  }
0x10e: {  	s0 =	sadd.s32 $0x4A00, s8;
	s17 =	sor.u32 s7, s9;
	[tilespmem:s6+$0x0] =	vst v0  }
0x10f: {  	s1 =	sadd.s32 $0x4A80, s8;
	s18 =	sor.u32 s7, s0;
	v0 =	vld [tilespmem:s17+$0x0]  }
0x110: {  	s3 =	sadd.s32 $0x4900, s8;
	s4 =	sor.u32 s7, s1;
	v1 =	vld [tilespmem:s18+$0x0]  }
0x111: {  	s2 =	sadd.s32 $0x4B80, s8;
	s5 =	sor.u32 s7, s3;
	v3 =	vld [tilespmem:s4+$0x0]  }
0x112: {  	s20 =	sor.u32 s7, s2;
	s16 =	sadd.s32 $0x6400, s8;
	v4 =	vld [tilespmem:s5+$0x0]  }
0x113: {  	s14 =	sadd.s32 $0x6300, s8;
	s23 =	sor.u32 s7, s16;
	v5 =	vld [tilespmem:s20+$0x0]  }
0x114: {  	s15 =	sadd.s32 $0x4B00, s8;
	s25 =	sor.u32 s7, s14;
	v52 =	vld [tilespmem:s23+$0x0]  }
0x115: {  	s10 =	sor.u32 s7, s15;
	s6 =	sadd.s32 $0x4C00, s8;
	v54 =	vld [tilespmem:s25+$0x0]  }
0x116: {  	s19 =	sor.u32 s7, s6;
	s17 =	sadd.s32 $0x6200, s8;
	v58 =	vld [tilespmem:s10+$0x0]  }
0x117: {  	s20 =	sadd.s32 $0x7880, s8;
	v2 =	vld [tilespmem:s19+$0x0];
	s21 =	sor.u32 s7, s17  }
0x118: {  	s18 =	sadd.s32 $0x7A00, s8;
	s24 =	sor.u32 s7, s20;
	v6 =	vld [tilespmem:s21+$0x0]  }
0x119: {  	s25 =	sadd.s32 $0x6080, s8;
	s29 =	sor.u32 s7, s18;
	v53 =	vld [tilespmem:s24+$0x0]  }
0x11a: {  	s19 =	sadd.s32 $0x6100, s8;
	s30 =	sor.u32 s7, s25;
	v56 =	vld [tilespmem:s29+$0x0]  }
0x11b: {  	s22 =	sor.u32 s7, s19;
	s21 =	sadd.s32 $0x6280, s8;
	v57 =	vld [tilespmem:s30+$0x0]  }
0x11c: {  	v7 =	vld [tilespmem:s22+$0x0];
	s26 =	sor.u32 s7, s21;
	s22 =	sadd.s32 $0x4980, s8  }
0x11d: {  	s24 =	sadd.s32 $0x7C00, s8;
	v55 =	vld [tilespmem:s26+$0x0];
	s11 =	sor.u32 s7, s22  }
0x11e: {  	s13 =	sor.u32 s7, s24;
	s26 =	sadd.s32 $0x6180, s8;
	v59 =	vld [tilespmem:s11+$0x0]  }
0x11f: {  	s4 =	sadd.s32 $0x7980, s8;
	v61 =	vld [tilespmem:s13+$0x0];
	s12 =	sor.u32 s7, s26  }
0x120: {  	s23 =	sadd.s32 $0x6380, s8;
	s13 =	sor.u32 s7, s4;
	v60 =	vld [tilespmem:s12+$0x0]  }
0x121: {  	s30 =	sor.u32 s7, s23;
	s11 =	sadd.s32 $0x7900, s8;
	v0 =	vadd.f32 v3, v0;
	v63 =	vld [tilespmem:s13+$0x0]  }
0x122: {  	s29 =	sor.u32 s7, s11;
	s12 =	sadd.s32 $0x7B80, s8;
	v1 =	vadd.f32 v2, v1;
	v2 =	vadd.f32 v58, v4;
	v4 =	vld [tilespmem:s30+$0x0]  }
0x123: {  	s13 =	sadd.s32 $0x7A80, s8;
	v62 =	vld [tilespmem:s29+$0x0];
	s10 =	sor.u32 s7, s12;
	v5 =	vadd.f32 v5, v59  }
0x124: {  	s28 =	sadd.s32 $0x7B00, s8;
	s30 =	sor.u32 s7, s13;
	v0 =	vadd.f32 v57, v0;
	v3 =	vld [tilespmem:s10+$0x0];
	v1 =	vadd.f32 v6, v1  }
0x125: {  	s29 =	sor.u32 s7, s28;
	v2 =	vadd.f32 v7, v2;
	v7 =	vld [tilespmem:s30+$0x0];
	v5 =	vadd.f32 v60, v5  }
0x126: {  	v6 =	vld [tilespmem:s29+$0x0];
	v0 =	vadd.f32 v55, v0;
	v1 =	vadd.f32 v52, v1  }
0x127: {  	v2 =	vadd.f32 v54, v2;
	v4 =	vadd.f32 v4, v5  }
0x128: {  	v0 =	vadd.f32 v53, v0;
	v1 =	vadd.f32 v56, v1  }
0x129: {  	v2 =	vadd.f32 v62, v2;
	v4 =	vadd.f32 v63, v4  }
0x12a: {  	v0 =	vadd.f32 v7, v0;
	v1 =	vadd.f32 v61, v1  }
0x12b: {  	v2 =	vadd.f32 v6, v2;
	v3 =	vadd.f32 v3, v4;
	_ =	sdelay $0x1  }
0x12c: {  	v0 =	vadd.f32 v2, v0;
	v1 =	vadd.f32 v1, v3;
	_ =	sdelay $0x1  }
0x12d: {  	v0 =	vadd.f32 v1, v0  }
0x12e: {  	s8 =	sld [smem:$0x7FC]  }
0x12f: {  	s10 =	sor.u32 $0x10, s7;
	v0 =	vmul.f32 $4.166666790e-02, v0  }
0x130: {  	s5 =	simm.s32 $0x1;
	s31 =	sor.u32 s10, s6  }
0x131: {  	s19 =	sor.u32 s10, s19;
	s6 =	simm.s32 $0x20;
	s7 =	sor.u32 s10, s25;
	[tilespmem:s8+$0x80] =	vst v0  }
0x132: {  	s25 =	sor.u32 s10, s20;
	s20 =	sor.u32 s10, s3;
	s26 =	sor.u32 s10, s26;
	v1 =	vld [tilespmem:s19+$0x0]  }
0x133: {  	s0 =	sor.u32 s10, s0;
	s29 =	sor.u32 s10, s16;
	s30 =	sor.u32 s10, s18;
	v0 =	vld [tilespmem:s25+$0x0]  }
0x134: {  	s18 =	sor.u32 s10, s1;
	s16 =	sor.u32 s10, s23;
	s1 =	sor.u32 s10, s4;
	v2 =	vld [tilespmem:s26+$0x0]  }
0x135: {  	s3 =	sor.u32 s10, s14;
	s14 =	sld [smem:$0x7FD];
	s8 =	sor.u32 s10, s17;
	v4 =	vld [tilespmem:s29+$0x0]  }
0x136: {  	s17 =	sor.u32 s10, s22;
	s25 =	sor.u32 s10, s21;
	s21 =	sor.u32 s10, s15;
	v3 =	vld [tilespmem:s30+$0x0]  }
0x137: {  	s19 =	sor.u32 s10, s2;
	v5 =	vld [tilespmem:s8+$0x0];
	s8 =	sor.u32 s10, s9;
	s2 =	sor.u32 s10, s11  }
.LBB2_3:
0x138: {  	v6 =	vld [tilespmem:s7+$0x0]  }
0x139: {  	v7 =	vld [tilespmem:s31+$0x0]  }
0x13a: {  	v8 =	vld [tilespmem:s25+$0x0]  }
0x13b: {  	v9 =	vld [tilespmem:s18+$0x0]  }
0x13c: {  	v10 =	vld [tilespmem:s20+$0x0]  }
0x13d: {  	v11 =	vld [tilespmem:s8+$0x0]  }
0x13e: {  	v12 =	vld [tilespmem:s17+$0x0]  }
0x13f: {  	v13 =	vld [tilespmem:s0+$0x0]  }
0x140: {  	v14 =	vld [tilespmem:s19+$0x0]  }
0x141: {  	v15 =	vld [tilespmem:s21+$0x0]  }
0x142: {  	v49 =	vld [tilespmem:s16+$0x0]  }
0x143: {  	v16 =	vld [tilespmem:s3+$0x0]  }
0x144: {  	v50 =	vld [tilespmem:s1+$0x0]  }
0x145: {  	s4 =	sor.u32 s10, s13;
	v51 =	vld [tilespmem:s2+$0x0];
	v9 =	vadd.f32 v9, v11;
	v7 =	vadd.f32 v7, v13  }
0x146: {  	s9 =	sor.u32 s10, s24;
	v52 =	vld [tilespmem:s4+$0x0];
	v12 =	vadd.f32 v14, v12;
	v10 =	vadd.f32 v15, v10  }
0x147: {  	s12 =	sor.u32 s10, s12;
	v53 =	vld [tilespmem:s9+$0x0];
	v6 =	vadd.f32 v6, v9;
	v5 =	vadd.f32 v5, v7  }
0x148: {  	s11 =	sor.u32 s10, s28;
	v7 =	vld [tilespmem:s12+$0x0];
	v1 =	vadd.f32 v1, v10;
	v2 =	vadd.f32 v2, v12  }
0x149: {  	v6 =	vadd.f32 v8, v6;
	v4 =	vadd.f32 v4, v5;
	v5 =	vld [tilespmem:s11+$0x0]  }
0x14a: {  	v1 =	vadd.f32 v16, v1;
	v2 =	vadd.f32 v49, v2  }
0x14b: {  	v0 =	vadd.f32 v0, v6;
	v3 =	vadd.f32 v3, v4  }
0x14c: {  	v1 =	vadd.f32 v51, v1;
	v2 =	vadd.f32 v50, v2  }
0x14d: {  	v0 =	vadd.f32 v52, v0;
	v3 =	vadd.f32 v53, v3  }
0x14e: {  	v2 =	vadd.f32 v7, v2;
	v1 =	vadd.f32 v5, v1;
	_ =	sdelay $0x1  }
0x14f: {  	v0 =	vadd.f32 v1, v0;
	v1 =	vadd.f32 v3, v2;
	_ =	sdelay $0x1  }
0x150: {  	s30 =	smov.u32 s5;
	v0 =	vadd.f32 v1, v0  }
0x151: {  	s13 =	sshll.u32 s30, $0x8  }
0x152: {  	s12 =	sand.u32 $0x3FFFFC00, s13;
	v0 =	vmul.f32 $4.166666790e-02, v0  }
0x153: {  	s20 =	sand.u32 $0x60, s6;
	s14 =	sor.u32 s10, s14;
	s15 =	sadd.s32 $0x4880, s12  }
0x154: {  	s21 =	sadd.s32 $0x4A00, s12;
	s1 =	sor.u32 s20, s15;
	[tilespmem:s14+$0x80] =	vst v0  }
0x155: {  	s17 =	sadd.s32 $0x4C00, s12;
	s23 =	sor.u32 s20, s21;
	v0 =	vld [tilespmem:s1+$0x0]  }
0x156: {  	s25 =	sadd.s32 $0x4A80, s12;
	s24 =	sor.u32 s20, s17;
	v1 =	vld [tilespmem:s23+$0x0]  }
0x157: {  	s16 =	sadd.s32 $0x4900, s12;
	s0 =	sor.u32 s20, s25;
	v2 =	vld [tilespmem:s24+$0x0]  }
0x158: {  	[dreg:$0xe] =	wrdreg s30;
	s19 =	sadd.s32 $0x4B80, s12;
	s29 =	sor.u32 s20, s16;
	v3 =	vld [tilespmem:s0+$0x0]  }
0x159: {  	s18 =	sadd.s32 $0x6200, s12;
	[dreg:$0x4] =	wrdreg s15;
	s26 =	sor.u32 s20, s19;
	v4 =	vld [tilespmem:s29+$0x0]  }
0x15a: {  	[dreg:$0x13] =	wrdreg s16;
	s30 =	sor.u32 s20, s18;
	s16 =	sadd.s32 $0x6400, s12;
	v5 =	vld [tilespmem:s26+$0x0]  }
0x15b: {  	[dreg:$0x7] =	wrdreg s25;
	s25 =	sadd.s32 $0x6280, s12;
	s15 =	sor.u32 s20, s16;
	v6 =	vld [tilespmem:s30+$0x0]  }
0x15c: {  	s4 =	sadd.s32 $0x6080, s12;
	s9 =	sor.u32 s20, s25;
	v7 =	vld [tilespmem:s15+$0x0]  }
0x15d: {  	[dreg:$0xa] =	wrdreg s21;
	s21 =	sadd.s32 $0x4B00, s12;
	s31 =	sor.u32 s20, s4;
	v55 =	vld [tilespmem:s9+$0x0]  }
0x15e: {  	s22 =	sadd.s32 $0x4980, s12;
	s10 =	sor.u32 s20, s21;
	v57 =	vld [tilespmem:s31+$0x0]  }
0x15f: {  	s7 =	sor.u32 s20, s22;
	s14 =	sadd.s32 $0x6300, s12;
	v58 =	vld [tilespmem:s10+$0x0]  }
0x160: {  	s2 =	sadd.s32 $0x6380, s12;
	s23 =	sor.u32 s20, s14;
	v59 =	vld [tilespmem:s7+$0x0]  }
0x161: {  	s28 =	sadd.s32 $0x7B00, s12;
	s15 =	sor.u32 s20, s2;
	v54 =	vld [tilespmem:s23+$0x0]  }
0x162: {  	s8 =	sadd.s32 $0x6100, s12;
	s31 =	sor.u32 s20, s28;
	v61 =	vld [tilespmem:s15+$0x0]  }
0x163: {  	s3 =	sor.u32 s20, s8;
	s0 =	sadd.s32 $0x7880, s12;
	v63 =	vld [tilespmem:s31+$0x0]  }
0x164: {  	[dreg:$0xd] =	wrdreg s22;
	s29 =	sadd.s32 $0x6180, s12;
	s22 =	sor.u32 s20, s0;
	v1 =	vadd.f32 v2, v1;
	v2 =	vld [tilespmem:s3+$0x0]  }
0x165: {  	s1 =	sadd.s32 $0x7A00, s12;
	v0 =	vadd.f32 v3, v0;
	v3 =	vld [tilespmem:s22+$0x0];
	s22 =	sor.u32 s20, s29  }
0x166: {  	s26 =	sadd.s32 $0x7C00, s12;
	s24 =	sor.u32 s20, s1;
	v60 =	vld [tilespmem:s22+$0x0]  }
0x167: {  	[dreg:$0x16] =	wrdreg s14;
	s30 =	sadd.s32 $0x7900, s12;
	s14 =	sor.u32 s20, s26;
	v56 =	vld [tilespmem:s24+$0x0];
	v1 =	vadd.f32 v6, v1  }
0x168: {  	s11 =	sor.u32 s20, s30;
	s3 =	sadd.s32 $0x7980, s12;
	v4 =	vadd.f32 v58, v4;
	v6 =	vld [tilespmem:s14+$0x0];
	v0 =	vadd.f32 v57, v0  }
0x169: {  	s13 =	sadd.s32 $0x7A80, s12;
	s12 =	sadd.s32 $0x7B80, s12;
	v5 =	vadd.f32 v5, v59;
	s23 =	sor.u32 s20, s3;
	v1 =	vadd.f32 v7, v1;
	v7 =	vld [tilespmem:s11+$0x0]  }
0x16a: {  	s24 =	sor.u32 s20, s12;
	v0 =	vadd.f32 v55, v0;
	v2 =	vadd.f32 v2, v4;
	v4 =	vld [tilespmem:s23+$0x0]  }
0x16b: {  	s9 =	sor.u32 s20, s13;
	v62 =	vld [tilespmem:s24+$0x0];
	v5 =	vadd.f32 v60, v5  }
0x16c: {  	v0 =	vadd.f32 v3, v0;
	v3 =	vld [tilespmem:s9+$0x0];
	v2 =	vadd.f32 v54, v2  }
0x16d: {  	v5 =	vadd.f32 v61, v5  }
0x16e: {  	v1 =	vadd.f32 v56, v1;
	v2 =	vadd.f32 v7, v2  }
0x16f: {  	v4 =	vadd.f32 v4, v5  }
0x170: {  	v1 =	vadd.f32 v6, v1;
	v2 =	vadd.f32 v63, v2  }
0x171: {  	v0 =	vadd.f32 v3, v0;
	v3 =	vadd.f32 v62, v4;
	_ =	sdelay $0x1  }
0x172: {  	p0 =	sne.s32 s5, $0x17;
	v0 =	vadd.f32 v2, v0;
	v1 =	vadd.f32 v1, v3  }
0x173: {  	s5 =	sadd.s32 $0x1, s5;
	s10 =	sor.u32 $0x10, s20;
	s22 =	rddreg [dreg:$0xe]  }
0x174: {  	s6 =	sadd.s32 $0x20, s6;
	s31 =	sor.u32 s10, s17;
	s7 =	sshll.u32 s22, $0x7;
	v0 =	vadd.f32 v1, v0  }
0x175: {  	s25 =	sor.u32 s10, s25;
	s0 =	sor.u32 s10, s0;
	s7 =	sand.u32 $0x3FFFFE00, s7  }
0x176: {  	s15 =	rddreg [dreg:$0xa];
	s21 =	sor.u32 s10, s21;
	s14 =	sadd.s32 $0x12080, s7;
	v0 =	vmul.f32 $4.166666790e-02, v0  }
0x177: {  	s19 =	sor.u32 s10, s19;
	s24 =	smov.u32 s26;
	s7 =	sor.u32 s20, s14  }
0x178: {  	s26 =	rddreg [dreg:$0x13];
	s22 =	sor.u32 s10, s1;
	s23 =	sor.u32 s10, s8;
	[tilespmem:s7+$0x80] =	vst v0  }
0x179: {  	s1 =	sor.u32 s10, s3;
	s11 =	rddreg [dreg:$0xd];
	s20 =	sor.u32 s10, s26;
	v1 =	vld [tilespmem:s23+$0x0]  }
.Ltmp1:
0x17a: {  	s8 =	sor.u32 s10, s29;
	s29 =	rddreg [dreg:$0x16];
	v0 =	vld [tilespmem:s0+$0x0];
	(pc) =	sbr.rel @p0 .LBB2_3-.Ltmp1, $4  }
0x17b: {  	s7 =	sor.u32 s10, s4;
	s4 =	sor.u32 s10, s18;
	s18 =	sor.u32 s10, s16;
	v2 =	vld [tilespmem:s8+$0x0]  }
0x17c: {  	s17 =	sor.u32 s10, s11;
	s26 =	rddreg [dreg:$0x4];
	s3 =	sor.u32 s10, s29;
	v4 =	vld [tilespmem:s18+$0x0]  }
0x17d: {  	s16 =	sor.u32 s10, s2;
	s2 =	sor.u32 s10, s30;
	s23 =	rddreg [dreg:$0x7];
	v3 =	vld [tilespmem:s22+$0x0]  }
0x17e: {  	s0 =	sor.u32 s10, s15;
	s8 =	sor.u32 s10, s26;
	v5 =	vld [tilespmem:s4+$0x0];
	s18 =	sor.u32 s10, s23  }
0x17f: {  	v6 =	vld [tilespmem:s7+$0x0]  }
0x180: {  	v7 =	vld [tilespmem:s31+$0x0]  }
0x181: {  	v8 =	vld [tilespmem:s25+$0x0]  }
0x182: {  	v9 =	vld [tilespmem:s18+$0x0]  }
0x183: {  	v10 =	vld [tilespmem:s20+$0x0]  }
0x184: {  	v11 =	vld [tilespmem:s8+$0x0]  }
0x185: {  	v12 =	vld [tilespmem:s17+$0x0]  }
0x186: {  	v13 =	vld [tilespmem:s0+$0x0]  }
0x187: {  	v14 =	vld [tilespmem:s19+$0x0]  }
0x188: {  	v15 =	vld [tilespmem:s21+$0x0]  }
0x189: {  	v16 =	vld [tilespmem:s16+$0x0]  }
0x18a: {  	v17 =	vld [tilespmem:s3+$0x0]  }
0x18b: {  	v18 =	vld [tilespmem:s1+$0x0]  }
0x18c: {  	s6 =	sor.u32 s10, s13;
	v49 =	vld [tilespmem:s2+$0x0];
	v9 =	vadd.f32 v9, v11;
	v7 =	vadd.f32 v7, v13  }
0x18d: {  	s8 =	sor.u32 s10, s24;
	v50 =	vld [tilespmem:s6+$0x0];
	v12 =	vadd.f32 v14, v12;
	v10 =	vadd.f32 v15, v10  }
0x18e: {  	s7 =	sor.u32 s10, s12;
	v51 =	vld [tilespmem:s8+$0x0];
	v6 =	vadd.f32 v6, v9;
	v5 =	vadd.f32 v5, v7  }
0x18f: {  	s9 =	sor.u32 s10, s28;
	v7 =	vld [tilespmem:s7+$0x0];
	v1 =	vadd.f32 v1, v10;
	v2 =	vadd.f32 v2, v12  }
0x190: {  	v6 =	vadd.f32 v8, v6;
	v4 =	vadd.f32 v4, v5;
	v5 =	vld [tilespmem:s9+$0x0]  }
0x191: {  	v1 =	vadd.f32 v17, v1;
	v2 =	vadd.f32 v16, v2  }
0x192: {  	v0 =	vadd.f32 v0, v6;
	v3 =	vadd.f32 v3, v4  }
0x193: {  	v1 =	vadd.f32 v49, v1;
	v2 =	vadd.f32 v18, v2  }
0x194: {  	v0 =	vadd.f32 v50, v0;
	v3 =	vadd.f32 v51, v3  }
0x195: {  	v2 =	vadd.f32 v7, v2;
	v1 =	vadd.f32 v5, v1;
	_ =	sdelay $0x1  }
0x196: {  	v0 =	vadd.f32 v1, v0;
	v1 =	vadd.f32 v3, v2;
	_ =	sdelay $0x1  }
0x197: {  	v0 =	vadd.f32 v1, v0;
	_ =	sdelay $0x1  }
0x198: {  	v0 =	vmul.f32 $4.166666790e-02, v0  }
0x199: {  	s11 =	sor.u32 s10, s14  }
0x19a: {  	s12 =	simm.s32 $0x2;
	s13 =	simm.s32 $0x0;
	[tilespmem:s11+$0x80] =	vst v0  }
0x19b: {  	s14 =	simm.s32 $0x0;
	s15 =	sand.u32 $0x3FFFFC00, s13;
	_ =	swait.ge [sflag:s12], $0x9000  }
0x19c: {  	s29 =	sand.u32 $0x60, s14;
	s4 =	sadd.s32 $0x9080, s15;
	[sflag:s12] =	ssyncset.done $0x0  }
0x19d: {  	s1 =	sadd.s32 $0x9200, s15;
	s16 =	sor.u32 s29, s4;
	[sflag:s12] =	ssyncadd.s32 $0xFFFF7000  }
0x19e: {  	s5 =	sadd.s32 $0x9400, s15;
	s17 =	sor.u32 s29, s1;
	v0 =	vld [tilespmem:s16+$0x0]  }
0x19f: {  	s10 =	sadd.s32 $0x9280, s15;
	s2 =	sor.u32 s29, s5;
	v1 =	vld [tilespmem:s17+$0x0]  }
0x1a0: {  	s3 =	sadd.s32 $0x9100, s15;
	s6 =	sor.u32 s29, s10;
	v2 =	vld [tilespmem:s2+$0x0]  }
0x1a1: {  	s0 =	sadd.s32 $0x9380, s15;
	s18 =	sor.u32 s29, s3;
	v3 =	vld [tilespmem:s6+$0x0]  }
0x1a2: {  	s19 =	sor.u32 s29, s0;
	s7 =	sadd.s32 $0xAA00, s15;
	v4 =	vld [tilespmem:s18+$0x0]  }
0x1a3: {  	s8 =	sadd.s32 $0xC200, s15;
	s20 =	sor.u32 s29, s7;
	v5 =	vld [tilespmem:s19+$0x0]  }
0x1a4: {  	s25 =	sadd.s32 $0xA880, s15;
	s24 =	sor.u32 s29, s8;
	v6 =	vld [tilespmem:s20+$0x0]  }
0x1a5: {  	s31 =	sadd.s32 $0xC400, s15;
	s26 =	sor.u32 s29, s25;
	v56 =	vld [tilespmem:s24+$0x0]  }
0x1a6: {  	s14 =	sor.u32 s29, s31;
	s17 =	sadd.s32 $0xA900, s15;
	v57 =	vld [tilespmem:s26+$0x0]  }
0x1a7: {  	s6 =	sadd.s32 $0xAC00, s15;
	v61 =	vld [tilespmem:s14+$0x0];
	s21 =	sor.u32 s29, s17  }
0x1a8: {  	s18 =	sadd.s32 $0xC080, s15;
	s22 =	sor.u32 s29, s6;
	v7 =	vld [tilespmem:s21+$0x0]  }
0x1a9: {  	s2 =	sadd.s32 $0xAB00, s15;
	s9 =	sor.u32 s29, s18;
	v52 =	vld [tilespmem:s22+$0x0]  }
0x1aa: {  	s19 =	sadd.s32 $0x9300, s15;
	s11 =	sor.u32 s29, s2;
	v53 =	vld [tilespmem:s9+$0x0]  }
0x1ab: {  	s28 =	sor.u32 s29, s19;
	v54 =	vld [tilespmem:s11+$0x0];
	s22 =	sadd.s32 $0x9180, s15  }
0x1ac: {  	s20 =	sadd.s32 $0xAA80, s15;
	v58 =	vld [tilespmem:s28+$0x0];
	s9 =	sor.u32 s29, s22  }
0x1ad: {  	s24 =	sadd.s32 $0xA980, s15;
	s23 =	sor.u32 s29, s20;
	v59 =	vld [tilespmem:s9+$0x0]  }
0x1ae: {  	s13 =	sor.u32 s29, s24;
	v55 =	vld [tilespmem:s23+$0x0];
	s9 =	sadd.s32 $0xC100, s15  }
0x1af: {  	s16 =	sadd.s32 $0xAB80, s15;
	v60 =	vld [tilespmem:s13+$0x0];
	s21 =	sor.u32 s29, s9  }
0x1b0: {  	s14 =	sadd.s32 $0xC380, s15;
	s23 =	sor.u32 s29, s16;
	v62 =	vld [tilespmem:s21+$0x0]  }
0x1b1: {  	s26 =	sor.u32 s29, s14;
	s28 =	sadd.s32 $0xC180, s15;
	v1 =	vadd.f32 v2, v1;
	v2 =	vadd.f32 v58, v4;
	v4 =	vld [tilespmem:s23+$0x0]  }
0x1b2: {  	s12 =	sor.u32 s29, s28;
	v0 =	vadd.f32 v3, v0;
	v3 =	vadd.f32 v5, v59;
	v5 =	vld [tilespmem:s26+$0x0];
	s26 =	sadd.s32 $0xC300, s15  }
0x1b3: {  	[smem:$0x7F7] =	sst s15;
	v1 =	vadd.f32 v6, v1;
	v6 =	vld [tilespmem:s12+$0x0];
	s15 =	sadd.s32 $0xC280, s15;
	v2 =	vadd.f32 v7, v2;
	s13 =	sor.u32 s29, s26  }
0x1b4: {  	v0 =	vadd.f32 v57, v0;
	s21 =	sor.u32 s29, s15;
	v7 =	vld [tilespmem:s13+$0x0];
	v3 =	vadd.f32 v60, v3  }
0x1b5: {  	v1 =	vadd.f32 v52, v1;
	v63 =	vld [tilespmem:s21+$0x0];
	v2 =	vadd.f32 v54, v2  }
0x1b6: {  	v0 =	vadd.f32 v55, v0;
	v3 =	vadd.f32 v4, v3  }
0x1b7: {  	v1 =	vadd.f32 v56, v1;
	v2 =	vadd.f32 v62, v2  }
0x1b8: {  	v0 =	vadd.f32 v53, v0;
	v3 =	vadd.f32 v6, v3  }
0x1b9: {  	v1 =	vadd.f32 v61, v1;
	v2 =	vadd.f32 v7, v2  }
0x1ba: {  	v0 =	vadd.f32 v63, v0;
	v3 =	vadd.f32 v5, v3;
	_ =	sdelay $0x1  }
0x1bb: {  	v0 =	vadd.f32 v2, v0;
	v1 =	vadd.f32 v1, v3;
	_ =	sdelay $0x1  }
0x1bc: {  	s23 =	simm.s32 $0x0;
	v0 =	vadd.f32 v1, v0  }
0x1bd: {  	s11 =	sand.u32 $0x3FFFFE00, s23  }
0x1be: {  	[smem:$0x7F9] =	sst s29;
	s21 =	sadd.s32 $0x12080, s11;
	s13 =	sor.u32 $0x10, s29;
	v0 =	vmul.f32 $4.166666790e-02, v0  }
0x1bf: {  	[smem:$0x7F8] =	sst s11;
	s23 =	sor.u32 s13, s5;
	s12 =	sor.u32 s29, s21  }
0x1c0: {  	s30 =	sor.u32 s13, s25;
	s25 =	sor.u32 s13, s17;
	s11 =	sor.u32 s13, s7;
	[tilespmem:s12+$0x100] =	vst v0  }
0x1c1: {  	s17 =	sor.u32 s13, s24;
	s1 =	sor.u32 s13, s1;
	s12 =	sor.u32 s13, s18;
	v1 =	vld [tilespmem:s25+$0x0]  }
0x1c2: {  	s7 =	simm.s32 $0x1;
	s24 =	sor.u32 s13, s8;
	s8 =	simm.s32 $0x20;
	v0 =	vld [tilespmem:s12+$0x0]  }
0x1c3: {  	s5 =	sor.u32 s13, s4;
	s2 =	sor.u32 s13, s2;
	s18 =	sor.u32 s13, s3;
	v2 =	vld [tilespmem:s17+$0x0]  }
0x1c4: {  	s3 =	sor.u32 s13, s28;
	s25 =	sor.u32 s13, s20;
	s20 =	sor.u32 s13, s22;
	v3 =	vld [tilespmem:s24+$0x0]  }
0x1c5: {  	s22 =	sor.u32 s13, s6;
	s6 =	sor.u32 s13, s19;
	s17 =	sor.u32 s13, s0;
	v5 =	vld [tilespmem:s11+$0x0]  }
0x1c6: {  	s19 =	sor.u32 s13, s16;
	s0 =	sor.u32 s13, s9;
	v4 =	vld [tilespmem:s22+$0x0];
	s22 =	sor.u32 s13, s10  }
.LBB2_5:
0x1c7: {  	v6 =	vld [tilespmem:s30+$0x0]  }
0x1c8: {  	v7 =	vld [tilespmem:s23+$0x0]  }
0x1c9: {  	v8 =	vld [tilespmem:s25+$0x0]  }
0x1ca: {  	v9 =	vld [tilespmem:s22+$0x0]  }
0x1cb: {  	v10 =	vld [tilespmem:s18+$0x0]  }
0x1cc: {  	v11 =	vld [tilespmem:s5+$0x0]  }
0x1cd: {  	v12 =	vld [tilespmem:s20+$0x0]  }
0x1ce: {  	v13 =	vld [tilespmem:s1+$0x0]  }
0x1cf: {  	v14 =	vld [tilespmem:s17+$0x0]  }
0x1d0: {  	v15 =	vld [tilespmem:s6+$0x0]  }
0x1d1: {  	v49 =	vld [tilespmem:s19+$0x0]  }
0x1d2: {  	v16 =	vld [tilespmem:s2+$0x0]  }
0x1d3: {  	v50 =	vld [tilespmem:s3+$0x0]  }
0x1d4: {  	s15 =	sor.u32 s13, s15;
	v51 =	vld [tilespmem:s0+$0x0];
	v9 =	vadd.f32 v9, v11;
	v7 =	vadd.f32 v7, v13  }
0x1d5: {  	s9 =	sor.u32 s13, s31;
	v52 =	vld [tilespmem:s15+$0x0];
	v12 =	vadd.f32 v14, v12;
	v10 =	vadd.f32 v15, v10  }
0x1d6: {  	s14 =	sor.u32 s13, s14;
	v53 =	vld [tilespmem:s9+$0x0];
	v6 =	vadd.f32 v6, v9;
	v5 =	vadd.f32 v5, v7  }
0x1d7: {  	s12 =	sor.u32 s13, s26;
	v7 =	vld [tilespmem:s14+$0x0];
	v1 =	vadd.f32 v1, v10;
	v2 =	vadd.f32 v2, v12  }
0x1d8: {  	v6 =	vadd.f32 v8, v6;
	v4 =	vadd.f32 v4, v5;
	v5 =	vld [tilespmem:s12+$0x0]  }
0x1d9: {  	v1 =	vadd.f32 v16, v1;
	v2 =	vadd.f32 v49, v2  }
0x1da: {  	v0 =	vadd.f32 v0, v6;
	v3 =	vadd.f32 v3, v4  }
0x1db: {  	v1 =	vadd.f32 v51, v1;
	v2 =	vadd.f32 v50, v2  }
0x1dc: {  	v0 =	vadd.f32 v52, v0;
	v3 =	vadd.f32 v53, v3  }
0x1dd: {  	v2 =	vadd.f32 v7, v2;
	v1 =	vadd.f32 v5, v1;
	_ =	sdelay $0x1  }
0x1de: {  	v0 =	vadd.f32 v1, v0;
	v1 =	vadd.f32 v3, v2;
	_ =	sdelay $0x1  }
0x1df: {  	s4 =	smov.u32 s7;
	v0 =	vadd.f32 v1, v0  }
0x1e0: {  	s12 =	sshll.u32 s4, $0x8  }
0x1e1: {  	s14 =	sand.u32 $0x3FFFFC00, s12;
	v0 =	vmul.f32 $4.166666790e-02, v0  }
0x1e2: {  	s23 =	sand.u32 $0x60, s8;
	s13 =	sor.u32 s13, s21;
	s15 =	sadd.s32 $0x9080, s14  }
0x1e3: {  	s21 =	sadd.s32 $0x9200, s14;
	s1 =	sor.u32 s23, s15;
	[tilespmem:s13+$0x100] =	vst v0  }
0x1e4: {  	s25 =	sadd.s32 $0x9400, s14;
	s22 =	sor.u32 s23, s21;
	v0 =	vld [tilespmem:s1+$0x0]  }
0x1e5: {  	s26 =	sadd.s32 $0x9280, s14;
	s24 =	sor.u32 s23, s25;
	v1 =	vld [tilespmem:s22+$0x0]  }
0x1e6: {  	s16 =	sadd.s32 $0x9100, s14;
	s0 =	sor.u32 s23, s26;
	v2 =	vld [tilespmem:s24+$0x0]  }
0x1e7: {  	s17 =	sadd.s32 $0xAA00, s14;
	s29 =	sor.u32 s23, s16;
	v3 =	vld [tilespmem:s0+$0x0]  }
0x1e8: {  	s2 =	sadd.s32 $0xC200, s14;
	s3 =	sor.u32 s23, s17;
	v4 =	vld [tilespmem:s29+$0x0]  }
0x1e9: {  	s30 =	sadd.s32 $0xA880, s14;
	[dreg:$0x8] =	wrdreg s26;
	s26 =	sor.u32 s23, s2;
	v6 =	vld [tilespmem:s3+$0x0]  }
0x1ea: {  	[dreg:$0xf] =	wrdreg s4;
	s19 =	sadd.s32 $0x9300, s14;
	s4 =	sor.u32 s23, s30;
	v56 =	vld [tilespmem:s26+$0x0]  }
0x1eb: {  	s20 =	sadd.s32 $0x9180, s14;
	s13 =	sor.u32 s23, s19;
	v57 =	vld [tilespmem:s4+$0x0]  }
0x1ec: {  	[dreg:$0x5] =	wrdreg s15;
	s18 =	sor.u32 s23, s20;
	s15 =	sadd.s32 $0xAB00, s14;
	v58 =	vld [tilespmem:s13+$0x0]  }
0x1ed: {  	s22 =	sadd.s32 $0x9380, s14;
	s24 =	sor.u32 s23, s15;
	v59 =	vld [tilespmem:s18+$0x0]  }
0x1ee: {  	s29 =	sadd.s32 $0xAA80, s14;
	s28 =	sor.u32 s23, s22;
	v54 =	vld [tilespmem:s24+$0x0]  }
0x1ef: {  	s26 =	sadd.s32 $0xC300, s14;
	s9 =	sor.u32 s23, s29;
	v5 =	vld [tilespmem:s28+$0x0]  }
0x1f0: {  	[dreg:$0x14] =	wrdreg s16;
	s28 =	sadd.s32 $0xAC00, s14;
	v55 =	vld [tilespmem:s9+$0x0];
	s9 =	sor.u32 s23, s26  }
0x1f1: {  	[dreg:$0x19] =	wrdreg s17;
	s17 =	sadd.s32 $0xA900, s14;
	s16 =	sor.u32 s23, s28;
	v63 =	vld [tilespmem:s9+$0x0]  }
0x1f2: {  	s6 =	sadd.s32 $0xC080, s14;
	s5 =	sor.u32 s23, s17;
	v7 =	vld [tilespmem:s16+$0x0]  }
0x1f3: {  	[dreg:$0xb] =	wrdreg s21;
	s21 =	sor.u32 s23, s6;
	s1 =	sadd.s32 $0xA980, s14;
	v1 =	vadd.f32 v2, v1;
	v2 =	vld [tilespmem:s5+$0x0]  }
0x1f4: {  	s3 =	sadd.s32 $0xAB80, s14;
	v0 =	vadd.f32 v3, v0;
	v3 =	vld [tilespmem:s21+$0x0];
	s21 =	sor.u32 s23, s1  }
0x1f5: {  	s31 =	sadd.s32 $0xC400, s14;
	s16 =	sor.u32 s23, s3;
	v60 =	vld [tilespmem:s21+$0x0]  }
0x1f6: {  	s11 =	sadd.s32 $0xC100, s14;
	s10 =	sor.u32 s23, s31;
	v61 =	vld [tilespmem:s16+$0x0];
	v1 =	vadd.f32 v6, v1  }
0x1f7: {  	[dreg:$0x17] =	wrdreg s15;
	s24 =	sor.u32 s23, s11;
	s5 =	sadd.s32 $0xC180, s14;
	v4 =	vadd.f32 v58, v4;
	v6 =	vld [tilespmem:s10+$0x0];
	v0 =	vadd.f32 v57, v0  }
0x1f8: {  	s15 =	sadd.s32 $0xC280, s14;
	s14 =	sadd.s32 $0xC380, s14;
	s0 =	sor.u32 s23, s5;
	v5 =	vadd.f32 v5, v59;
	v1 =	vadd.f32 v7, v1;
	v7 =	vld [tilespmem:s24+$0x0]  }
0x1f9: {  	s12 =	sor.u32 s23, s14;
	v0 =	vadd.f32 v55, v0;
	v2 =	vadd.f32 v2, v4;
	v4 =	vld [tilespmem:s0+$0x0]  }
0x1fa: {  	s4 =	sor.u32 s23, s15;
	v62 =	vld [tilespmem:s12+$0x0];
	v5 =	vadd.f32 v60, v5  }
0x1fb: {  	v0 =	vadd.f32 v3, v0;
	v3 =	vld [tilespmem:s4+$0x0];
	v2 =	vadd.f32 v54, v2  }
0x1fc: {  	v5 =	vadd.f32 v61, v5  }
0x1fd: {  	v1 =	vadd.f32 v56, v1;
	v2 =	vadd.f32 v7, v2  }
0x1fe: {  	v4 =	vadd.f32 v4, v5  }
0x1ff: {  	v1 =	vadd.f32 v6, v1;
	v2 =	vadd.f32 v63, v2  }
0x200: {  	v0 =	vadd.f32 v3, v0;
	v3 =	vadd.f32 v62, v4;
	_ =	sdelay $0x1  }
0x201: {  	v0 =	vadd.f32 v2, v0;
	v1 =	vadd.f32 v1, v3  }
0x202: {  	p0 =	sne.s32 s7, $0x17;
	s7 =	sadd.s32 $0x1, s7;
	s21 =	rddreg [dreg:$0xf]  }
0x203: {  	s8 =	sadd.s32 $0x20, s8;
	s13 =	sor.u32 $0x10, s23;
	s0 =	sshll.u32 s21, $0x7;
	v0 =	vadd.f32 v1, v0  }
0x204: {  	s30 =	sor.u32 s13, s30;
	s20 =	sor.u32 s13, s20;
	s0 =	sand.u32 $0x3FFFFE00, s0  }
0x205: {  	s2 =	sor.u32 s13, s2;
	s9 =	rddreg [dreg:$0x14];
	s21 =	sadd.s32 $0x12080, s0;
	v0 =	vmul.f32 $4.166666790e-02, v0  }
0x206: {  	s18 =	sor.u32 s13, s9;
	s16 =	sor.u32 s13, s28;
	s0 =	sor.u32 s23, s21  }
0x207: {  	s24 =	sor.u32 s13, s17;
	s23 =	sor.u32 s13, s25;
	s25 =	rddreg [dreg:$0x19];
	[tilespmem:s0+$0x100] =	vst v0  }
0x208: {  	s0 =	sor.u32 s13, s25;
	s25 =	sor.u32 s13, s29;
	s29 =	sor.u32 s13, s6;
	v1 =	vld [tilespmem:s24+$0x0]  }
.Ltmp2:
0x209: {  	s10 =	sor.u32 s13, s1;
	s12 =	rddreg [dreg:$0xb];
	v0 =	vld [tilespmem:s29+$0x0];
	(pc) =	sbr.rel @p0 .LBB2_5-.Ltmp2, $4  }
0x20a: {  	s28 =	rddreg [dreg:$0x5];
	s1 =	sor.u32 s13, s12;
	s17 =	sor.u32 s13, s22;
	v2 =	vld [tilespmem:s10+$0x0]  }
0x20b: {  	s6 =	sor.u32 s13, s19;
	s19 =	sor.u32 s13, s3;
	v4 =	vld [tilespmem:s16+$0x0];
	s24 =	rddreg [dreg:$0x8]  }
0x20c: {  	s3 =	sor.u32 s13, s5;
	s5 =	sor.u32 s13, s28;
	v3 =	vld [tilespmem:s2+$0x0];
	s29 =	rddreg [dreg:$0x17]  }
0x20d: {  	v5 =	vld [tilespmem:s0+$0x0];
	s0 =	sor.u32 s13, s11;
	s22 =	sor.u32 s13, s24;
	s2 =	sor.u32 s13, s29  }
0x20e: {  	v6 =	vld [tilespmem:s30+$0x0]  }
0x20f: {  	v7 =	vld [tilespmem:s23+$0x0]  }
0x210: {  	v8 =	vld [tilespmem:s25+$0x0]  }
0x211: {  	v9 =	vld [tilespmem:s22+$0x0]  }
0x212: {  	v10 =	vld [tilespmem:s18+$0x0]  }
0x213: {  	v11 =	vld [tilespmem:s5+$0x0]  }
0x214: {  	v12 =	vld [tilespmem:s20+$0x0]  }
0x215: {  	v13 =	vld [tilespmem:s1+$0x0]  }
0x216: {  	v14 =	vld [tilespmem:s17+$0x0]  }
0x217: {  	v15 =	vld [tilespmem:s6+$0x0]  }
0x218: {  	v16 =	vld [tilespmem:s19+$0x0]  }
0x219: {  	v17 =	vld [tilespmem:s2+$0x0]  }
0x21a: {  	v18 =	vld [tilespmem:s3+$0x0]  }
0x21b: {  	s16 =	sor.u32 s13, s15;
	v49 =	vld [tilespmem:s0+$0x0];
	v9 =	vadd.f32 v9, v11;
	v7 =	vadd.f32 v7, v13  }
0x21c: {  	s18 =	sor.u32 s13, s31;
	v50 =	vld [tilespmem:s16+$0x0];
	v12 =	vadd.f32 v14, v12;
	v10 =	vadd.f32 v15, v10  }
0x21d: {  	s17 =	sor.u32 s13, s14;
	v51 =	vld [tilespmem:s18+$0x0];
	v6 =	vadd.f32 v6, v9;
	v5 =	vadd.f32 v5, v7  }
0x21e: {  	s19 =	sor.u32 s13, s26;
	v7 =	vld [tilespmem:s17+$0x0];
	v1 =	vadd.f32 v1, v10;
	v2 =	vadd.f32 v2, v12  }
0x21f: {  	v6 =	vadd.f32 v8, v6;
	v4 =	vadd.f32 v4, v5;
	v5 =	vld [tilespmem:s19+$0x0]  }
0x220: {  	v1 =	vadd.f32 v17, v1;
	v2 =	vadd.f32 v16, v2  }
0x221: {  	v0 =	vadd.f32 v0, v6;
	v3 =	vadd.f32 v3, v4  }
0x222: {  	v1 =	vadd.f32 v49, v1;
	v2 =	vadd.f32 v18, v2  }
0x223: {  	v0 =	vadd.f32 v50, v0;
	v3 =	vadd.f32 v51, v3  }
0x224: {  	v2 =	vadd.f32 v7, v2;
	v1 =	vadd.f32 v5, v1;
	_ =	sdelay $0x1  }
0x225: {  	v0 =	vadd.f32 v1, v0;
	v1 =	vadd.f32 v3, v2;
	_ =	sdelay $0x1  }
0x226: {  	s9 =	sld [smem:$0x7F7];
	v0 =	vadd.f32 v1, v0  }
0x227: {  	s22 =	sld [smem:$0x7F9]  }
0x228: {  	v0 =	vmul.f32 $4.166666790e-02, v0  }
0x229: {  	s20 =	sor.u32 s13, s21;
	s13 =	sadd.s32 $0xD880, s9  }
0x22a: {  	s14 =	sadd.s32 $0xDA00, s9;
	s21 =	sor.u32 s22, s13;
	[tilespmem:s20+$0x100] =	vst v0  }
0x22b: {  	s5 =	sadd.s32 $0xDC00, s9;
	s23 =	sor.u32 s22, s14;
	v0 =	vld [tilespmem:s21+$0x0]  }
0x22c: {  	s1 =	sadd.s32 $0xDA80, s9;
	s24 =	sor.u32 s22, s5;
	v1 =	vld [tilespmem:s23+$0x0]  }
0x22d: {  	s2 =	sadd.s32 $0xD900, s9;
	s4 =	sor.u32 s22, s1;
	v2 =	vld [tilespmem:s24+$0x0]  }
0x22e: {  	s0 =	sadd.s32 $0xDB80, s9;
	s25 =	sor.u32 s22, s2;
	v3 =	vld [tilespmem:s4+$0x0]  }
0x22f: {  	s15 =	sadd.s32 $0xF200, s9;
	s26 =	sor.u32 s22, s0;
	v4 =	vld [tilespmem:s25+$0x0]  }
0x230: {  	s28 =	sor.u32 s22, s15;
	s17 =	sadd.s32 $0xF100, s9;
	v5 =	vld [tilespmem:s26+$0x0]  }
0x231: {  	s30 =	sadd.s32 $0xF400, s9;
	s29 =	sor.u32 s22, s17;
	v6 =	vld [tilespmem:s28+$0x0]  }
0x232: {  	s18 =	sadd.s32 $0x10880, s9;
	s6 =	sor.u32 s22, s30;
	v7 =	vld [tilespmem:s29+$0x0]  }
0x233: {  	s3 =	sadd.s32 $0xF300, s9;
	s7 =	sor.u32 s22, s18;
	v52 =	vld [tilespmem:s6+$0x0]  }
0x234: {  	s8 =	sor.u32 s22, s3;
	s19 =	sadd.s32 $0xF280, s9;
	v53 =	vld [tilespmem:s7+$0x0]  }
0x235: {  	s16 =	sadd.s32 $0x10A00, s9;
	s10 =	sor.u32 s22, s19;
	v54 =	vld [tilespmem:s8+$0x0]  }
0x236: {  	s11 =	sor.u32 s22, s16;
	s20 =	sadd.s32 $0xDB00, s9;
	v55 =	vld [tilespmem:s10+$0x0]  }
0x237: {  	s25 =	sadd.s32 $0xF080, s9;
	v56 =	vld [tilespmem:s11+$0x0];
	s21 =	sor.u32 s22, s20  }
0x238: {  	s10 =	sadd.s32 $0xD980, s9;
	s12 =	sor.u32 s22, s25;
	v58 =	vld [tilespmem:s21+$0x0]  }
0x239: {  	s26 =	sadd.s32 $0xF180, s9;
	s8 =	sor.u32 s22, s10;
	v57 =	vld [tilespmem:s12+$0x0]  }
0x23a: {  	s7 =	sadd.s32 $0x10C00, s9;
	s23 =	sor.u32 s22, s26;
	v59 =	vld [tilespmem:s8+$0x0]  }
0x23b: {  	s6 =	sadd.s32 $0x10900, s9;
	s24 =	sor.u32 s22, s7;
	v60 =	vld [tilespmem:s23+$0x0]  }
0x23c: {  	s28 =	sor.u32 s22, s6;
	s23 =	sadd.s32 $0xF380, s9;
	v61 =	vld [tilespmem:s24+$0x0]  }
0x23d: {  	s11 =	sadd.s32 $0x10B80, s9;
	v62 =	vld [tilespmem:s28+$0x0];
	s29 =	sor.u32 s22, s23;
	v1 =	vadd.f32 v2, v1  }
0x23e: {  	s28 =	sadd.s32 $0x10980, s9;
	s12 =	sor.u32 s22, s11;
	v0 =	vadd.f32 v3, v0;
	v2 =	vadd.f32 v58, v4;
	v4 =	vld [tilespmem:s29+$0x0]  }
0x23f: {  	s21 =	sor.u32 s22, s28;
	v3 =	vld [tilespmem:s12+$0x0];
	s12 =	sadd.s32 $0x10A80, s9;
	v5 =	vadd.f32 v5, v59  }
0x240: {  	s24 =	sadd.s32 $0x10B00, s9;
	v63 =	vld [tilespmem:s21+$0x0];
	s8 =	sor.u32 s22, s12;
	v1 =	vadd.f32 v6, v1;
	v0 =	vadd.f32 v57, v0  }
0x241: {  	s29 =	sor.u32 s22, s24;
	v2 =	vadd.f32 v7, v2;
	v7 =	vld [tilespmem:s8+$0x0];
	v5 =	vadd.f32 v60, v5  }
0x242: {  	v6 =	vld [tilespmem:s29+$0x0];
	v1 =	vadd.f32 v52, v1;
	v0 =	vadd.f32 v55, v0  }
0x243: {  	v2 =	vadd.f32 v54, v2;
	v4 =	vadd.f32 v4, v5  }
0x244: {  	v1 =	vadd.f32 v56, v1;
	v0 =	vadd.f32 v53, v0  }
0x245: {  	v2 =	vadd.f32 v62, v2;
	v4 =	vadd.f32 v63, v4  }
0x246: {  	v1 =	vadd.f32 v61, v1;
	v0 =	vadd.f32 v7, v0  }
0x247: {  	v2 =	vadd.f32 v6, v2;
	v3 =	vadd.f32 v3, v4;
	_ =	sdelay $0x1  }
0x248: {  	v0 =	vadd.f32 v2, v0;
	v1 =	vadd.f32 v1, v3  }
0x249: {  	s9 =	sld [smem:$0x7F8]  }
0x24a: {  	v0 =	vadd.f32 v1, v0;
	_ =	sdelay $0x1  }
0x24b: {  	s21 =	sadd.s32 $0x12080, s9;
	s9 =	sor.u32 $0x10, s22;
	v0 =	vmul.f32 $4.166666790e-02, v0  }
0x24c: {  	s4 =	sor.u32 s22, s21;
	s22 =	sor.u32 s9, s5  }
0x24d: {  	s31 =	sor.u32 s9, s25;
	s17 =	sor.u32 s9, s17;
	s29 =	sor.u32 s9, s15;
	[tilespmem:s4+$0x180] =	vst v0  }
0x24e: {  	s18 =	sor.u32 s9, s18;
	s5 =	simm.s32 $0x20;
	s25 =	sor.u32 s9, s19;
	v1 =	vld [tilespmem:s17+$0x0]  }
0x24f: {  	s15 =	sor.u32 s9, s2;
	s19 =	sor.u32 s9, s26;
	s14 =	sor.u32 s9, s14;
	v0 =	vld [tilespmem:s18+$0x0]  }
0x250: {  	s26 =	sor.u32 s9, s30;
	s30 =	sor.u32 s9, s16;
	s16 =	sor.u32 s9, s1;
	v2 =	vld [tilespmem:s19+$0x0]  }
0x251: {  	s2 =	sor.u32 s9, s23;
	s1 =	sor.u32 s9, s6;
	s4 =	simm.s32 $0x1;
	v4 =	vld [tilespmem:s26+$0x0]  }
0x252: {  	s17 =	sor.u32 s9, s10;
	s18 =	sor.u32 s9, s20;
	s19 =	sor.u32 s9, s0;
	v3 =	vld [tilespmem:s30+$0x0]  }
0x253: {  	s0 =	sor.u32 s9, s28;
	v5 =	vld [tilespmem:s29+$0x0];
	s20 =	sor.u32 s9, s13;
	s13 =	sor.u32 s9, s3  }
.LBB2_7:
0x254: {  	v6 =	vld [tilespmem:s31+$0x0]  }
0x255: {  	v7 =	vld [tilespmem:s22+$0x0]  }
0x256: {  	v8 =	vld [tilespmem:s25+$0x0]  }
0x257: {  	v9 =	vld [tilespmem:s16+$0x0]  }
0x258: {  	v10 =	vld [tilespmem:s15+$0x0]  }
0x259: {  	v11 =	vld [tilespmem:s20+$0x0]  }
0x25a: {  	v12 =	vld [tilespmem:s17+$0x0]  }
0x25b: {  	v13 =	vld [tilespmem:s14+$0x0]  }
0x25c: {  	v14 =	vld [tilespmem:s19+$0x0]  }
0x25d: {  	v15 =	vld [tilespmem:s18+$0x0]  }
0x25e: {  	v49 =	vld [tilespmem:s2+$0x0]  }
0x25f: {  	v16 =	vld [tilespmem:s13+$0x0]  }
0x260: {  	v50 =	vld [tilespmem:s0+$0x0]  }
0x261: {  	s3 =	sor.u32 s9, s12;
	v51 =	vld [tilespmem:s1+$0x0];
	v9 =	vadd.f32 v9, v11;
	v7 =	vadd.f32 v7, v13  }
0x262: {  	s7 =	sor.u32 s9, s7;
	v52 =	vld [tilespmem:s3+$0x0];
	v12 =	vadd.f32 v14, v12;
	v10 =	vadd.f32 v15, v10  }
0x263: {  	s11 =	sor.u32 s9, s11;
	v53 =	vld [tilespmem:s7+$0x0];
	v6 =	vadd.f32 v6, v9;
	v5 =	vadd.f32 v5, v7  }
0x264: {  	s10 =	sor.u32 s9, s24;
	v7 =	vld [tilespmem:s11+$0x0];
	v1 =	vadd.f32 v1, v10;
	v2 =	vadd.f32 v2, v12  }
0x265: {  	v6 =	vadd.f32 v8, v6;
	v4 =	vadd.f32 v4, v5;
	v5 =	vld [tilespmem:s10+$0x0]  }
0x266: {  	v1 =	vadd.f32 v16, v1;
	v2 =	vadd.f32 v49, v2  }
0x267: {  	v0 =	vadd.f32 v0, v6;
	v3 =	vadd.f32 v3, v4  }
0x268: {  	v1 =	vadd.f32 v51, v1;
	v2 =	vadd.f32 v50, v2  }
0x269: {  	v0 =	vadd.f32 v52, v0;
	v3 =	vadd.f32 v53, v3  }
0x26a: {  	v2 =	vadd.f32 v7, v2;
	v1 =	vadd.f32 v5, v1;
	_ =	sdelay $0x1  }
0x26b: {  	v0 =	vadd.f32 v1, v0;
	v1 =	vadd.f32 v3, v2;
	_ =	sdelay $0x1  }
0x26c: {  	s6 =	smov.u32 s4;
	v0 =	vadd.f32 v1, v0  }
0x26d: {  	s17 =	sshll.u32 s6, $0x8  }
0x26e: {  	s11 =	sand.u32 $0x3FFFFC00, s17;
	v0 =	vmul.f32 $4.166666790e-02, v0  }
0x26f: {  	s20 =	sand.u32 $0x60, s5;
	s18 =	sor.u32 s9, s21;
	s19 =	sadd.s32 $0xD880, s11  }
0x270: {  	s24 =	sadd.s32 $0xDA00, s11;
	s1 =	sor.u32 s20, s19;
	[tilespmem:s18+$0x180] =	vst v0  }
0x271: {  	s22 =	sadd.s32 $0xDC00, s11;
	s25 =	sor.u32 s20, s24;
	v0 =	vld [tilespmem:s1+$0x0]  }
0x272: {  	s28 =	sadd.s32 $0xDA80, s11;
	s26 =	sor.u32 s20, s22;
	v1 =	vld [tilespmem:s25+$0x0]  }
0x273: {  	s21 =	sadd.s32 $0xD900, s11;
	s0 =	sor.u32 s20, s28;
	v2 =	vld [tilespmem:s26+$0x0]  }
0x274: {  	[dreg:$0x6] =	wrdreg s19;
	s19 =	sadd.s32 $0xDB80, s11;
	s30 =	sor.u32 s20, s21;
	v3 =	vld [tilespmem:s0+$0x0]  }
0x275: {  	s23 =	sadd.s32 $0xF200, s11;
	s29 =	sor.u32 s20, s19;
	v4 =	vld [tilespmem:s30+$0x0]  }
0x276: {  	s16 =	sadd.s32 $0xF400, s11;
	s3 =	sor.u32 s20, s23;
	v5 =	vld [tilespmem:s29+$0x0]  }
0x277: {  	s7 =	sadd.s32 $0xF300, s11;
	s8 =	sor.u32 s20, s16;
	v6 =	vld [tilespmem:s3+$0x0]  }
0x278: {  	s13 =	sadd.s32 $0x10A00, s11;
	[dreg:$0x15] =	wrdreg s21;
	s21 =	sor.u32 s20, s7;
	v7 =	vld [tilespmem:s8+$0x0]  }
0x279: {  	s14 =	sadd.s32 $0xF080, s11;
	[dreg:$0xc] =	wrdreg s24;
	s24 =	sor.u32 s20, s13;
	v54 =	vld [tilespmem:s21+$0x0]  }
0x27a: {  	s17 =	sadd.s32 $0xD980, s11;
	s31 =	sor.u32 s20, s14;
	v56 =	vld [tilespmem:s24+$0x0]  }
0x27b: {  	s15 =	sor.u32 s20, s17;
	s18 =	sadd.s32 $0xDB00, s11;
	v57 =	vld [tilespmem:s31+$0x0]  }
0x27c: {  	[dreg:$0x9] =	wrdreg s28;
	s28 =	sadd.s32 $0xF180, s11;
	s9 =	sor.u32 s20, s18;
	v59 =	vld [tilespmem:s15+$0x0]  }
0x27d: {  	s25 =	sadd.s32 $0xF280, s11;
	s0 =	sor.u32 s20, s28;
	v58 =	vld [tilespmem:s9+$0x0]  }
0x27e: {  	s8 =	sadd.s32 $0xF380, s11;
	s10 =	sor.u32 s20, s25;
	v60 =	vld [tilespmem:s0+$0x0]  }
0x27f: {  	s26 =	sadd.s32 $0xF100, s11;
	s21 =	sor.u32 s20, s8;
	v55 =	vld [tilespmem:s10+$0x0]  }
0x280: {  	[dreg:$0x10] =	wrdreg s6;
	s24 =	sadd.s32 $0x10B00, s11;
	s6 =	sor.u32 s20, s26;
	v61 =	vld [tilespmem:s21+$0x0]  }
0x281: {  	s29 =	sadd.s32 $0x10880, s11;
	s31 =	sor.u32 s20, s24;
	v1 =	vadd.f32 v2, v1;
	v2 =	vld [tilespmem:s6+$0x0]  }
0x282: {  	[dreg:$0x1a] =	wrdreg s23;
	s23 =	sadd.s32 $0x10C00, s11;
	s12 =	sor.u32 s20, s29;
	v63 =	vld [tilespmem:s31+$0x0];
	v0 =	vadd.f32 v3, v0  }
0x283: {  	s3 =	sadd.s32 $0x10900, s11;
	v3 =	vld [tilespmem:s12+$0x0];
	s6 =	sor.u32 s20, s23;
	v1 =	vadd.f32 v6, v1  }
0x284: {  	s30 =	sadd.s32 $0x10980, s11;
	s1 =	sor.u32 s20, s3;
	v4 =	vadd.f32 v58, v4;
	v6 =	vld [tilespmem:s6+$0x0];
	v0 =	vadd.f32 v57, v0  }
0x285: {  	s2 =	sor.u32 s20, s30;
	s12 =	sadd.s32 $0x10A80, s11;
	s11 =	sadd.s32 $0x10B80, s11;
	v5 =	vadd.f32 v5, v59;
	v1 =	vadd.f32 v7, v1;
	v7 =	vld [tilespmem:s1+$0x0]  }
0x286: {  	s10 =	sor.u32 s20, s11;
	v0 =	vadd.f32 v55, v0;
	v2 =	vadd.f32 v2, v4;
	v4 =	vld [tilespmem:s2+$0x0]  }
0x287: {  	[dreg:$0x18] =	wrdreg s7;
	s7 =	sor.u32 s20, s12;
	v62 =	vld [tilespmem:s10+$0x0];
	v5 =	vadd.f32 v60, v5  }
0x288: {  	v0 =	vadd.f32 v3, v0;
	v3 =	vld [tilespmem:s7+$0x0];
	v2 =	vadd.f32 v54, v2  }
0x289: {  	v5 =	vadd.f32 v61, v5  }
0x28a: {  	v1 =	vadd.f32 v56, v1;
	v2 =	vadd.f32 v7, v2  }
0x28b: {  	v4 =	vadd.f32 v4, v5  }
0x28c: {  	v1 =	vadd.f32 v6, v1;
	v2 =	vadd.f32 v63, v2  }
0x28d: {  	v0 =	vadd.f32 v3, v0;
	v3 =	vadd.f32 v62, v4;
	_ =	sdelay $0x1  }
0x28e: {  	p0 =	sne.s32 s4, $0x17;
	v0 =	vadd.f32 v2, v0;
	v1 =	vadd.f32 v1, v3  }
0x28f: {  	s4 =	sadd.s32 $0x1, s4;
	s9 =	sor.u32 $0x10, s20;
	s21 =	rddreg [dreg:$0x10]  }
0x290: {  	s5 =	sadd.s32 $0x20, s5;
	s22 =	sor.u32 s9, s22;
	s0 =	sshll.u32 s21, $0x7;
	v0 =	vadd.f32 v1, v0  }
0x291: {  	s31 =	sor.u32 s9, s14;
	s25 =	sor.u32 s9, s25;
	s0 =	sand.u32 $0x3FFFFE00, s0  }
0x292: {  	s29 =	sor.u32 s9, s29;
	s17 =	sor.u32 s9, s17;
	s21 =	sadd.s32 $0x12080, s0;
	v0 =	vmul.f32 $4.166666790e-02, v0  }
0x293: {  	s18 =	sor.u32 s9, s18;
	s0 =	sor.u32 s20, s21;
	s20 =	rddreg [dreg:$0xc]  }
0x294: {  	s6 =	rddreg [dreg:$0x15];
	s7 =	smov.u32 s23;
	s23 =	sor.u32 s9, s26;
	[tilespmem:s0+$0x180] =	vst v0  }
0x295: {  	s19 =	sor.u32 s9, s19;
	s10 =	sor.u32 s9, s28;
	s28 =	rddreg [dreg:$0x9];
	v1 =	vld [tilespmem:s23+$0x0]  }
.Ltmp3:
0x296: {  	s14 =	sor.u32 s9, s20;
	s26 =	rddreg [dreg:$0x1a];
	v0 =	vld [tilespmem:s29+$0x0];
	(pc) =	sbr.rel @p0 .LBB2_7-.Ltmp3, $4  }
0x297: {  	s15 =	sor.u32 s9, s6;
	s1 =	sor.u32 s9, s26;
	s26 =	sor.u32 s9, s13;
	v2 =	vld [tilespmem:s10+$0x0]  }
0x298: {  	s2 =	sor.u32 s9, s8;
	s0 =	sor.u32 s9, s30;
	s30 =	rddreg [dreg:$0x18];
	v3 =	vld [tilespmem:s26+$0x0]  }
0x299: {  	s23 =	sor.u32 s9, s16;
	s16 =	sor.u32 s9, s28;
	s29 =	rddreg [dreg:$0x6];
	v5 =	vld [tilespmem:s1+$0x0]  }
0x29a: {  	s13 =	sor.u32 s9, s30;
	s1 =	sor.u32 s9, s3;
	v4 =	vld [tilespmem:s23+$0x0];
	s20 =	sor.u32 s9, s29  }
0x29b: {  	v6 =	vld [tilespmem:s31+$0x0]  }
0x29c: {  	v7 =	vld [tilespmem:s22+$0x0]  }
0x29d: {  	v8 =	vld [tilespmem:s25+$0x0]  }
0x29e: {  	v9 =	vld [tilespmem:s16+$0x0]  }
0x29f: {  	v10 =	vld [tilespmem:s15+$0x0]  }
0x2a0: {  	v11 =	vld [tilespmem:s20+$0x0]  }
0x2a1: {  	v12 =	vld [tilespmem:s17+$0x0]  }
0x2a2: {  	v13 =	vld [tilespmem:s14+$0x0]  }
0x2a3: {  	v14 =	vld [tilespmem:s19+$0x0]  }
0x2a4: {  	v15 =	vld [tilespmem:s18+$0x0]  }
0x2a5: {  	v16 =	vld [tilespmem:s2+$0x0]  }
0x2a6: {  	v17 =	vld [tilespmem:s13+$0x0]  }
0x2a7: {  	v18 =	vld [tilespmem:s0+$0x0]  }
0x2a8: {  	s20 =	sor.u32 s9, s12;
	v58 =	vld [tilespmem:s1+$0x0];
	v9 =	vadd.f32 v9, v11;
	v7 =	vadd.f32 v7, v13  }
0x2a9: {  	s22 =	sor.u32 s9, s11;
	v59 =	vld [tilespmem:s20+$0x0];
	v12 =	vadd.f32 v14, v12;
	v10 =	vadd.f32 v15, v10  }
0x2aa: {  	s23 =	sor.u32 s9, s7;
	v60 =	vld [tilespmem:s22+$0x0];
	v6 =	vadd.f32 v6, v9;
	v5 =	vadd.f32 v5, v7  }
0x2ab: {  	s24 =	sor.u32 s9, s24;
	v61 =	vld [tilespmem:s23+$0x0];
	v1 =	vadd.f32 v1, v10;
	v2 =	vadd.f32 v2, v12  }
0x2ac: {  	v62 =	vld [tilespmem:s24+$0x0];
	v6 =	vadd.f32 v8, v6;
	v4 =	vadd.f32 v4, v5  }
0x2ad: {  	v1 =	vadd.f32 v17, v1;
	v2 =	vadd.f32 v16, v2  }
0x2ae: {  	v0 =	vadd.f32 v0, v6;
	v3 =	vadd.f32 v3, v4  }
0x2af: {  	v1 =	vadd.f32 v58, v1;
	v2 =	vadd.f32 v18, v2  }
0x2b0: {  	v0 =	vadd.f32 v59, v0;
	v3 =	vadd.f32 v61, v3  }
0x2b1: {  	v1 =	vadd.f32 v62, v1;
	v2 =	vadd.f32 v60, v2;
	_ =	sdelay $0x1  }
0x2b2: {  	s4 =	stileid.u32;
	v0 =	vadd.f32 v1, v0;
	v63 =	vadd.f32 v3, v2  }
0x2b3: {  	s25 =	sshrl.u32 s4, $0x1  }
0x2b4: {  	s0 =	smul.u32 $0x6000, s25;
	v0 =	vadd.f32 v63, v0  }
0x2b5: {  	s5 =	rddreg [dreg:$0x2];
	s28 =	sor.u32 s9, s21  }
0x2b6: {  	s29 =	simm.s32 $0x200;
	s26 =	sshll.u32 s4, $0x9;
	s0 =	sshrl.u32 s0, $0x2;
	v0 =	vmul.f32 $4.166666790e-02, v0  }
0x2b7: {  	s30 =	simm.s32 $0x400;
	s1 =	sand.u32 $0x200, s26;
	s0 =	sadd.s32 s0, s5  }
0x2b8: {  	s3 =	simm.s32 $0x12080;
	s31 =	simm.s32 $0x3;
	s0 =	sadd.s32 s1, s0;
	[tilespmem:s28+$0x180] =	vst v0  }
0x2b9: {  	[spmem:s0] =	stream.strided.scatter [tilespmem:s3], [sflag:$0x3], $0xC00, s30, s29, $0x38;
	[tilespmem:$0x13880] =	vst v63  }
0x2ba: {  	p0 =	sgt.u32 s4, $0x7;
	_ =	swait.ge [sflag:s31], $0xC00  }
0x2bb: {  	s1 =	smul.u32 @!p0 $0x1800, s4;
	[sflag:s31] =	ssyncset.done $0x0  }
0x2bc: {  	[sflag:s31] =	ssyncadd.s32 $0xFFFFF400  }
0x2bd: {  	s2 =	simm.s32 @!p0 $0x80;
	s0 =	sadd.s32 @!p0 s1, s5;
	[bflag:$0x0] =	sbarrier.arrive $0xFFFF  }
0x2be: {  	[tilespmem:s2], [sflag:$0x3] =	stream.linear.gather @!p0 [spmem:s0], $0x1800, $0x38;
	[tilespmem:$0x13880] =	vst v63  }
0x2bf: {  	s0 =	simm.s32 @!p0 $0x3  }
0x2c0: {  	_ =	swait.ge @!p0 [sflag:s0], $0x1800  }
0x2c1: {  	s1 =	sshrl.u32 @!p0 s1, $0x3;
	[sflag:s0] =	ssyncset.done @!p0 $0x0;
	s3 =	rddreg [dreg:$0x1f]  }
0x2c2: {  	s1 =	sadd.s32 @!p0 s3, s1;
	[sflag:s0] =	ssyncadd.s32 @!p0 $0xFFFFE800;
	s3 =	simm.s32 @!p0 $0x0  }
0x2c3: {  	[hbm4b:s1+s3] =	stream.linear.scatter @!p0 [tilespmem:s2], [sflag:$0x3], $0x1800, $0x38;
	[tilespmem:$0x13880] =	vst v63  }
0x2c4: {  	_ =	swait.ge @!p0 [sflag:s0], $0x1800  }
0x2c5: {  	[sflag:s0] =	ssyncset.done @!p0 $0x0  }
0x2c6: {  	[sflag:s0] =	ssyncadd.s32 @!p0 $0xFFFFE800  }
0x2c7: {  	_ =	sfence.sel $0x180000  }
0x2c8: {  	[bflag:$0x0] =	sbarrier.arrive $0xFFFF  }
0x2c9: {  	_ =	strace $0x90000047  }
0x2ca: {  	[bflag:$0x2] =	sbarrier.arrive $0xFFFF  }
0x2cb: {  	p0 =	sne.s32 s4, $0x0;
	s0 =	rddreg [dreg:$0x3]  }
0x2cc: {  	s0 =	sadd.s32 @!p0 $0x100000, s0  }
0x2cd: {  	[sflag:s0] =	ssyncadd.tile.s32 @!p0 $0x1;
	_ =	shalt  }
.Lfunc_end2:
_tile_overlayer_lowered:
.L_overlay_start_2:
0x2ce: {  	(tag) =	ssettag $0x2  }
0x2cf: {  	s0 =	rddreg [dreg:$0x0];
	s2 =	stileid.u32  }
0x2d0: {  	s1 =	rddreg [dreg:$0x1];
	p0 =	sne.s32 s2, $0x0  }
0x2d1: {  	s3 =	rddreg [dreg:$0x2];
	[bflag:$0x3] =	sbarrier.arrive $0xFFFF;
	s2 =	simm.s32 @!p0 $0x1C03  }
0x2d2: {  	[timem:s3], [sflag:s2] =	dma.local @!p0 [hbm:s0], s1  }
0x2d3: {  	s0 =	simm.s32 @!p0 $0x3  }
0x2d4: {  	_ =	swait.ge @!p0 [sflag:s0], s1  }
0x2d5: {  	s1 =	ssub.s32 @!p0 $0x0, s1;
	[sflag:s0] =	ssyncset.done @!p0 $0x0  }
0x2d6: {  	[sflag:s0] =	ssyncadd.s32 @!p0 s1  }
0x2d7: {  	[bflag:$0x3] =	sbarrier.arrive $0xFFFF  }
0x2d8: {  	_ =	shalt  }

</sc_bundles>
